<compile_context>
chip_gen: v7x
topology: tpu7x:2x2x1
jax: 0.10.2.dev20260603
libtpu: 0.0.44.dev20260713+nightly
codegen_flags: <defaults>
</compile_context>

<pallas_src>
import functools

import jax
import jax.numpy as jnp
from jax import lax
from jax.experimental import pallas as pl
from jax.experimental.pallas import tpu as pltpu
from jax.experimental.pallas import tpu_sc as plsc

NC = 2
NS = 16
NW = NC * NS
L = 16

D = 128
DW = D // 2
E = 320000
C = 128
N_CHUNKS = E // C
NBUF = 3


def _decode_body(z_hbm, ei_hbm, out_hbm, z_sp, idx_v, srcr, dstr, outb,
                 isem, gsem, osem):
    w = lax.axis_index("s") * NC + lax.axis_index("c")

    @pl.when(lax.axis_index("s") == 0)
    def _():
        pltpu.sync_copy(z_hbm, z_sp)
    plsc.subcore_barrier()
    n_w = jnp.where(w < N_CHUNKS - (N_CHUNKS // NW) * NW,
                    N_CHUNKS // NW + 1, N_CHUNKS // NW)

    def chunk_base(i):
        return (w + NW * i) * C

    def issue_idx(i, slot):
        pltpu.async_copy(ei_hbm.at[:, pl.ds(chunk_base(i), C)],
                         idx_v.at[slot], isem.at[slot])

    def issue_gathers(i, slot):
        pltpu.async_copy(z_sp.at[idx_v.at[slot, 0]], srcr.at[slot],
                         gsem.at[slot])
        pltpu.async_copy(z_sp.at[idx_v.at[slot, 1]], dstr.at[slot],
                         gsem.at[slot])

    def wait_idx(slot):
        pltpu.make_async_copy(ei_hbm.at[:, pl.ds(0, C)], idx_v.at[slot],
                              isem.at[slot]).wait()

    def wait_gathers(slot):
        pltpu.make_async_copy(z_sp.at[pl.ds(0, C)], srcr.at[slot],
                              gsem.at[slot]).wait()
        pltpu.make_async_copy(z_sp.at[pl.ds(0, C)], dstr.at[slot],
                              gsem.at[slot]).wait()

    def wait_out(slot):
        pltpu.make_async_copy(outb.at[slot], out_hbm.at[pl.ds(0, C)],
                              osem.at[slot]).wait()

    lanes = lax.iota(jnp.int32, L)
    stage_mask = [(lanes & (1 << b)) == 0 for b in range(4)]
    stage_idx_r = [(lanes - (1 << b)) & (L - 1) for b in range(4)]
    stage_idx_l = [(lanes + (1 << b)) & (L - 1) for b in range(4)]

    _gd = lax.GatherDimensionNumbers(offset_dims=(), collapsed_slice_dims=(0,),
                                     start_index_map=(0,))

    def rot(v, idx):
        return lax.gather(v, idx[:, None], _gd, slice_sizes=(1,),
                          mode=lax.GatherScatterMode.PROMISE_IN_BOUNDS)

    def compute(slot):
        def acc_edge(slot, e):
            acc_a = acc_b = None
            for j in range(DW // L):
                s = plsc.bitcast(srcr[slot, e, pl.ds(L * j, L)], jnp.bfloat16)
                t = plsc.bitcast(dstr[slot, e, pl.ds(L * j, L)], jnp.bfloat16)
                a, b = plsc.unpack(s * t, format=plsc.PackFormat.INTERLEAVED)
                acc_a = a if acc_a is None else acc_a + a
                acc_b = b if acc_b is None else acc_b + b
            return acc_a + acc_b

        def comb(b, a, bv):
            m, ir, il = stage_mask[b], stage_idx_r[b], stage_idx_l[b]
            return jnp.where(m, a, rot(bv, ir)) + jnp.where(m, rot(a, il), bv)

        def grp(g, _):
            quads = []
            for q in range(4):
                e = g * L + 4 * q
                d01 = comb(0, acc_edge(slot, e), acc_edge(slot, e + 1))
                d23 = comb(0, acc_edge(slot, e + 2), acc_edge(slot, e + 3))
                quads.append(comb(1, d01, d23))
            res = comb(3, comb(2, quads[0], quads[1]),
                       comb(2, quads[2], quads[3]))
            outb[slot, pl.ds(g * L, L)] = 1.0 / (1.0 + jnp.exp(-res))
            return 0

        lax.fori_loop(0, C // L, grp, 0, unroll=False)

    for j in range(NBUF):
        issue_idx(j, j)
    for j in range(NBUF - 1):
        wait_idx(j)
        issue_gathers(j, j)

    def chunk_body(i, _):
        slot = lax.rem(i, NBUF)
        wait_gathers(slot)

        @pl.when(i + NBUF < n_w)
        def _():
            issue_idx(i + NBUF, slot)

        @pl.when(i + NBUF - 1 < n_w)
        def _():
            nslot = lax.rem(i + NBUF - 1, NBUF)
            wait_idx(nslot)
            issue_gathers(i + NBUF - 1, nslot)

        @pl.when(i >= NBUF)
        def _():
            wait_out(slot)

        compute(slot)
        pltpu.async_copy(outb.at[slot], out_hbm.at[pl.ds(chunk_base(i), C)],
                         osem.at[slot])
        return 0

    lax.fori_loop(0, n_w, chunk_body, 0, unroll=False)
    for j in range(1, NBUF + 1):
        wait_out(lax.rem(n_w - j, NBUF))


@jax.jit
def _decode(z, edge_index):
    mesh = plsc.VectorSubcoreMesh(core_axis_name="c", subcore_axis_name="s",
                                  num_cores=NC, num_subcores=NS)
    return pl.kernel(
        _decode_body,
        out_type=jax.ShapeDtypeStruct((E,), jnp.float32),
        mesh=mesh,
        scratch_types=[
            pltpu.VMEM_SHARED((10000, DW), jnp.int32),
            pltpu.VMEM((NBUF, 2, C), jnp.int32),
            pltpu.VMEM((NBUF, C, DW), jnp.int32),
            pltpu.VMEM((NBUF, C, DW), jnp.int32),
            pltpu.VMEM((NBUF, C), jnp.float32),
            pltpu.SemaphoreType.DMA((NBUF,)),
            pltpu.SemaphoreType.DMA((NBUF,)),
            pltpu.SemaphoreType.DMA((NBUF,)),
        ],
        compiler_params=pltpu.CompilerParams(needs_layout_passes=False,
                                             use_tc_tiling_on_sc=False),
    )(z, edge_index)


def kernel(z, edge_index):
    zi = lax.bitcast_convert_type(
        z.astype(jnp.bfloat16).reshape(z.shape[0], DW, 2), jnp.int32)
    return _decode(zi, edge_index.astype(jnp.int32))

# --- scband reference (transcript-rebuilt; emitter-appended) ---
"""Pipeline reference for scband-inner-product-decoder-28458453303312 (READ-ONLY COPY).

The authoritative reference and input builder live on the scoring server;
editing this copy changes nothing except your own understanding.
"""

import jax, jax.numpy as jnp
import numpy as np

def setup_inputs(seed: int = 0) -> dict:
    key = jax.random.key(seed)
    k1, k2 = jax.random.split(key)
    z = jax.random.normal(k1, (10000, 128), dtype=jnp.float32)
    edge_index = jax.random.randint(k2, (2, 320000), 0, 10000, dtype=jnp.int64 if jax.config.jax_enable_x64 else jnp.int32)
    return {"z": z, "edge_index": edge_index}

def reference(z, edge_index):
    src = jnp.take(z, edge_index[0], axis=0)
    dst = jnp.take(z, edge_index[1], axis=0)
    value = jnp.sum(src * dst, axis=-1)
    return jax.nn.sigmoid(value)

if __name__ == "__main__":
    import jax
    _d = setup_inputs()
    print(jax.jit(kernel)(*tuple(_d.values())))

</pallas_src>

<mosaic_0001>
#map = affine_map<(d0, d1) -> (0, 0)>
#map1 = affine_map<(d0, d1) -> (0)>
module attributes {stable_mosaic.version = 14 : i64} {
  func.func @_decode_body(%arg0: i32, %arg1: i32, %arg2: memref<10000x64xi32, #tpu.memory_space<hbm>>, %arg3: memref<2x320000xi32, #tpu.memory_space<hbm>>, %arg4: memref<320000xf32, #tpu.memory_space<hbm>>, %arg5: memref<10000x64xi32, #tpu.memory_space<vmem_shared>>, %arg6: memref<3x2x128xi32, #tpu.memory_space<vmem>>, %arg7: memref<3x128x64xi32, #tpu.memory_space<vmem>>, %arg8: memref<3x128x64xi32, #tpu.memory_space<vmem>>, %arg9: memref<3x128xf32, #tpu.memory_space<vmem>>, %arg10: memref<3x!tpu.dma_semaphore, #tpu.memory_space<semaphore_mem>>, %arg11: memref<3x!tpu.dma_semaphore, #tpu.memory_space<semaphore_mem>>, %arg12: memref<3x!tpu.dma_semaphore, #tpu.memory_space<semaphore_mem>>) attributes {dimension_semantics = [#tpu.dimension_semantics<core_parallel>, #tpu.dimension_semantics<subcore_parallel>], iteration_bounds = array<i64: 2, 16>, scalar_prefetch = 0 : i64, scratch_operands = 8 : i64, tpu.core_type = #tpu.core_type<sc_vector_subcore>, window_params = [{transform_indices = #map}, {transform_indices = #map}, {transform_indices = #map1}]} {
    %mul3A = arith.constant 2 : i32
    %mul3A_0 = arith.muli %arg1, %mul3A : i32
    %add3A = arith.addi %mul3A_0, %arg0 : i32
    %eq3A = arith.constant 0 : i32
    %eq3A_1 = arith.cmpi eq, %arg1, %eq3A : i32
    %convert_element_type3A = arith.extui %eq3A_1 : i1 to i32
    %cond3A = arith.constant 0 : i32
    %cond3A_2 = arith.cmpi ne, %convert_element_type3A, %cond3A : i32
    scf.if %cond3A_2 {
      "tpu.region"() ({
        %run_scoped3A = tpu.sem_alloc : memref<!tpu.dma_semaphore, #tpu.memory_space<semaphore_mem>>
        tpu.enqueue_dma source(%arg2 : memref<10000x64xi32, #tpu.memory_space<hbm>>) target(%arg5 : memref<10000x64xi32, #tpu.memory_space<vmem_shared>>) target_semaphore(%run_scoped3A : memref<!tpu.dma_semaphore, #tpu.memory_space<semaphore_mem>>)
        tpu.wait_dma2 semaphore(%run_scoped3A : memref<!tpu.dma_semaphore, #tpu.memory_space<semaphore_mem>>) src(%arg2 : memref<10000x64xi32, #tpu.memory_space<hbm>>) dst(%arg5 : memref<10000x64xi32, #tpu.memory_space<vmem_shared>>)
        tpu.yield
      }) : () -> ()
    } else {
    }
    %barrier3A = arith.constant 0 : index
    tpu.barrier barrier_id(%barrier3A)
    %lt3A = arith.constant 4 : i32
    %lt3A_3 = arith.cmpi slt, %add3A, %lt3A : i32
    %jit3A = arith.constant 79 : i32
    %jit3A_4 = arith.constant 78 : i32
    %select_n3A = arith.select %lt3A_3, %jit3A, %jit3A_4 : i32
    %iota3A = tpu.iota {dimensions = array<i32: 0>} : vector<16xi32>
    %and3A = arith.constant 1 : i32
    %and3A_5 = vector.broadcast %and3A : i32 to vector<16xi32>
    %and3A_6 = arith.andi %iota3A, %and3A_5 : vector<16xi32>
    %eq3A_7 = arith.constant 0 : i32
    %eq3A_8 = vector.broadcast %eq3A_7 : i32 to vector<16xi32>
    %eq3A_9 = arith.cmpi eq, %and3A_6, %eq3A_8 : vector<16xi32>
    %and3A_10 = arith.constant 2 : i32
    %and3A_11 = vector.broadcast %and3A_10 : i32 to vector<16xi32>
    %and3A_12 = arith.andi %iota3A, %and3A_11 : vector<16xi32>
    %eq3A_13 = arith.constant 0 : i32
    %eq3A_14 = vector.broadcast %eq3A_13 : i32 to vector<16xi32>
    %eq3A_15 = arith.cmpi eq, %and3A_12, %eq3A_14 : vector<16xi32>
    %and3A_16 = arith.constant 4 : i32
    %and3A_17 = vector.broadcast %and3A_16 : i32 to vector<16xi32>
    %and3A_18 = arith.andi %iota3A, %and3A_17 : vector<16xi32>
    %eq3A_19 = arith.constant 0 : i32
    %eq3A_20 = vector.broadcast %eq3A_19 : i32 to vector<16xi32>
    %eq3A_21 = arith.cmpi eq, %and3A_18, %eq3A_20 : vector<16xi32>
    %and3A_22 = arith.constant 8 : i32
    %and3A_23 = vector.broadcast %and3A_22 : i32 to vector<16xi32>
    %and3A_24 = arith.andi %iota3A, %and3A_23 : vector<16xi32>
    %eq3A_25 = arith.constant 0 : i32
    %eq3A_26 = vector.broadcast %eq3A_25 : i32 to vector<16xi32>
    %eq3A_27 = arith.cmpi eq, %and3A_24, %eq3A_26 : vector<16xi32>
    %sub3A = arith.constant 1 : i32
    %sub3A_28 = vector.broadcast %sub3A : i32 to vector<16xi32>
    %sub3A_29 = arith.subi %iota3A, %sub3A_28 : vector<16xi32>
    %and3A_30 = arith.constant 15 : i32
    %and3A_31 = vector.broadcast %and3A_30 : i32 to vector<16xi32>
    %and3A_32 = arith.andi %sub3A_29, %and3A_31 : vector<16xi32>
    %sub3A_33 = arith.constant 2 : i32
    %sub3A_34 = vector.broadcast %sub3A_33 : i32 to vector<16xi32>
    %sub3A_35 = arith.subi %iota3A, %sub3A_34 : vector<16xi32>
    %and3A_36 = arith.constant 15 : i32
    %and3A_37 = vector.broadcast %and3A_36 : i32 to vector<16xi32>
    %and3A_38 = arith.andi %sub3A_35, %and3A_37 : vector<16xi32>
    %sub3A_39 = arith.constant 4 : i32
    %sub3A_40 = vector.broadcast %sub3A_39 : i32 to vector<16xi32>
    %sub3A_41 = arith.subi %iota3A, %sub3A_40 : vector<16xi32>
    %and3A_42 = arith.constant 15 : i32
    %and3A_43 = vector.broadcast %and3A_42 : i32 to vector<16xi32>
    %and3A_44 = arith.andi %sub3A_41, %and3A_43 : vector<16xi32>
    %sub3A_45 = arith.constant 8 : i32
    %sub3A_46 = vector.broadcast %sub3A_45 : i32 to vector<16xi32>
    %sub3A_47 = arith.subi %iota3A, %sub3A_46 : vector<16xi32>
    %and3A_48 = arith.constant 15 : i32
    %and3A_49 = vector.broadcast %and3A_48 : i32 to vector<16xi32>
    %and3A_50 = arith.andi %sub3A_47, %and3A_49 : vector<16xi32>
    %add3A_51 = arith.constant 1 : i32
    %add3A_52 = vector.broadcast %add3A_51 : i32 to vector<16xi32>
    %add3A_53 = arith.addi %iota3A, %add3A_52 : vector<16xi32>
    %and3A_54 = arith.constant 15 : i32
    %and3A_55 = vector.broadcast %and3A_54 : i32 to vector<16xi32>
    %and3A_56 = arith.andi %add3A_53, %and3A_55 : vector<16xi32>
    %add3A_57 = arith.constant 2 : i32
    %add3A_58 = vector.broadcast %add3A_57 : i32 to vector<16xi32>
    %add3A_59 = arith.addi %iota3A, %add3A_58 : vector<16xi32>
    %and3A_60 = arith.constant 15 : i32
    %and3A_61 = vector.broadcast %and3A_60 : i32 to vector<16xi32>
    %and3A_62 = arith.andi %add3A_59, %and3A_61 : vector<16xi32>
    %add3A_63 = arith.constant 4 : i32
    %add3A_64 = vector.broadcast %add3A_63 : i32 to vector<16xi32>
    %add3A_65 = arith.addi %iota3A, %add3A_64 : vector<16xi32>
    %and3A_66 = arith.constant 15 : i32
    %and3A_67 = vector.broadcast %and3A_66 : i32 to vector<16xi32>
    %and3A_68 = arith.andi %add3A_65, %and3A_67 : vector<16xi32>
    %add3A_69 = arith.constant 8 : i32
    %add3A_70 = vector.broadcast %add3A_69 : i32 to vector<16xi32>
    %add3A_71 = arith.addi %iota3A, %add3A_70 : vector<16xi32>
    %and3A_72 = arith.constant 15 : i32
    %and3A_73 = vector.broadcast %and3A_72 : i32 to vector<16xi32>
    %and3A_74 = arith.andi %add3A_71, %and3A_73 : vector<16xi32>
    %add3A_75 = arith.constant 0 : i32
    %add3A_76 = arith.addi %add3A, %add3A_75 : i32
    %mul3A_77 = arith.constant 128 : i32
    %mul3A_78 = arith.muli %add3A_76, %mul3A_77 : i32
    %dma_start3A = arith.constant 0 : i32
    %dma_start3A_79 = arith.constant 0 : i32
    %dma_start3A_80 = arith.constant 0 : i32
    %dma_start3A_81 = arith.constant 0 : i32
    %dma_start3A_82 = tpu.memref_slice %arg6[%dma_start3A, %dma_start3A_80, %dma_start3A_81] : memref<3x2x128xi32, #tpu.memory_space<vmem>> -> memref<1x2x128xi32, #tpu.memory_space<vmem>>
    %dma_start3A_83 = tpu.memref_squeeze %dma_start3A_82 : memref<1x2x128xi32, #tpu.memory_space<vmem>> -> memref<2x128xi32, #tpu.memory_space<vmem>>
    %dma_start3A_84 = arith.constant 0 : i32
    %dma_start3A_85 = tpu.memref_slice %arg3[%dma_start3A_84, %mul3A_78] : memref<2x320000xi32, #tpu.memory_space<hbm>> -> memref<2x128xi32, #tpu.memory_space<hbm>>
    %dma_start3A_86 = tpu.memref_slice %arg10[%dma_start3A_79] : memref<3x!tpu.dma_semaphore, #tpu.memory_space<semaphore_mem>> -> memref<1x!tpu.dma_semaphore, #tpu.memory_space<semaphore_mem>>
    %dma_start3A_87 = tpu.memref_squeeze %dma_start3A_86 : memref<1x!tpu.dma_semaphore, #tpu.memory_space<semaphore_mem>> -> memref<!tpu.dma_semaphore, #tpu.memory_space<semaphore_mem>>
    %dma_start3A_88 = arith.constant 0 : i32
    %dma_start3A_89 = arith.constant 0 : i32
    %dma_start3A_90 = tpu.memref_slice %arg6[%dma_start3A, %dma_start3A_88, %dma_start3A_89] : memref<3x2x128xi32, #tpu.memory_space<vmem>> -> memref<1x2x128xi32, #tpu.memory_space<vmem>>
    %dma_start3A_91 = tpu.memref_squeeze %dma_start3A_90 : memref<1x2x128xi32, #tpu.memory_space<vmem>> -> memref<2x128xi32, #tpu.memory_space<vmem>>
    %dma_start3A_92 = arith.constant 0 : i32
    %dma_start3A_93 = tpu.memref_slice %arg3[%dma_start3A_92, %mul3A_78] : memref<2x320000xi32, #tpu.memory_space<hbm>> -> memref<2x128xi32, #tpu.memory_space<hbm>>
    tpu.enqueue_dma source(%dma_start3A_93 : memref<2x128xi32, #tpu.memory_space<hbm>>) target(%dma_start3A_91 : memref<2x128xi32, #tpu.memory_space<vmem>>) target_semaphore(%dma_start3A_87 : memref<!tpu.dma_semaphore, #tpu.memory_space<semaphore_mem>>)
    %add3A_94 = arith.constant 32 : i32
    %add3A_95 = arith.addi %add3A, %add3A_94 : i32
    %mul3A_96 = arith.constant 128 : i32
    %mul3A_97 = arith.muli %add3A_95, %mul3A_96 : i32
    %dma_start3A_98 = arith.constant 1 : i32
    %dma_start3A_99 = arith.constant 1 : i32
    %dma_start3A_100 = arith.constant 0 : i32
    %dma_start3A_101 = arith.constant 0 : i32
    %dma_start3A_102 = tpu.memref_slice %arg6[%dma_start3A_98, %dma_start3A_100, %dma_start3A_101] : memref<3x2x128xi32, #tpu.memory_space<vmem>> -> memref<1x2x128xi32, #tpu.memory_space<vmem>>
    %dma_start3A_103 = tpu.memref_squeeze %dma_start3A_102 : memref<1x2x128xi32, #tpu.memory_space<vmem>> -> memref<2x128xi32, #tpu.memory_space<vmem>>
    %dma_start3A_104 = arith.constant 0 : i32
    %dma_start3A_105 = tpu.memref_slice %arg3[%dma_start3A_104, %mul3A_97] : memref<2x320000xi32, #tpu.memory_space<hbm>> -> memref<2x128xi32, #tpu.memory_space<hbm>>
    %dma_start3A_106 = tpu.memref_slice %arg10[%dma_start3A_99] : memref<3x!tpu.dma_semaphore, #tpu.memory_space<semaphore_mem>> -> memref<1x!tpu.dma_semaphore, #tpu.memory_space<semaphore_mem>>
    %dma_start3A_107 = tpu.memref_squeeze %dma_start3A_106 : memref<1x!tpu.dma_semaphore, #tpu.memory_space<semaphore_mem>> -> memref<!tpu.dma_semaphore, #tpu.memory_space<semaphore_mem>>
    %dma_start3A_108 = arith.constant 0 : i32
    %dma_start3A_109 = arith.constant 0 : i32
    %dma_start3A_110 = tpu.memref_slice %arg6[%dma_start3A_98, %dma_start3A_108, %dma_start3A_109] : memref<3x2x128xi32, #tpu.memory_space<vmem>> -> memref<1x2x128xi32, #tpu.memory_space<vmem>>
    %dma_start3A_111 = tpu.memref_squeeze %dma_start3A_110 : memref<1x2x128xi32, #tpu.memory_space<vmem>> -> memref<2x128xi32, #tpu.memory_space<vmem>>
    %dma_start3A_112 = arith.constant 0 : i32
    %dma_start3A_113 = tpu.memref_slice %arg3[%dma_start3A_112, %mul3A_97] : memref<2x320000xi32, #tpu.memory_space<hbm>> -> memref<2x128xi32, #tpu.memory_space<hbm>>
    tpu.enqueue_dma source(%dma_start3A_113 : memref<2x128xi32, #tpu.memory_space<hbm>>) target(%dma_start3A_111 : memref<2x128xi32, #tpu.memory_space<vmem>>) target_semaphore(%dma_start3A_107 : memref<!tpu.dma_semaphore, #tpu.memory_space<semaphore_mem>>)
    %add3A_114 = arith.constant 64 : i32
    %add3A_115 = arith.addi %add3A, %add3A_114 : i32
    %mul3A_116 = arith.constant 128 : i32
    %mul3A_117 = arith.muli %add3A_115, %mul3A_116 : i32
    %dma_start3A_118 = arith.constant 2 : i32
    %dma_start3A_119 = arith.constant 2 : i32
    %dma_start3A_120 = arith.constant 0 : i32
    %dma_start3A_121 = arith.constant 0 : i32
    %dma_start3A_122 = tpu.memref_slice %arg6[%dma_start3A_118, %dma_start3A_120, %dma_start3A_121] : memref<3x2x128xi32, #tpu.memory_space<vmem>> -> memref<1x2x128xi32, #tpu.memory_space<vmem>>
    %dma_start3A_123 = tpu.memref_squeeze %dma_start3A_122 : memref<1x2x128xi32, #tpu.memory_space<vmem>> -> memref<2x128xi32, #tpu.memory_space<vmem>>
    %dma_start3A_124 = arith.constant 0 : i32
    %dma_start3A_125 = tpu.memref_slice %arg3[%dma_start3A_124, %mul3A_117] : memref<2x320000xi32, #tpu.memory_space<hbm>> -> memref<2x128xi32, #tpu.memory_space<hbm>>
    %dma_start3A_126 = tpu.memref_slice %arg10[%dma_start3A_119] : memref<3x!tpu.dma_semaphore, #tpu.memory_space<semaphore_mem>> -> memref<1x!tpu.dma_semaphore, #tpu.memory_space<semaphore_mem>>
    %dma_start3A_127 = tpu.memref_squeeze %dma_start3A_126 : memref<1x!tpu.dma_semaphore, #tpu.memory_space<semaphore_mem>> -> memref<!tpu.dma_semaphore, #tpu.memory_space<semaphore_mem>>
    %dma_start3A_128 = arith.constant 0 : i32
    %dma_start3A_129 = arith.constant 0 : i32
    %dma_start3A_130 = tpu.memref_slice %arg6[%dma_start3A_118, %dma_start3A_128, %dma_start3A_129] : memref<3x2x128xi32, #tpu.memory_space<vmem>> -> memref<1x2x128xi32, #tpu.memory_space<vmem>>
    %dma_start3A_131 = tpu.memref_squeeze %dma_start3A_130 : memref<1x2x128xi32, #tpu.memory_space<vmem>> -> memref<2x128xi32, #tpu.memory_space<vmem>>
    %dma_start3A_132 = arith.constant 0 : i32
    %dma_start3A_133 = tpu.memref_slice %arg3[%dma_start3A_132, %mul3A_117] : memref<2x320000xi32, #tpu.memory_space<hbm>> -> memref<2x128xi32, #tpu.memory_space<hbm>>
    tpu.enqueue_dma source(%dma_start3A_133 : memref<2x128xi32, #tpu.memory_space<hbm>>) target(%dma_start3A_131 : memref<2x128xi32, #tpu.memory_space<vmem>>) target_semaphore(%dma_start3A_127 : memref<!tpu.dma_semaphore, #tpu.memory_space<semaphore_mem>>)
    %dma_wait3A = arith.constant 0 : i32
    %dma_wait3A_134 = arith.constant 0 : i32
    %dma_wait3A_135 = arith.constant 0 : i32
    %dma_wait3A_136 = arith.constant 0 : i32
    %dma_wait3A_137 = tpu.memref_slice %arg6[%dma_wait3A, %dma_wait3A_135, %dma_wait3A_136] : memref<3x2x128xi32, #tpu.memory_space<vmem>> -> memref<1x2x128xi32, #tpu.memory_space<vmem>>
    %dma_wait3A_138 = tpu.memref_squeeze %dma_wait3A_137 : memref<1x2x128xi32, #tpu.memory_space<vmem>> -> memref<2x128xi32, #tpu.memory_space<vmem>>
    %dma_wait3A_139 = arith.constant 0 : i32
    %dma_wait3A_140 = arith.constant 0 : i32
    %dma_wait3A_141 = tpu.memref_slice %arg3[%dma_wait3A_139, %dma_wait3A_140] : memref<2x320000xi32, #tpu.memory_space<hbm>> -> memref<2x128xi32, #tpu.memory_space<hbm>>
    %dma_wait3A_142 = tpu.memref_slice %arg10[%dma_wait3A_134] : memref<3x!tpu.dma_semaphore, #tpu.memory_space<semaphore_mem>> -> memref<1x!tpu.dma_semaphore, #tpu.memory_space<semaphore_mem>>
    %dma_wait3A_143 = tpu.memref_squeeze %dma_wait3A_142 : memref<1x!tpu.dma_semaphore, #tpu.memory_space<semaphore_mem>> -> memref<!tpu.dma_semaphore, #tpu.memory_space<semaphore_mem>>
    %dma_wait3A_144 = arith.constant 0 : i32
    %dma_wait3A_145 = arith.constant 0 : i32
    %dma_wait3A_146 = tpu.memref_slice %arg6[%dma_wait3A, %dma_wait3A_144, %dma_wait3A_145] : memref<3x2x128xi32, #tpu.memory_space<vmem>> -> memref<1x2x128xi32, #tpu.memory_space<vmem>>
    %dma_wait3A_147 = tpu.memref_squeeze %dma_wait3A_146 : memref<1x2x128xi32, #tpu.memory_space<vmem>> -> memref<2x128xi32, #tpu.memory_space<vmem>>
    %dma_wait3A_148 = arith.constant 0 : i32
    %dma_wait3A_149 = arith.constant 0 : i32
    %dma_wait3A_150 = tpu.memref_slice %arg3[%dma_wait3A_148, %dma_wait3A_149] : memref<2x320000xi32, #tpu.memory_space<hbm>> -> memref<2x128xi32, #tpu.memory_space<hbm>>
    tpu.wait_dma2 semaphore(%dma_wait3A_143 : memref<!tpu.dma_semaphore, #tpu.memory_space<semaphore_mem>>) src(%dma_wait3A_150 : memref<2x128xi32, #tpu.memory_space<hbm>>) dst(%dma_wait3A_147 : memref<2x128xi32, #tpu.memory_space<vmem>>)
    %dma_start3A_151 = arith.constant 0 : i32
    %dma_start3A_152 = arith.constant 0 : i32
    %dma_start3A_153 = arith.constant 0 : i32
    %dma_start3A_154 = arith.constant 0 : i32
    %dma_start3A_155 = arith.constant 0 : i32
    %dma_start3A_156 = arith.constant 0 : i32
    %dma_start3A_157 = tpu.memref_slice %arg7[%dma_start3A_153, %dma_start3A_155, %dma_start3A_156] : memref<3x128x64xi32, #tpu.memory_space<vmem>> -> memref<1x128x64xi32, #tpu.memory_space<vmem>>
    %dma_start3A_158 = tpu.memref_squeeze %dma_start3A_157 : memref<1x128x64xi32, #tpu.memory_space<vmem>> -> memref<128x64xi32, #tpu.memory_space<vmem>>
    %dma_start3A_159 = arith.constant 0 : i32
    %dma_start3A_160 = tpu.memref_slice %arg6[%dma_start3A_151, %dma_start3A_152, %dma_start3A_159] : memref<3x2x128xi32, #tpu.memory_space<vmem>> -> memref<1x1x128xi32, #tpu.memory_space<vmem>>
    %dma_start3A_161 = tpu.memref_squeeze %dma_start3A_160 : memref<1x1x128xi32, #tpu.memory_space<vmem>> -> memref<128xi32, #tpu.memory_space<vmem>>
    %dma_start3A_162 = arith.constant 0 : i32
    %dma_start3A_163 = arith.constant 0 : i32
    %dma_start3A_164 = tpu.memref_slice %arg5[%dma_start3A_162, %dma_start3A_163] : memref<10000x64xi32, #tpu.memory_space<vmem_shared>> -> memref<10000x64xi32, #tpu.memory_space<vmem_shared>>
    %dma_start3A_165 = tpu.memref_slice %arg11[%dma_start3A_154] : memref<3x!tpu.dma_semaphore, #tpu.memory_space<semaphore_mem>> -> memref<1x!tpu.dma_semaphore, #tpu.memory_space<semaphore_mem>>
    %dma_start3A_166 = tpu.memref_squeeze %dma_start3A_165 : memref<1x!tpu.dma_semaphore, #tpu.memory_space<semaphore_mem>> -> memref<!tpu.dma_semaphore, #tpu.memory_space<semaphore_mem>>
    tpu.enqueue_indirect_dma source(%dma_start3A_164 : memref<10000x64xi32, #tpu.memory_space<vmem_shared>>) target(%dma_start3A_158 : memref<128x64xi32, #tpu.memory_space<vmem>>) offsets(%dma_start3A_161 : memref<128xi32, #tpu.memory_space<vmem>>) semaphore(%dma_start3A_166 : memref<!tpu.dma_semaphore, #tpu.memory_space<semaphore_mem>>)
    %dma_start3A_167 = arith.constant 0 : i32
    %dma_start3A_168 = arith.constant 1 : i32
    %dma_start3A_169 = arith.constant 0 : i32
    %dma_start3A_170 = arith.constant 0 : i32
    %dma_start3A_171 = arith.constant 0 : i32
    %dma_start3A_172 = arith.constant 0 : i32
    %dma_start3A_173 = tpu.memref_slice %arg8[%dma_start3A_169, %dma_start3A_171, %dma_start3A_172] : memref<3x128x64xi32, #tpu.memory_space<vmem>> -> memref<1x128x64xi32, #tpu.memory_space<vmem>>
    %dma_start3A_174 = tpu.memref_squeeze %dma_start3A_173 : memref<1x128x64xi32, #tpu.memory_space<vmem>> -> memref<128x64xi32, #tpu.memory_space<vmem>>
    %dma_start3A_175 = arith.constant 0 : i32
    %dma_start3A_176 = tpu.memref_slice %arg6[%dma_start3A_167, %dma_start3A_168, %dma_start3A_175] : memref<3x2x128xi32, #tpu.memory_space<vmem>> -> memref<1x1x128xi32, #tpu.memory_space<vmem>>
    %dma_start3A_177 = tpu.memref_squeeze %dma_start3A_176 : memref<1x1x128xi32, #tpu.memory_space<vmem>> -> memref<128xi32, #tpu.memory_space<vmem>>
    %dma_start3A_178 = arith.constant 0 : i32
    %dma_start3A_179 = arith.constant 0 : i32
    %dma_start3A_180 = tpu.memref_slice %arg5[%dma_start3A_178, %dma_start3A_179] : memref<10000x64xi32, #tpu.memory_space<vmem_shared>> -> memref<10000x64xi32, #tpu.memory_space<vmem_shared>>
    %dma_start3A_181 = tpu.memref_slice %arg11[%dma_start3A_170] : memref<3x!tpu.dma_semaphore, #tpu.memory_space<semaphore_mem>> -> memref<1x!tpu.dma_semaphore, #tpu.memory_space<semaphore_mem>>
    %dma_start3A_182 = tpu.memref_squeeze %dma_start3A_181 : memref<1x!tpu.dma_semaphore, #tpu.memory_space<semaphore_mem>> -> memref<!tpu.dma_semaphore, #tpu.memory_space<semaphore_mem>>
    tpu.enqueue_indirect_dma source(%dma_start3A_180 : memref<10000x64xi32, #tpu.memory_space<vmem_shared>>) target(%dma_start3A_174 : memref<128x64xi32, #tpu.memory_space<vmem>>) offsets(%dma_start3A_177 : memref<128xi32, #tpu.memory_space<vmem>>) semaphore(%dma_start3A_182 : memref<!tpu.dma_semaphore, #tpu.memory_space<semaphore_mem>>)
    %dma_wait3A_183 = arith.constant 1 : i32
    %dma_wait3A_184 = arith.constant 1 : i32
    %dma_wait3A_185 = arith.constant 0 : i32
    %dma_wait3A_186 = arith.constant 0 : i32
    %dma_wait3A_187 = tpu.memref_slice %arg6[%dma_wait3A_183, %dma_wait3A_185, %dma_wait3A_186] : memref<3x2x128xi32, #tpu.memory_space<vmem>> -> memref<1x2x128xi32, #tpu.memory_space<vmem>>
    %dma_wait3A_188 = tpu.memref_squeeze %dma_wait3A_187 : memref<1x2x128xi32, #tpu.memory_space<vmem>> -> memref<2x128xi32, #tpu.memory_space<vmem>>
    %dma_wait3A_189 = arith.constant 0 : i32
    %dma_wait3A_190 = arith.constant 0 : i32
    %dma_wait3A_191 = tpu.memref_slice %arg3[%dma_wait3A_189, %dma_wait3A_190] : memref<2x320000xi32, #tpu.memory_space<hbm>> -> memref<2x128xi32, #tpu.memory_space<hbm>>
    %dma_wait3A_192 = tpu.memref_slice %arg10[%dma_wait3A_184] : memref<3x!tpu.dma_semaphore, #tpu.memory_space<semaphore_mem>> -> memref<1x!tpu.dma_semaphore, #tpu.memory_space<semaphore_mem>>
    %dma_wait3A_193 = tpu.memref_squeeze %dma_wait3A_192 : memref<1x!tpu.dma_semaphore, #tpu.memory_space<semaphore_mem>> -> memref<!tpu.dma_semaphore, #tpu.memory_space<semaphore_mem>>
    %dma_wait3A_194 = arith.constant 0 : i32
    %dma_wait3A_195 = arith.constant 0 : i32
    %dma_wait3A_196 = tpu.memref_slice %arg6[%dma_wait3A_183, %dma_wait3A_194, %dma_wait3A_195] : memref<3x2x128xi32, #tpu.memory_space<vmem>> -> memref<1x2x128xi32, #tpu.memory_space<vmem>>
    %dma_wait3A_197 = tpu.memref_squeeze %dma_wait3A_196 : memref<1x2x128xi32, #tpu.memory_space<vmem>> -> memref<2x128xi32, #tpu.memory_space<vmem>>
    %dma_wait3A_198 = arith.constant 0 : i32
    %dma_wait3A_199 = arith.constant 0 : i32
    %dma_wait3A_200 = tpu.memref_slice %arg3[%dma_wait3A_198, %dma_wait3A_199] : memref<2x320000xi32, #tpu.memory_space<hbm>> -> memref<2x128xi32, #tpu.memory_space<hbm>>
    tpu.wait_dma2 semaphore(%dma_wait3A_193 : memref<!tpu.dma_semaphore, #tpu.memory_space<semaphore_mem>>) src(%dma_wait3A_200 : memref<2x128xi32, #tpu.memory_space<hbm>>) dst(%dma_wait3A_197 : memref<2x128xi32, #tpu.memory_space<vmem>>)
    %dma_start3A_201 = arith.constant 1 : i32
    %dma_start3A_202 = arith.constant 0 : i32
    %dma_start3A_203 = arith.constant 1 : i32
    %dma_start3A_204 = arith.constant 1 : i32
    %dma_start3A_205 = arith.constant 0 : i32
    %dma_start3A_206 = arith.constant 0 : i32
    %dma_start3A_207 = tpu.memref_slice %arg7[%dma_start3A_203, %dma_start3A_205, %dma_start3A_206] : memref<3x128x64xi32, #tpu.memory_space<vmem>> -> memref<1x128x64xi32, #tpu.memory_space<vmem>>
    %dma_start3A_208 = tpu.memref_squeeze %dma_start3A_207 : memref<1x128x64xi32, #tpu.memory_space<vmem>> -> memref<128x64xi32, #tpu.memory_space<vmem>>
    %dma_start3A_209 = arith.constant 0 : i32
    %dma_start3A_210 = tpu.memref_slice %arg6[%dma_start3A_201, %dma_start3A_202, %dma_start3A_209] : memref<3x2x128xi32, #tpu.memory_space<vmem>> -> memref<1x1x128xi32, #tpu.memory_space<vmem>>
    %dma_start3A_211 = tpu.memref_squeeze %dma_start3A_210 : memref<1x1x128xi32, #tpu.memory_space<vmem>> -> memref<128xi32, #tpu.memory_space<vmem>>
    %dma_start3A_212 = arith.constant 0 : i32
    %dma_start3A_213 = arith.constant 0 : i32
    %dma_start3A_214 = tpu.memref_slice %arg5[%dma_start3A_212, %dma_start3A_213] : memref<10000x64xi32, #tpu.memory_space<vmem_shared>> -> memref<10000x64xi32, #tpu.memory_space<vmem_shared>>
    %dma_start3A_215 = tpu.memref_slice %arg11[%dma_start3A_204] : memref<3x!tpu.dma_semaphore, #tpu.memory_space<semaphore_mem>> -> memref<1x!tpu.dma_semaphore, #tpu.memory_space<semaphore_mem>>
    %dma_start3A_216 = tpu.memref_squeeze %dma_start3A_215 : memref<1x!tpu.dma_semaphore, #tpu.memory_space<semaphore_mem>> -> memref<!tpu.dma_semaphore, #tpu.memory_space<semaphore_mem>>
    tpu.enqueue_indirect_dma source(%dma_start3A_214 : memref<10000x64xi32, #tpu.memory_space<vmem_shared>>) target(%dma_start3A_208 : memref<128x64xi32, #tpu.memory_space<vmem>>) offsets(%dma_start3A_211 : memref<128xi32, #tpu.memory_space<vmem>>) semaphore(%dma_start3A_216 : memref<!tpu.dma_semaphore, #tpu.memory_space<semaphore_mem>>)
    %dma_start3A_217 = arith.constant 1 : i32
    %dma_start3A_218 = arith.constant 1 : i32
    %dma_start3A_219 = arith.constant 1 : i32
    %dma_start3A_220 = arith.constant 1 : i32
    %dma_start3A_221 = arith.constant 0 : i32
    %dma_start3A_222 = arith.constant 0 : i32
    %dma_start3A_223 = tpu.memref_slice %arg8[%dma_start3A_219, %dma_start3A_221, %dma_start3A_222] : memref<3x128x64xi32, #tpu.memory_space<vmem>> -> memref<1x128x64xi32, #tpu.memory_space<vmem>>
    %dma_start3A_224 = tpu.memref_squeeze %dma_start3A_223 : memref<1x128x64xi32, #tpu.memory_space<vmem>> -> memref<128x64xi32, #tpu.memory_space<vmem>>
    %dma_start3A_225 = arith.constant 0 : i32
    %dma_start3A_226 = tpu.memref_slice %arg6[%dma_start3A_217, %dma_start3A_218, %dma_start3A_225] : memref<3x2x128xi32, #tpu.memory_space<vmem>> -> memref<1x1x128xi32, #tpu.memory_space<vmem>>
    %dma_start3A_227 = tpu.memref_squeeze %dma_start3A_226 : memref<1x1x128xi32, #tpu.memory_space<vmem>> -> memref<128xi32, #tpu.memory_space<vmem>>
    %dma_start3A_228 = arith.constant 0 : i32
    %dma_start3A_229 = arith.constant 0 : i32
    %dma_start3A_230 = tpu.memref_slice %arg5[%dma_start3A_228, %dma_start3A_229] : memref<10000x64xi32, #tpu.memory_space<vmem_shared>> -> memref<10000x64xi32, #tpu.memory_space<vmem_shared>>
    %dma_start3A_231 = tpu.memref_slice %arg11[%dma_start3A_220] : memref<3x!tpu.dma_semaphore, #tpu.memory_space<semaphore_mem>> -> memref<1x!tpu.dma_semaphore, #tpu.memory_space<semaphore_mem>>
    %dma_start3A_232 = tpu.memref_squeeze %dma_start3A_231 : memref<1x!tpu.dma_semaphore, #tpu.memory_space<semaphore_mem>> -> memref<!tpu.dma_semaphore, #tpu.memory_space<semaphore_mem>>
    tpu.enqueue_indirect_dma source(%dma_start3A_230 : memref<10000x64xi32, #tpu.memory_space<vmem_shared>>) target(%dma_start3A_224 : memref<128x64xi32, #tpu.memory_space<vmem>>) offsets(%dma_start3A_227 : memref<128xi32, #tpu.memory_space<vmem>>) semaphore(%dma_start3A_232 : memref<!tpu.dma_semaphore, #tpu.memory_space<semaphore_mem>>)
    %while3A = arith.constant 0 : i32
    %while3A_233 = arith.constant 0 : i32
    %while3A_234 = arith.subi %select_n3A, %while3A : i32
    %while3A_235 = arith.addi %while3A, %while3A_234 : i32
    %while3A_236 = arith.constant 1 : i32
    %while3A_237 = arith.divsi %while3A_234, %while3A_236 : i32
    %while3A_238 = arith.muli %while3A_237, %while3A_236 : i32
    %while3A_239 = arith.addi %while3A, %while3A_238 : i32
    %while3A_240 = arith.constant 1 : i32
    %while3A_241 = scf.for %while3A_291 = %while3A to %while3A_239 step %while3A_240 iter_args(%while3A_292 = %while3A_233) -> (i32)  : i32 {
      %rem3A_293 = arith.constant 3 : i32
      %rem3A_294 = arith.remsi %while3A_291, %rem3A_293 : i32
      %dma_wait3A_295 = arith.constant 0 : i32
      %dma_wait3A_296 = arith.constant 0 : i32
      %dma_wait3A_297 = tpu.memref_slice %arg7[%rem3A_294, %dma_wait3A_295, %dma_wait3A_296] : memref<3x128x64xi32, #tpu.memory_space<vmem>> -> memref<1x128x64xi32, #tpu.memory_space<vmem>>
      %dma_wait3A_298 = tpu.memref_squeeze %dma_wait3A_297 : memref<1x128x64xi32, #tpu.memory_space<vmem>> -> memref<128x64xi32, #tpu.memory_space<vmem>>
      %dma_wait3A_299 = arith.constant 0 : i32
      %dma_wait3A_300 = arith.constant 0 : i32
      %dma_wait3A_301 = tpu.memref_slice %arg5[%dma_wait3A_299, %dma_wait3A_300] : memref<10000x64xi32, #tpu.memory_space<vmem_shared>> -> memref<128x64xi32, #tpu.memory_space<vmem_shared>>
      %dma_wait3A_302 = tpu.memref_slice %arg11[%rem3A_294] : memref<3x!tpu.dma_semaphore, #tpu.memory_space<semaphore_mem>> -> memref<1x!tpu.dma_semaphore, #tpu.memory_space<semaphore_mem>>
      %dma_wait3A_303 = tpu.memref_squeeze %dma_wait3A_302 : memref<1x!tpu.dma_semaphore, #tpu.memory_space<semaphore_mem>> -> memref<!tpu.dma_semaphore, #tpu.memory_space<semaphore_mem>>
      %dma_wait3A_304 = arith.constant 0 : i32
      %dma_wait3A_305 = arith.constant 0 : i32
      %dma_wait3A_306 = tpu.memref_slice %arg7[%rem3A_294, %dma_wait3A_304, %dma_wait3A_305] : memref<3x128x64xi32, #tpu.memory_space<vmem>> -> memref<1x128x64xi32, #tpu.memory_space<vmem>>
      %dma_wait3A_307 = tpu.memref_squeeze %dma_wait3A_306 : memref<1x128x64xi32, #tpu.memory_space<vmem>> -> memref<128x64xi32, #tpu.memory_space<vmem>>
      %dma_wait3A_308 = arith.constant 0 : i32
      %dma_wait3A_309 = arith.constant 0 : i32
      %dma_wait3A_310 = tpu.memref_slice %arg5[%dma_wait3A_308, %dma_wait3A_309] : memref<10000x64xi32, #tpu.memory_space<vmem_shared>> -> memref<128x64xi32, #tpu.memory_space<vmem_shared>>
      tpu.wait_dma2 semaphore(%dma_wait3A_303 : memref<!tpu.dma_semaphore, #tpu.memory_space<semaphore_mem>>) src(%dma_wait3A_310 : memref<128x64xi32, #tpu.memory_space<vmem_shared>>) dst(%dma_wait3A_307 : memref<128x64xi32, #tpu.memory_space<vmem>>)
      %dma_wait3A_311 = arith.constant 0 : i32
      %dma_wait3A_312 = arith.constant 0 : i32
      %dma_wait3A_313 = tpu.memref_slice %arg8[%rem3A_294, %dma_wait3A_311, %dma_wait3A_312] : memref<3x128x64xi32, #tpu.memory_space<vmem>> -> memref<1x128x64xi32, #tpu.memory_space<vmem>>
      %dma_wait3A_314 = tpu.memref_squeeze %dma_wait3A_313 : memref<1x128x64xi32, #tpu.memory_space<vmem>> -> memref<128x64xi32, #tpu.memory_space<vmem>>
      %dma_wait3A_315 = arith.constant 0 : i32
      %dma_wait3A_316 = arith.constant 0 : i32
      %dma_wait3A_317 = tpu.memref_slice %arg5[%dma_wait3A_315, %dma_wait3A_316] : memref<10000x64xi32, #tpu.memory_space<vmem_shared>> -> memref<128x64xi32, #tpu.memory_space<vmem_shared>>
      %dma_wait3A_318 = tpu.memref_slice %arg11[%rem3A_294] : memref<3x!tpu.dma_semaphore, #tpu.memory_space<semaphore_mem>> -> memref<1x!tpu.dma_semaphore, #tpu.memory_space<semaphore_mem>>
      %dma_wait3A_319 = tpu.memref_squeeze %dma_wait3A_318 : memref<1x!tpu.dma_semaphore, #tpu.memory_space<semaphore_mem>> -> memref<!tpu.dma_semaphore, #tpu.memory_space<semaphore_mem>>
      %dma_wait3A_320 = arith.constant 0 : i32
      %dma_wait3A_321 = arith.constant 0 : i32
      %dma_wait3A_322 = tpu.memref_slice %arg8[%rem3A_294, %dma_wait3A_320, %dma_wait3A_321] : memref<3x128x64xi32, #tpu.memory_space<vmem>> -> memref<1x128x64xi32, #tpu.memory_space<vmem>>
      %dma_wait3A_323 = tpu.memref_squeeze %dma_wait3A_322 : memref<1x128x64xi32, #tpu.memory_space<vmem>> -> memref<128x64xi32, #tpu.memory_space<vmem>>
      %dma_wait3A_324 = arith.constant 0 : i32
      %dma_wait3A_325 = arith.constant 0 : i32
      %dma_wait3A_326 = tpu.memref_slice %arg5[%dma_wait3A_324, %dma_wait3A_325] : memref<10000x64xi32, #tpu.memory_space<vmem_shared>> -> memref<128x64xi32, #tpu.memory_space<vmem_shared>>
      tpu.wait_dma2 semaphore(%dma_wait3A_319 : memref<!tpu.dma_semaphore, #tpu.memory_space<semaphore_mem>>) src(%dma_wait3A_326 : memref<128x64xi32, #tpu.memory_space<vmem_shared>>) dst(%dma_wait3A_323 : memref<128x64xi32, #tpu.memory_space<vmem>>)
      %add3A_327 = arith.constant 3 : i32
      %add3A_328 = arith.addi %while3A_291, %add3A_327 : i32
      %lt3A_329 = arith.cmpi slt, %add3A_328, %select_n3A : i32
      %convert_element_type3A_330 = arith.extui %lt3A_329 : i1 to i32
      %cond3A_331 = arith.constant 0 : i32
      %cond3A_332 = arith.cmpi ne, %convert_element_type3A_330, %cond3A_331 : i32
      scf.if %cond3A_332 {
        %add3A_367 = arith.constant 3 : i32
        %add3A_368 = arith.addi %while3A_291, %add3A_367 : i32
        %mul3A_369 = arith.constant 32 : i32
        %mul3A_370 = arith.muli %mul3A_369, %add3A_368 : i32
        %add3A_371 = arith.addi %add3A, %mul3A_370 : i32
        %mul3A_372 = arith.constant 128 : i32
        %mul3A_373 = arith.muli %add3A_371, %mul3A_372 : i32
        %dma_start3A_374 = arith.constant 0 : i32
        %dma_start3A_375 = arith.constant 0 : i32
        %dma_start3A_376 = tpu.memref_slice %arg6[%rem3A_294, %dma_start3A_374, %dma_start3A_375] : memref<3x2x128xi32, #tpu.memory_space<vmem>> -> memref<1x2x128xi32, #tpu.memory_space<vmem>>
        %dma_start3A_377 = tpu.memref_squeeze %dma_start3A_376 : memref<1x2x128xi32, #tpu.memory_space<vmem>> -> memref<2x128xi32, #tpu.memory_space<vmem>>
        %dma_start3A_378 = arith.constant 0 : i32
        %dma_start3A_379 = tpu.memref_slice %arg3[%dma_start3A_378, %mul3A_373] : memref<2x320000xi32, #tpu.memory_space<hbm>> -> memref<2x128xi32, #tpu.memory_space<hbm>>
        %dma_start3A_380 = tpu.memref_slice %arg10[%rem3A_294] : memref<3x!tpu.dma_semaphore, #tpu.memory_space<semaphore_mem>> -> memref<1x!tpu.dma_semaphore, #tpu.memory_space<semaphore_mem>>
        %dma_start3A_381 = tpu.memref_squeeze %dma_start3A_380 : memref<1x!tpu.dma_semaphore, #tpu.memory_space<semaphore_mem>> -> memref<!tpu.dma_semaphore, #tpu.memory_space<semaphore_mem>>
        %dma_start3A_382 = arith.constant 0 : i32
        %dma_start3A_383 = arith.constant 0 : i32
        %dma_start3A_384 = tpu.memref_slice %arg6[%rem3A_294, %dma_start3A_382, %dma_start3A_383] : memref<3x2x128xi32, #tpu.memory_space<vmem>> -> memref<1x2x128xi32, #tpu.memory_space<vmem>>
        %dma_start3A_385 = tpu.memref_squeeze %dma_start3A_384 : memref<1x2x128xi32, #tpu.memory_space<vmem>> -> memref<2x128xi32, #tpu.memory_space<vmem>>
        %dma_start3A_386 = arith.constant 0 : i32
        %dma_start3A_387 = tpu.memref_slice %arg3[%dma_start3A_386, %mul3A_373] : memref<2x320000xi32, #tpu.memory_space<hbm>> -> memref<2x128xi32, #tpu.memory_space<hbm>>
        tpu.enqueue_dma source(%dma_start3A_387 : memref<2x128xi32, #tpu.memory_space<hbm>>) target(%dma_start3A_385 : memref<2x128xi32, #tpu.memory_space<vmem>>) target_semaphore(%dma_start3A_381 : memref<!tpu.dma_semaphore, #tpu.memory_space<semaphore_mem>>)
      } else {
      }
      %add3A_333 = arith.constant 3 : i32
      %add3A_334 = arith.addi %while3A_291, %add3A_333 : i32
      %sub3A_335 = arith.constant 1 : i32
      %sub3A_336 = arith.subi %add3A_334, %sub3A_335 : i32
      %lt3A_337 = arith.cmpi slt, %sub3A_336, %select_n3A : i32
      %convert_element_type3A_338 = arith.extui %lt3A_337 : i1 to i32
      %cond3A_339 = arith.constant 0 : i32
      %cond3A_340 = arith.cmpi ne, %convert_element_type3A_338, %cond3A_339 : i32
      scf.if %cond3A_340 {
        %add3A_367 = arith.constant 3 : i32
        %add3A_368 = arith.addi %while3A_291, %add3A_367 : i32
        %sub3A_369 = arith.constant 1 : i32
        %sub3A_370 = arith.subi %add3A_368, %sub3A_369 : i32
        %rem3A_371 = arith.constant 3 : i32
        %rem3A_372 = arith.remsi %sub3A_370, %rem3A_371 : i32
        %dma_wait3A_373 = arith.constant 0 : i32
        %dma_wait3A_374 = arith.constant 0 : i32
        %dma_wait3A_375 = tpu.memref_slice %arg6[%rem3A_372, %dma_wait3A_373, %dma_wait3A_374] : memref<3x2x128xi32, #tpu.memory_space<vmem>> -> memref<1x2x128xi32, #tpu.memory_space<vmem>>
        %dma_wait3A_376 = tpu.memref_squeeze %dma_wait3A_375 : memref<1x2x128xi32, #tpu.memory_space<vmem>> -> memref<2x128xi32, #tpu.memory_space<vmem>>
        %dma_wait3A_377 = arith.constant 0 : i32
        %dma_wait3A_378 = arith.constant 0 : i32
        %dma_wait3A_379 = tpu.memref_slice %arg3[%dma_wait3A_377, %dma_wait3A_378] : memref<2x320000xi32, #tpu.memory_space<hbm>> -> memref<2x128xi32, #tpu.memory_space<hbm>>
        %dma_wait3A_380 = tpu.memref_slice %arg10[%rem3A_372] : memref<3x!tpu.dma_semaphore, #tpu.memory_space<semaphore_mem>> -> memref<1x!tpu.dma_semaphore, #tpu.memory_space<semaphore_mem>>
        %dma_wait3A_381 = tpu.memref_squeeze %dma_wait3A_380 : memref<1x!tpu.dma_semaphore, #tpu.memory_space<semaphore_mem>> -> memref<!tpu.dma_semaphore, #tpu.memory_space<semaphore_mem>>
        %dma_wait3A_382 = arith.constant 0 : i32
        %dma_wait3A_383 = arith.constant 0 : i32
        %dma_wait3A_384 = tpu.memref_slice %arg6[%rem3A_372, %dma_wait3A_382, %dma_wait3A_383] : memref<3x2x128xi32, #tpu.memory_space<vmem>> -> memref<1x2x128xi32, #tpu.memory_space<vmem>>
        %dma_wait3A_385 = tpu.memref_squeeze %dma_wait3A_384 : memref<1x2x128xi32, #tpu.memory_space<vmem>> -> memref<2x128xi32, #tpu.memory_space<vmem>>
        %dma_wait3A_386 = arith.constant 0 : i32
        %dma_wait3A_387 = arith.constant 0 : i32
        %dma_wait3A_388 = tpu.memref_slice %arg3[%dma_wait3A_386, %dma_wait3A_387] : memref<2x320000xi32, #tpu.memory_space<hbm>> -> memref<2x128xi32, #tpu.memory_space<hbm>>
        tpu.wait_dma2 semaphore(%dma_wait3A_381 : memref<!tpu.dma_semaphore, #tpu.memory_space<semaphore_mem>>) src(%dma_wait3A_388 : memref<2x128xi32, #tpu.memory_space<hbm>>) dst(%dma_wait3A_385 : memref<2x128xi32, #tpu.memory_space<vmem>>)
        %add3A_389 = arith.constant 3 : i32
        %add3A_390 = arith.addi %while3A_291, %add3A_389 : i32
        %sub3A_391 = arith.constant 1 : i32
        %sub3A_392 = arith.subi %add3A_390, %sub3A_391 : i32
        %dma_start3A_393 = arith.constant 0 : i32
        %dma_start3A_394 = arith.constant 0 : i32
        %dma_start3A_395 = arith.constant 0 : i32
        %dma_start3A_396 = tpu.memref_slice %arg7[%rem3A_372, %dma_start3A_394, %dma_start3A_395] : memref<3x128x64xi32, #tpu.memory_space<vmem>> -> memref<1x128x64xi32, #tpu.memory_space<vmem>>
        %dma_start3A_397 = tpu.memref_squeeze %dma_start3A_396 : memref<1x128x64xi32, #tpu.memory_space<vmem>> -> memref<128x64xi32, #tpu.memory_space<vmem>>
        %dma_start3A_398 = arith.constant 0 : i32
        %dma_start3A_399 = tpu.memref_slice %arg6[%rem3A_372, %dma_start3A_393, %dma_start3A_398] : memref<3x2x128xi32, #tpu.memory_space<vmem>> -> memref<1x1x128xi32, #tpu.memory_space<vmem>>
        %dma_start3A_400 = tpu.memref_squeeze %dma_start3A_399 : memref<1x1x128xi32, #tpu.memory_space<vmem>> -> memref<128xi32, #tpu.memory_space<vmem>>
        %dma_start3A_401 = arith.constant 0 : i32
        %dma_start3A_402 = arith.constant 0 : i32
        %dma_start3A_403 = tpu.memref_slice %arg5[%dma_start3A_401, %dma_start3A_402] : memref<10000x64xi32, #tpu.memory_space<vmem_shared>> -> memref<10000x64xi32, #tpu.memory_space<vmem_shared>>
        %dma_start3A_404 = tpu.memref_slice %arg11[%rem3A_372] : memref<3x!tpu.dma_semaphore, #tpu.memory_space<semaphore_mem>> -> memref<1x!tpu.dma_semaphore, #tpu.memory_space<semaphore_mem>>
        %dma_start3A_405 = tpu.memref_squeeze %dma_start3A_404 : memref<1x!tpu.dma_semaphore, #tpu.memory_space<semaphore_mem>> -> memref<!tpu.dma_semaphore, #tpu.memory_space<semaphore_mem>>
        tpu.enqueue_indirect_dma source(%dma_start3A_403 : memref<10000x64xi32, #tpu.memory_space<vmem_shared>>) target(%dma_start3A_397 : memref<128x64xi32, #tpu.memory_space<vmem>>) offsets(%dma_start3A_400 : memref<128xi32, #tpu.memory_space<vmem>>) semaphore(%dma_start3A_405 : memref<!tpu.dma_semaphore, #tpu.memory_space<semaphore_mem>>)
        %dma_start3A_406 = arith.constant 1 : i32
        %dma_start3A_407 = arith.constant 0 : i32
        %dma_start3A_408 = arith.constant 0 : i32
        %dma_start3A_409 = tpu.memref_slice %arg8[%rem3A_372, %dma_start3A_407, %dma_start3A_408] : memref<3x128x64xi32, #tpu.memory_space<vmem>> -> memref<1x128x64xi32, #tpu.memory_space<vmem>>
        %dma_start3A_410 = tpu.memref_squeeze %dma_start3A_409 : memref<1x128x64xi32, #tpu.memory_space<vmem>> -> memref<128x64xi32, #tpu.memory_space<vmem>>
        %dma_start3A_411 = arith.constant 0 : i32
        %dma_start3A_412 = tpu.memref_slice %arg6[%rem3A_372, %dma_start3A_406, %dma_start3A_411] : memref<3x2x128xi32, #tpu.memory_space<vmem>> -> memref<1x1x128xi32, #tpu.memory_space<vmem>>
        %dma_start3A_413 = tpu.memref_squeeze %dma_start3A_412 : memref<1x1x128xi32, #tpu.memory_space<vmem>> -> memref<128xi32, #tpu.memory_space<vmem>>
        %dma_start3A_414 = arith.constant 0 : i32
        %dma_start3A_415 = arith.constant 0 : i32
        %dma_start3A_416 = tpu.memref_slice %arg5[%dma_start3A_414, %dma_start3A_415] : memref<10000x64xi32, #tpu.memory_space<vmem_shared>> -> memref<10000x64xi32, #tpu.memory_space<vmem_shared>>
        %dma_start3A_417 = tpu.memref_slice %arg11[%rem3A_372] : memref<3x!tpu.dma_semaphore, #tpu.memory_space<semaphore_mem>> -> memref<1x!tpu.dma_semaphore, #tpu.memory_space<semaphore_mem>>
        %dma_start3A_418 = tpu.memref_squeeze %dma_start3A_417 : memref<1x!tpu.dma_semaphore, #tpu.memory_space<semaphore_mem>> -> memref<!tpu.dma_semaphore, #tpu.memory_space<semaphore_mem>>
        tpu.enqueue_indirect_dma source(%dma_start3A_416 : memref<10000x64xi32, #tpu.memory_space<vmem_shared>>) target(%dma_start3A_410 : memref<128x64xi32, #tpu.memory_space<vmem>>) offsets(%dma_start3A_413 : memref<128xi32, #tpu.memory_space<vmem>>) semaphore(%dma_start3A_418 : memref<!tpu.dma_semaphore, #tpu.memory_space<semaphore_mem>>)
      } else {
      }
      %ge3A = arith.constant 3 : i32
      %ge3A_341 = arith.cmpi sge, %while3A_291, %ge3A : i32
      %convert_element_type3A_342 = arith.extui %ge3A_341 : i1 to i32
      %cond3A_343 = arith.constant 0 : i32
      %cond3A_344 = arith.cmpi ne, %convert_element_type3A_342, %cond3A_343 : i32
      scf.if %cond3A_344 {
        %dma_wait3A_367 = arith.constant 0 : i32
        %dma_wait3A_368 = tpu.memref_slice %arg9[%rem3A_294, %dma_wait3A_367] : memref<3x128xf32, #tpu.memory_space<vmem>> -> memref<1x128xf32, #tpu.memory_space<vmem>>
        %dma_wait3A_369 = tpu.memref_squeeze %dma_wait3A_368 : memref<1x128xf32, #tpu.memory_space<vmem>> -> memref<128xf32, #tpu.memory_space<vmem>>
        %dma_wait3A_370 = arith.constant 0 : i32
        %dma_wait3A_371 = tpu.memref_slice %arg4[%dma_wait3A_370] : memref<320000xf32, #tpu.memory_space<hbm>> -> memref<128xf32, #tpu.memory_space<hbm>>
        %dma_wait3A_372 = tpu.memref_slice %arg12[%rem3A_294] : memref<3x!tpu.dma_semaphore, #tpu.memory_space<semaphore_mem>> -> memref<1x!tpu.dma_semaphore, #tpu.memory_space<semaphore_mem>>
        %dma_wait3A_373 = tpu.memref_squeeze %dma_wait3A_372 : memref<1x!tpu.dma_semaphore, #tpu.memory_space<semaphore_mem>> -> memref<!tpu.dma_semaphore, #tpu.memory_space<semaphore_mem>>
        %dma_wait3A_374 = arith.constant 0 : i32
        %dma_wait3A_375 = tpu.memref_slice %arg4[%dma_wait3A_374] : memref<320000xf32, #tpu.memory_space<hbm>> -> memref<128xf32, #tpu.memory_space<hbm>>
        %dma_wait3A_376 = arith.constant 0 : i32
        %dma_wait3A_377 = tpu.memref_slice %arg9[%rem3A_294, %dma_wait3A_376] : memref<3x128xf32, #tpu.memory_space<vmem>> -> memref<1x128xf32, #tpu.memory_space<vmem>>
        %dma_wait3A_378 = tpu.memref_squeeze %dma_wait3A_377 : memref<1x128xf32, #tpu.memory_space<vmem>> -> memref<128xf32, #tpu.memory_space<vmem>>
        tpu.wait_dma2 semaphore(%dma_wait3A_373 : memref<!tpu.dma_semaphore, #tpu.memory_space<semaphore_mem>>) src(%dma_wait3A_378 : memref<128xf32, #tpu.memory_space<vmem>>) dst(%dma_wait3A_375 : memref<128xf32, #tpu.memory_space<hbm>>)
      } else {
      }
      %scan3A = arith.constant 0 : i32
      %scan3A_345 = arith.constant 0 : i32
      %scan3A_346 = arith.constant 8 : i32
      %scan3A_347 = arith.addi %scan3A_345, %scan3A_346 : i32
      %scan3A_348 = arith.constant 1 : i32
      %scan3A_349 = scf.for %scan3A_367 = %scan3A_345 to %scan3A_347 step %scan3A_348 iter_args(%scan3A_368 = %scan3A) -> (i32)  : i32 {
        %mul3A_369 = arith.constant 16 : i32
        %mul3A_370 = arith.muli %scan3A_367, %mul3A_369 : i32
        %add3A_371 = arith.constant 0 : i32
        %add3A_372 = arith.addi %mul3A_370, %add3A_371 : i32
        %get3A = arith.index_cast %rem3A_294 : i32 to index
        %get3A_373 = arith.index_cast %add3A_372 : i32 to index
        %get3A_374 = arith.constant 0 : index
        %get3A_375 = tpu.vector_load %arg7[%get3A, %get3A_373, %get3A_374] {strides = array<i32>} : memref<3x128x64xi32, #tpu.memory_space<vmem>>, vector<16xi32>,
        %bitcast3A = vector.bitcast %get3A_375 : vector<16xi32> to vector<32xbf16>
        %get3A_376 = arith.index_cast %rem3A_294 : i32 to index
        %get3A_377 = arith.index_cast %add3A_372 : i32 to index
        %get3A_378 = arith.constant 0 : index
        %get3A_379 = tpu.vector_load %arg8[%get3A_376, %get3A_377, %get3A_378] {strides = array<i32>} : memref<3x128x64xi32, #tpu.memory_space<vmem>>, vector<16xi32>,
        %bitcast3A_380 = vector.bitcast %get3A_379 : vector<16xi32> to vector<32xbf16>
        %mul3A_381 = arith.mulf %bitcast3A, %bitcast3A_380 : vector<32xbf16>
        %unpack3A = tpu.unpack_subelements %mul3A_381, 0 {pack_format = #tpu.pack_format<interleaved>} : vector<32xbf16> -> vector<16xf32>
        %unpack3A_382 = tpu.unpack_subelements %mul3A_381, 1 {pack_format = #tpu.pack_format<interleaved>} : vector<32xbf16> -> vector<16xf32>
        %get3A_383 = arith.index_cast %rem3A_294 : i32 to index
        %get3A_384 = arith.index_cast %add3A_372 : i32 to index
        %get3A_385 = arith.constant 16 : index
        %get3A_386 = tpu.vector_load %arg7[%get3A_383, %get3A_384, %get3A_385] {strides = array<i32>} : memref<3x128x64xi32, #tpu.memory_space<vmem>>, vector<16xi32>,
        %bitcast3A_387 = vector.bitcast %get3A_386 : vector<16xi32> to vector<32xbf16>
        %get3A_388 = arith.index_cast %rem3A_294 : i32 to index
        %get3A_389 = arith.index_cast %add3A_372 : i32 to index
        %get3A_390 = arith.constant 16 : index
        %get3A_391 = tpu.vector_load %arg8[%get3A_388, %get3A_389, %get3A_390] {strides = array<i32>} : memref<3x128x64xi32, #tpu.memory_space<vmem>>, vector<16xi32>,
        %bitcast3A_392 = vector.bitcast %get3A_391 : vector<16xi32> to vector<32xbf16>
        %mul3A_393 = arith.mulf %bitcast3A_387, %bitcast3A_392 : vector<32xbf16>
        %unpack3A_394 = tpu.unpack_subelements %mul3A_393, 0 {pack_format = #tpu.pack_format<interleaved>} : vector<32xbf16> -> vector<16xf32>
        %unpack3A_395 = tpu.unpack_subelements %mul3A_393, 1 {pack_format = #tpu.pack_format<interleaved>} : vector<32xbf16> -> vector<16xf32>
        %add3A_396 = arith.addf %unpack3A, %unpack3A_394 : vector<16xf32>
        %add3A_397 = arith.addf %unpack3A_382, %unpack3A_395 : vector<16xf32>
        %get3A_398 = arith.index_cast %rem3A_294 : i32 to index
        %get3A_399 = arith.index_cast %add3A_372 : i32 to index
        %get3A_400 = arith.constant 32 : index
        %get3A_401 = tpu.vector_load %arg7[%get3A_398, %get3A_399, %get3A_400] {strides = array<i32>} : memref<3x128x64xi32, #tpu.memory_space<vmem>>, vector<16xi32>,
        %bitcast3A_402 = vector.bitcast %get3A_401 : vector<16xi32> to vector<32xbf16>
        %get3A_403 = arith.index_cast %rem3A_294 : i32 to index
        %get3A_404 = arith.index_cast %add3A_372 : i32 to index
        %get3A_405 = arith.constant 32 : index
        %get3A_406 = tpu.vector_load %arg8[%get3A_403, %get3A_404, %get3A_405] {strides = array<i32>} : memref<3x128x64xi32, #tpu.memory_space<vmem>>, vector<16xi32>,
        %bitcast3A_407 = vector.bitcast %get3A_406 : vector<16xi32> to vector<32xbf16>
        %mul3A_408 = arith.mulf %bitcast3A_402, %bitcast3A_407 : vector<32xbf16>
        %unpack3A_409 = tpu.unpack_subelements %mul3A_408, 0 {pack_format = #tpu.pack_format<interleaved>} : vector<32xbf16> -> vector<16xf32>
        %unpack3A_410 = tpu.unpack_subelements %mul3A_408, 1 {pack_format = #tpu.pack_format<interleaved>} : vector<32xbf16> -> vector<16xf32>
        %add3A_411 = arith.addf %add3A_396, %unpack3A_409 : vector<16xf32>
        %add3A_412 = arith.addf %add3A_397, %unpack3A_410 : vector<16xf32>
        %get3A_413 = arith.index_cast %rem3A_294 : i32 to index
        %get3A_414 = arith.index_cast %add3A_372 : i32 to index
        %get3A_415 = arith.constant 48 : index
        %get3A_416 = tpu.vector_load %arg7[%get3A_413, %get3A_414, %get3A_415] {strides = array<i32>} : memref<3x128x64xi32, #tpu.memory_space<vmem>>, vector<16xi32>,
        %bitcast3A_417 = vector.bitcast %get3A_416 : vector<16xi32> to vector<32xbf16>
        %get3A_418 = arith.index_cast %rem3A_294 : i32 to index
        %get3A_419 = arith.index_cast %add3A_372 : i32 to index
        %get3A_420 = arith.constant 48 : index
        %get3A_421 = tpu.vector_load %arg8[%get3A_418, %get3A_419, %get3A_420] {strides = array<i32>} : memref<3x128x64xi32, #tpu.memory_space<vmem>>, vector<16xi32>,
        %bitcast3A_422 = vector.bitcast %get3A_421 : vector<16xi32> to vector<32xbf16>
        %mul3A_423 = arith.mulf %bitcast3A_417, %bitcast3A_422 : vector<32xbf16>
        %unpack3A_424 = tpu.unpack_subelements %mul3A_423, 0 {pack_format = #tpu.pack_format<interleaved>} : vector<32xbf16> -> vector<16xf32>
        %unpack3A_425 = tpu.unpack_subelements %mul3A_423, 1 {pack_format = #tpu.pack_format<interleaved>} : vector<32xbf16> -> vector<16xf32>
        %add3A_426 = arith.addf %add3A_411, %unpack3A_424 : vector<16xf32>
        %add3A_427 = arith.addf %add3A_412, %unpack3A_425 : vector<16xf32>
        %add3A_428 = arith.addf %add3A_426, %add3A_427 : vector<16xf32>
        %add3A_429 = arith.constant 1 : i32
        %add3A_430 = arith.addi %add3A_372, %add3A_429 : i32
        %get3A_431 = arith.index_cast %rem3A_294 : i32 to index
        %get3A_432 = arith.index_cast %add3A_430 : i32 to index
        %get3A_433 = arith.constant 0 : index
        %get3A_434 = tpu.vector_load %arg7[%get3A_431, %get3A_432, %get3A_433] {strides = array<i32>} : memref<3x128x64xi32, #tpu.memory_space<vmem>>, vector<16xi32>,
        %bitcast3A_435 = vector.bitcast %get3A_434 : vector<16xi32> to vector<32xbf16>
        %get3A_436 = arith.index_cast %rem3A_294 : i32 to index
        %get3A_437 = arith.index_cast %add3A_430 : i32 to index
        %get3A_438 = arith.constant 0 : index
        %get3A_439 = tpu.vector_load %arg8[%get3A_436, %get3A_437, %get3A_438] {strides = array<i32>} : memref<3x128x64xi32, #tpu.memory_space<vmem>>, vector<16xi32>,
        %bitcast3A_440 = vector.bitcast %get3A_439 : vector<16xi32> to vector<32xbf16>
        %mul3A_441 = arith.mulf %bitcast3A_435, %bitcast3A_440 : vector<32xbf16>
        %unpack3A_442 = tpu.unpack_subelements %mul3A_441, 0 {pack_format = #tpu.pack_format<interleaved>} : vector<32xbf16> -> vector<16xf32>
        %unpack3A_443 = tpu.unpack_subelements %mul3A_441, 1 {pack_format = #tpu.pack_format<interleaved>} : vector<32xbf16> -> vector<16xf32>
        %get3A_444 = arith.index_cast %rem3A_294 : i32 to index
        %get3A_445 = arith.index_cast %add3A_430 : i32 to index
        %get3A_446 = arith.constant 16 : index
        %get3A_447 = tpu.vector_load %arg7[%get3A_444, %get3A_445, %get3A_446] {strides = array<i32>} : memref<3x128x64xi32, #tpu.memory_space<vmem>>, vector<16xi32>,
        %bitcast3A_448 = vector.bitcast %get3A_447 : vector<16xi32> to vector<32xbf16>
        %get3A_449 = arith.index_cast %rem3A_294 : i32 to index
        %get3A_450 = arith.index_cast %add3A_430 : i32 to index
        %get3A_451 = arith.constant 16 : index
        %get3A_452 = tpu.vector_load %arg8[%get3A_449, %get3A_450, %get3A_451] {strides = array<i32>} : memref<3x128x64xi32, #tpu.memory_space<vmem>>, vector<16xi32>,
        %bitcast3A_453 = vector.bitcast %get3A_452 : vector<16xi32> to vector<32xbf16>
        %mul3A_454 = arith.mulf %bitcast3A_448, %bitcast3A_453 : vector<32xbf16>
        %unpack3A_455 = tpu.unpack_subelements %mul3A_454, 0 {pack_format = #tpu.pack_format<interleaved>} : vector<32xbf16> -> vector<16xf32>
        %unpack3A_456 = tpu.unpack_subelements %mul3A_454, 1 {pack_format = #tpu.pack_format<interleaved>} : vector<32xbf16> -> vector<16xf32>
        %add3A_457 = arith.addf %unpack3A_442, %unpack3A_455 : vector<16xf32>
        %add3A_458 = arith.addf %unpack3A_443, %unpack3A_456 : vector<16xf32>
        %get3A_459 = arith.index_cast %rem3A_294 : i32 to index
        %get3A_460 = arith.index_cast %add3A_430 : i32 to index
        %get3A_461 = arith.constant 32 : index
        %get3A_462 = tpu.vector_load %arg7[%get3A_459, %get3A_460, %get3A_461] {strides = array<i32>} : memref<3x128x64xi32, #tpu.memory_space<vmem>>, vector<16xi32>,
        %bitcast3A_463 = vector.bitcast %get3A_462 : vector<16xi32> to vector<32xbf16>
        %get3A_464 = arith.index_cast %rem3A_294 : i32 to index
        %get3A_465 = arith.index_cast %add3A_430 : i32 to index
        %get3A_466 = arith.constant 32 : index
        %get3A_467 = tpu.vector_load %arg8[%get3A_464, %get3A_465, %get3A_466] {strides = array<i32>} : memref<3x128x64xi32, #tpu.memory_space<vmem>>, vector<16xi32>,
        %bitcast3A_468 = vector.bitcast %get3A_467 : vector<16xi32> to vector<32xbf16>
        %mul3A_469 = arith.mulf %bitcast3A_463, %bitcast3A_468 : vector<32xbf16>
        %unpack3A_470 = tpu.unpack_subelements %mul3A_469, 0 {pack_format = #tpu.pack_format<interleaved>} : vector<32xbf16> -> vector<16xf32>
        %unpack3A_471 = tpu.unpack_subelements %mul3A_469, 1 {pack_format = #tpu.pack_format<interleaved>} : vector<32xbf16> -> vector<16xf32>
        %add3A_472 = arith.addf %add3A_457, %unpack3A_470 : vector<16xf32>
        %add3A_473 = arith.addf %add3A_458, %unpack3A_471 : vector<16xf32>
        %get3A_474 = arith.index_cast %rem3A_294 : i32 to index
        %get3A_475 = arith.index_cast %add3A_430 : i32 to index
        %get3A_476 = arith.constant 48 : index
        %get3A_477 = tpu.vector_load %arg7[%get3A_474, %get3A_475, %get3A_476] {strides = array<i32>} : memref<3x128x64xi32, #tpu.memory_space<vmem>>, vector<16xi32>,
        %bitcast3A_478 = vector.bitcast %get3A_477 : vector<16xi32> to vector<32xbf16>
        %get3A_479 = arith.index_cast %rem3A_294 : i32 to index
        %get3A_480 = arith.index_cast %add3A_430 : i32 to index
        %get3A_481 = arith.constant 48 : index
        %get3A_482 = tpu.vector_load %arg8[%get3A_479, %get3A_480, %get3A_481] {strides = array<i32>} : memref<3x128x64xi32, #tpu.memory_space<vmem>>, vector<16xi32>,
        %bitcast3A_483 = vector.bitcast %get3A_482 : vector<16xi32> to vector<32xbf16>
        %mul3A_484 = arith.mulf %bitcast3A_478, %bitcast3A_483 : vector<32xbf16>
        %unpack3A_485 = tpu.unpack_subelements %mul3A_484, 0 {pack_format = #tpu.pack_format<interleaved>} : vector<32xbf16> -> vector<16xf32>
        %unpack3A_486 = tpu.unpack_subelements %mul3A_484, 1 {pack_format = #tpu.pack_format<interleaved>} : vector<32xbf16> -> vector<16xf32>
        %add3A_487 = arith.addf %add3A_472, %unpack3A_485 : vector<16xf32>
        %add3A_488 = arith.addf %add3A_473, %unpack3A_486 : vector<16xf32>
        %add3A_489 = arith.addf %add3A_487, %add3A_488 : vector<16xf32>
        %broadcast_in_dim3A = vector.shape_cast %and3A_32 : vector<16xi32> to vector<16x1xi32>
        %gather3A = vector.shape_cast %broadcast_in_dim3A : vector<16x1xi32> to vector<16xi32>
        %gather3A_490 = tpu.dynamic_gather %add3A_489[%gather3A] in [0] : vector<16xf32>, vector<16xi32> -> vector<16xf32>
        %select_n3A_491 = arith.select %eq3A_9, %add3A_428, %gather3A_490 : vector<16xi1>, vector<16xf32>
        %broadcast_in_dim3A_492 = vector.shape_cast %and3A_56 : vector<16xi32> to vector<16x1xi32>
        %gather3A_493 = vector.shape_cast %broadcast_in_dim3A_492 : vector<16x1xi32> to vector<16xi32>
        %gather3A_494 = tpu.dynamic_gather %add3A_428[%gather3A_493] in [0] : vector<16xf32>, vector<16xi32> -> vector<16xf32>
        %select_n3A_495 = arith.select %eq3A_9, %gather3A_494, %add3A_489 : vector<16xi1>, vector<16xf32>
        %add3A_496 = arith.addf %select_n3A_491, %select_n3A_495 : vector<16xf32>
        %add3A_497 = arith.constant 2 : i32
        %add3A_498 = arith.addi %add3A_372, %add3A_497 : i32
        %get3A_499 = arith.index_cast %rem3A_294 : i32 to index
        %get3A_500 = arith.index_cast %add3A_498 : i32 to index
        %get3A_501 = arith.constant 0 : index
        %get3A_502 = tpu.vector_load %arg7[%get3A_499, %get3A_500, %get3A_501] {strides = array<i32>} : memref<3x128x64xi32, #tpu.memory_space<vmem>>, vector<16xi32>,
        %bitcast3A_503 = vector.bitcast %get3A_502 : vector<16xi32> to vector<32xbf16>
        %get3A_504 = arith.index_cast %rem3A_294 : i32 to index
        %get3A_505 = arith.index_cast %add3A_498 : i32 to index
        %get3A_506 = arith.constant 0 : index
        %get3A_507 = tpu.vector_load %arg8[%get3A_504, %get3A_505, %get3A_506] {strides = array<i32>} : memref<3x128x64xi32, #tpu.memory_space<vmem>>, vector<16xi32>,
        %bitcast3A_508 = vector.bitcast %get3A_507 : vector<16xi32> to vector<32xbf16>
        %mul3A_509 = arith.mulf %bitcast3A_503, %bitcast3A_508 : vector<32xbf16>
        %unpack3A_510 = tpu.unpack_subelements %mul3A_509, 0 {pack_format = #tpu.pack_format<interleaved>} : vector<32xbf16> -> vector<16xf32>
        %unpack3A_511 = tpu.unpack_subelements %mul3A_509, 1 {pack_format = #tpu.pack_format<interleaved>} : vector<32xbf16> -> vector<16xf32>
        %get3A_512 = arith.index_cast %rem3A_294 : i32 to index
        %get3A_513 = arith.index_cast %add3A_498 : i32 to index
        %get3A_514 = arith.constant 16 : index
        %get3A_515 = tpu.vector_load %arg7[%get3A_512, %get3A_513, %get3A_514] {strides = array<i32>} : memref<3x128x64xi32, #tpu.memory_space<vmem>>, vector<16xi32>,
        %bitcast3A_516 = vector.bitcast %get3A_515 : vector<16xi32> to vector<32xbf16>
        %get3A_517 = arith.index_cast %rem3A_294 : i32 to index
        %get3A_518 = arith.index_cast %add3A_498 : i32 to index
        %get3A_519 = arith.constant 16 : index
        %get3A_520 = tpu.vector_load %arg8[%get3A_517, %get3A_518, %get3A_519] {strides = array<i32>} : memref<3x128x64xi32, #tpu.memory_space<vmem>>, vector<16xi32>,
        %bitcast3A_521 = vector.bitcast %get3A_520 : vector<16xi32> to vector<32xbf16>
        %mul3A_522 = arith.mulf %bitcast3A_516, %bitcast3A_521 : vector<32xbf16>
        %unpack3A_523 = tpu.unpack_subelements %mul3A_522, 0 {pack_format = #tpu.pack_format<interleaved>} : vector<32xbf16> -> vector<16xf32>
        %unpack3A_524 = tpu.unpack_subelements %mul3A_522, 1 {pack_format = #tpu.pack_format<interleaved>} : vector<32xbf16> -> vector<16xf32>
        %add3A_525 = arith.addf %unpack3A_510, %unpack3A_523 : vector<16xf32>
        %add3A_526 = arith.addf %unpack3A_511, %unpack3A_524 : vector<16xf32>
        %get3A_527 = arith.index_cast %rem3A_294 : i32 to index
        %get3A_528 = arith.index_cast %add3A_498 : i32 to index
        %get3A_529 = arith.constant 32 : index
        %get3A_530 = tpu.vector_load %arg7[%get3A_527, %get3A_528, %get3A_529] {strides = array<i32>} : memref<3x128x64xi32, #tpu.memory_space<vmem>>, vector<16xi32>,
        %bitcast3A_531 = vector.bitcast %get3A_530 : vector<16xi32> to vector<32xbf16>
        %get3A_532 = arith.index_cast %rem3A_294 : i32 to index
        %get3A_533 = arith.index_cast %add3A_498 : i32 to index
        %get3A_534 = arith.constant 32 : index
        %get3A_535 = tpu.vector_load %arg8[%get3A_532, %get3A_533, %get3A_534] {strides = array<i32>} : memref<3x128x64xi32, #tpu.memory_space<vmem>>, vector<16xi32>,
        %bitcast3A_536 = vector.bitcast %get3A_535 : vector<16xi32> to vector<32xbf16>
        %mul3A_537 = arith.mulf %bitcast3A_531, %bitcast3A_536 : vector<32xbf16>
        %unpack3A_538 = tpu.unpack_subelements %mul3A_537, 0 {pack_format = #tpu.pack_format<interleaved>} : vector<32xbf16> -> vector<16xf32>
        %unpack3A_539 = tpu.unpack_subelements %mul3A_537, 1 {pack_format = #tpu.pack_format<interleaved>} : vector<32xbf16> -> vector<16xf32>
        %add3A_540 = arith.addf %add3A_525, %unpack3A_538 : vector<16xf32>
        %add3A_541 = arith.addf %add3A_526, %unpack3A_539 : vector<16xf32>
        %get3A_542 = arith.index_cast %rem3A_294 : i32 to index
        %get3A_543 = arith.index_cast %add3A_498 : i32 to index
        %get3A_544 = arith.constant 48 : index
        %get3A_545 = tpu.vector_load %arg7[%get3A_542, %get3A_543, %get3A_544] {strides = array<i32>} : memref<3x128x64xi32, #tpu.memory_space<vmem>>, vector<16xi32>,
        %bitcast3A_546 = vector.bitcast %get3A_545 : vector<16xi32> to vector<32xbf16>
        %get3A_547 = arith.index_cast %rem3A_294 : i32 to index
        %get3A_548 = arith.index_cast %add3A_498 : i32 to index
        %get3A_549 = arith.constant 48 : index
        %get3A_550 = tpu.vector_load %arg8[%get3A_547, %get3A_548, %get3A_549] {strides = array<i32>} : memref<3x128x64xi32, #tpu.memory_space<vmem>>, vector<16xi32>,
        %bitcast3A_551 = vector.bitcast %get3A_550 : vector<16xi32> to vector<32xbf16>
        %mul3A_552 = arith.mulf %bitcast3A_546, %bitcast3A_551 : vector<32xbf16>
        %unpack3A_553 = tpu.unpack_subelements %mul3A_552, 0 {pack_format = #tpu.pack_format<interleaved>} : vector<32xbf16> -> vector<16xf32>
        %unpack3A_554 = tpu.unpack_subelements %mul3A_552, 1 {pack_format = #tpu.pack_format<interleaved>} : vector<32xbf16> -> vector<16xf32>
        %add3A_555 = arith.addf %add3A_540, %unpack3A_553 : vector<16xf32>
        %add3A_556 = arith.addf %add3A_541, %unpack3A_554 : vector<16xf32>
        %add3A_557 = arith.addf %add3A_555, %add3A_556 : vector<16xf32>
        %add3A_558 = arith.constant 3 : i32
        %add3A_559 = arith.addi %add3A_372, %add3A_558 : i32
        %get3A_560 = arith.index_cast %rem3A_294 : i32 to index
        %get3A_561 = arith.index_cast %add3A_559 : i32 to index
        %get3A_562 = arith.constant 0 : index
        %get3A_563 = tpu.vector_load %arg7[%get3A_560, %get3A_561, %get3A_562] {strides = array<i32>} : memref<3x128x64xi32, #tpu.memory_space<vmem>>, vector<16xi32>,
        %bitcast3A_564 = vector.bitcast %get3A_563 : vector<16xi32> to vector<32xbf16>
        %get3A_565 = arith.index_cast %rem3A_294 : i32 to index
        %get3A_566 = arith.index_cast %add3A_559 : i32 to index
        %get3A_567 = arith.constant 0 : index
        %get3A_568 = tpu.vector_load %arg8[%get3A_565, %get3A_566, %get3A_567] {strides = array<i32>} : memref<3x128x64xi32, #tpu.memory_space<vmem>>, vector<16xi32>,
        %bitcast3A_569 = vector.bitcast %get3A_568 : vector<16xi32> to vector<32xbf16>
        %mul3A_570 = arith.mulf %bitcast3A_564, %bitcast3A_569 : vector<32xbf16>
        %unpack3A_571 = tpu.unpack_subelements %mul3A_570, 0 {pack_format = #tpu.pack_format<interleaved>} : vector<32xbf16> -> vector<16xf32>
        %unpack3A_572 = tpu.unpack_subelements %mul3A_570, 1 {pack_format = #tpu.pack_format<interleaved>} : vector<32xbf16> -> vector<16xf32>
        %get3A_573 = arith.index_cast %rem3A_294 : i32 to index
        %get3A_574 = arith.index_cast %add3A_559 : i32 to index
        %get3A_575 = arith.constant 16 : index
        %get3A_576 = tpu.vector_load %arg7[%get3A_573, %get3A_574, %get3A_575] {strides = array<i32>} : memref<3x128x64xi32, #tpu.memory_space<vmem>>, vector<16xi32>,
        %bitcast3A_577 = vector.bitcast %get3A_576 : vector<16xi32> to vector<32xbf16>
        %get3A_578 = arith.index_cast %rem3A_294 : i32 to index
        %get3A_579 = arith.index_cast %add3A_559 : i32 to index
        %get3A_580 = arith.constant 16 : index
        %get3A_581 = tpu.vector_load %arg8[%get3A_578, %get3A_579, %get3A_580] {strides = array<i32>} : memref<3x128x64xi32, #tpu.memory_space<vmem>>, vector<16xi32>,
        %bitcast3A_582 = vector.bitcast %get3A_581 : vector<16xi32> to vector<32xbf16>
        %mul3A_583 = arith.mulf %bitcast3A_577, %bitcast3A_582 : vector<32xbf16>
        %unpack3A_584 = tpu.unpack_subelements %mul3A_583, 0 {pack_format = #tpu.pack_format<interleaved>} : vector<32xbf16> -> vector<16xf32>
        %unpack3A_585 = tpu.unpack_subelements %mul3A_583, 1 {pack_format = #tpu.pack_format<interleaved>} : vector<32xbf16> -> vector<16xf32>
        %add3A_586 = arith.addf %unpack3A_571, %unpack3A_584 : vector<16xf32>
        %add3A_587 = arith.addf %unpack3A_572, %unpack3A_585 : vector<16xf32>
        %get3A_588 = arith.index_cast %rem3A_294 : i32 to index
        %get3A_589 = arith.index_cast %add3A_559 : i32 to index
        %get3A_590 = arith.constant 32 : index
        %get3A_591 = tpu.vector_load %arg7[%get3A_588, %get3A_589, %get3A_590] {strides = array<i32>} : memref<3x128x64xi32, #tpu.memory_space<vmem>>, vector<16xi32>,
        %bitcast3A_592 = vector.bitcast %get3A_591 : vector<16xi32> to vector<32xbf16>
        %get3A_593 = arith.index_cast %rem3A_294 : i32 to index
        %get3A_594 = arith.index_cast %add3A_559 : i32 to index
        %get3A_595 = arith.constant 32 : index
        %get3A_596 = tpu.vector_load %arg8[%get3A_593, %get3A_594, %get3A_595] {strides = array<i32>} : memref<3x128x64xi32, #tpu.memory_space<vmem>>, vector<16xi32>,
        %bitcast3A_597 = vector.bitcast %get3A_596 : vector<16xi32> to vector<32xbf16>
        %mul3A_598 = arith.mulf %bitcast3A_592, %bitcast3A_597 : vector<32xbf16>
        %unpack3A_599 = tpu.unpack_subelements %mul3A_598, 0 {pack_format = #tpu.pack_format<interleaved>} : vector<32xbf16> -> vector<16xf32>
        %unpack3A_600 = tpu.unpack_subelements %mul3A_598, 1 {pack_format = #tpu.pack_format<interleaved>} : vector<32xbf16> -> vector<16xf32>
        %add3A_601 = arith.addf %add3A_586, %unpack3A_599 : vector<16xf32>
        %add3A_602 = arith.addf %add3A_587, %unpack3A_600 : vector<16xf32>
        %get3A_603 = arith.index_cast %rem3A_294 : i32 to index
        %get3A_604 = arith.index_cast %add3A_559 : i32 to index
        %get3A_605 = arith.constant 48 : index
        %get3A_606 = tpu.vector_load %arg7[%get3A_603, %get3A_604, %get3A_605] {strides = array<i32>} : memref<3x128x64xi32, #tpu.memory_space<vmem>>, vector<16xi32>,
        %bitcast3A_607 = vector.bitcast %get3A_606 : vector<16xi32> to vector<32xbf16>
        %get3A_608 = arith.index_cast %rem3A_294 : i32 to index
        %get3A_609 = arith.index_cast %add3A_559 : i32 to index
        %get3A_610 = arith.constant 48 : index
        %get3A_611 = tpu.vector_load %arg8[%get3A_608, %get3A_609, %get3A_610] {strides = array<i32>} : memref<3x128x64xi32, #tpu.memory_space<vmem>>, vector<16xi32>,
        %bitcast3A_612 = vector.bitcast %get3A_611 : vector<16xi32> to vector<32xbf16>
        %mul3A_613 = arith.mulf %bitcast3A_607, %bitcast3A_612 : vector<32xbf16>
        %unpack3A_614 = tpu.unpack_subelements %mul3A_613, 0 {pack_format = #tpu.pack_format<interleaved>} : vector<32xbf16> -> vector<16xf32>
        %unpack3A_615 = tpu.unpack_subelements %mul3A_613, 1 {pack_format = #tpu.pack_format<interleaved>} : vector<32xbf16> -> vector<16xf32>
        %add3A_616 = arith.addf %add3A_601, %unpack3A_614 : vector<16xf32>
        %add3A_617 = arith.addf %add3A_602, %unpack3A_615 : vector<16xf32>
        %add3A_618 = arith.addf %add3A_616, %add3A_617 : vector<16xf32>
        %broadcast_in_dim3A_619 = vector.shape_cast %and3A_32 : vector<16xi32> to vector<16x1xi32>
        %gather3A_620 = vector.shape_cast %broadcast_in_dim3A_619 : vector<16x1xi32> to vector<16xi32>
        %gather3A_621 = tpu.dynamic_gather %add3A_618[%gather3A_620] in [0] : vector<16xf32>, vector<16xi32> -> vector<16xf32>
        %select_n3A_622 = arith.select %eq3A_9, %add3A_557, %gather3A_621 : vector<16xi1>, vector<16xf32>
        %broadcast_in_dim3A_623 = vector.shape_cast %and3A_56 : vector<16xi32> to vector<16x1xi32>
        %gather3A_624 = vector.shape_cast %broadcast_in_dim3A_623 : vector<16x1xi32> to vector<16xi32>
        %gather3A_625 = tpu.dynamic_gather %add3A_557[%gather3A_624] in [0] : vector<16xf32>, vector<16xi32> -> vector<16xf32>
        %select_n3A_626 = arith.select %eq3A_9, %gather3A_625, %add3A_618 : vector<16xi1>, vector<16xf32>
        %add3A_627 = arith.addf %select_n3A_622, %select_n3A_626 : vector<16xf32>
        %broadcast_in_dim3A_628 = vector.shape_cast %and3A_38 : vector<16xi32> to vector<16x1xi32>
        %gather3A_629 = vector.shape_cast %broadcast_in_dim3A_628 : vector<16x1xi32> to vector<16xi32>
        %gather3A_630 = tpu.dynamic_gather %add3A_627[%gather3A_629] in [0] : vector<16xf32>, vector<16xi32> -> vector<16xf32>
        %select_n3A_631 = arith.select %eq3A_15, %add3A_496, %gather3A_630 : vector<16xi1>, vector<16xf32>
        %broadcast_in_dim3A_632 = vector.shape_cast %and3A_62 : vector<16xi32> to vector<16x1xi32>
        %gather3A_633 = vector.shape_cast %broadcast_in_dim3A_632 : vector<16x1xi32> to vector<16xi32>
        %gather3A_634 = tpu.dynamic_gather %add3A_496[%gather3A_633] in [0] : vector<16xf32>, vector<16xi32> -> vector<16xf32>
        %select_n3A_635 = arith.select %eq3A_15, %gather3A_634, %add3A_627 : vector<16xi1>, vector<16xf32>
        %add3A_636 = arith.addf %select_n3A_631, %select_n3A_635 : vector<16xf32>
        %mul3A_637 = arith.constant 16 : i32
        %mul3A_638 = arith.muli %scan3A_367, %mul3A_637 : i32
        %add3A_639 = arith.constant 4 : i32
        %add3A_640 = arith.addi %mul3A_638, %add3A_639 : i32
        %get3A_641 = arith.index_cast %rem3A_294 : i32 to index
        %get3A_642 = arith.index_cast %add3A_640 : i32 to index
        %get3A_643 = arith.constant 0 : index
        %get3A_644 = tpu.vector_load %arg7[%get3A_641, %get3A_642, %get3A_643] {strides = array<i32>} : memref<3x128x64xi32, #tpu.memory_space<vmem>>, vector<16xi32>,
        %bitcast3A_645 = vector.bitcast %get3A_644 : vector<16xi32> to vector<32xbf16>
        %get3A_646 = arith.index_cast %rem3A_294 : i32 to index
        %get3A_647 = arith.index_cast %add3A_640 : i32 to index
        %get3A_648 = arith.constant 0 : index
        %get3A_649 = tpu.vector_load %arg8[%get3A_646, %get3A_647, %get3A_648] {strides = array<i32>} : memref<3x128x64xi32, #tpu.memory_space<vmem>>, vector<16xi32>,
        %bitcast3A_650 = vector.bitcast %get3A_649 : vector<16xi32> to vector<32xbf16>
        %mul3A_651 = arith.mulf %bitcast3A_645, %bitcast3A_650 : vector<32xbf16>
        %unpack3A_652 = tpu.unpack_subelements %mul3A_651, 0 {pack_format = #tpu.pack_format<interleaved>} : vector<32xbf16> -> vector<16xf32>
        %unpack3A_653 = tpu.unpack_subelements %mul3A_651, 1 {pack_format = #tpu.pack_format<interleaved>} : vector<32xbf16> -> vector<16xf32>
        %get3A_654 = arith.index_cast %rem3A_294 : i32 to index
        %get3A_655 = arith.index_cast %add3A_640 : i32 to index
        %get3A_656 = arith.constant 16 : index
        %get3A_657 = tpu.vector_load %arg7[%get3A_654, %get3A_655, %get3A_656] {strides = array<i32>} : memref<3x128x64xi32, #tpu.memory_space<vmem>>, vector<16xi32>,
        %bitcast3A_658 = vector.bitcast %get3A_657 : vector<16xi32> to vector<32xbf16>
        %get3A_659 = arith.index_cast %rem3A_294 : i32 to index
        %get3A_660 = arith.index_cast %add3A_640 : i32 to index
        %get3A_661 = arith.constant 16 : index
        %get3A_662 = tpu.vector_load %arg8[%get3A_659, %get3A_660, %get3A_661] {strides = array<i32>} : memref<3x128x64xi32, #tpu.memory_space<vmem>>, vector<16xi32>,
        %bitcast3A_663 = vector.bitcast %get3A_662 : vector<16xi32> to vector<32xbf16>
        %mul3A_664 = arith.mulf %bitcast3A_658, %bitcast3A_663 : vector<32xbf16>
        %unpack3A_665 = tpu.unpack_subelements %mul3A_664, 0 {pack_format = #tpu.pack_format<interleaved>} : vector<32xbf16> -> vector<16xf32>
        %unpack3A_666 = tpu.unpack_subelements %mul3A_664, 1 {pack_format = #tpu.pack_format<interleaved>} : vector<32xbf16> -> vector<16xf32>
        %add3A_667 = arith.addf %unpack3A_652, %unpack3A_665 : vector<16xf32>
        %add3A_668 = arith.addf %unpack3A_653, %unpack3A_666 : vector<16xf32>
        %get3A_669 = arith.index_cast %rem3A_294 : i32 to index
        %get3A_670 = arith.index_cast %add3A_640 : i32 to index
        %get3A_671 = arith.constant 32 : index
        %get3A_672 = tpu.vector_load %arg7[%get3A_669, %get3A_670, %get3A_671] {strides = array<i32>} : memref<3x128x64xi32, #tpu.memory_space<vmem>>, vector<16xi32>,
        %bitcast3A_673 = vector.bitcast %get3A_672 : vector<16xi32> to vector<32xbf16>
        %get3A_674 = arith.index_cast %rem3A_294 : i32 to index
        %get3A_675 = arith.index_cast %add3A_640 : i32 to index
        %get3A_676 = arith.constant 32 : index
        %get3A_677 = tpu.vector_load %arg8[%get3A_674, %get3A_675, %get3A_676] {strides = array<i32>} : memref<3x128x64xi32, #tpu.memory_space<vmem>>, vector<16xi32>,
        %bitcast3A_678 = vector.bitcast %get3A_677 : vector<16xi32> to vector<32xbf16>
        %mul3A_679 = arith.mulf %bitcast3A_673, %bitcast3A_678 : vector<32xbf16>
        %unpack3A_680 = tpu.unpack_subelements %mul3A_679, 0 {pack_format = #tpu.pack_format<interleaved>} : vector<32xbf16> -> vector<16xf32>
        %unpack3A_681 = tpu.unpack_subelements %mul3A_679, 1 {pack_format = #tpu.pack_format<interleaved>} : vector<32xbf16> -> vector<16xf32>
        %add3A_682 = arith.addf %add3A_667, %unpack3A_680 : vector<16xf32>
        %add3A_683 = arith.addf %add3A_668, %unpack3A_681 : vector<16xf32>
        %get3A_684 = arith.index_cast %rem3A_294 : i32 to index
        %get3A_685 = arith.index_cast %add3A_640 : i32 to index
        %get3A_686 = arith.constant 48 : index
        %get3A_687 = tpu.vector_load %arg7[%get3A_684, %get3A_685, %get3A_686] {strides = array<i32>} : memref<3x128x64xi32, #tpu.memory_space<vmem>>, vector<16xi32>,
        %bitcast3A_688 = vector.bitcast %get3A_687 : vector<16xi32> to vector<32xbf16>
        %get3A_689 = arith.index_cast %rem3A_294 : i32 to index
        %get3A_690 = arith.index_cast %add3A_640 : i32 to index
        %get3A_691 = arith.constant 48 : index
        %get3A_692 = tpu.vector_load %arg8[%get3A_689, %get3A_690, %get3A_691] {strides = array<i32>} : memref<3x128x64xi32, #tpu.memory_space<vmem>>, vector<16xi32>,
        %bitcast3A_693 = vector.bitcast %get3A_692 : vector<16xi32> to vector<32xbf16>
        %mul3A_694 = arith.mulf %bitcast3A_688, %bitcast3A_693 : vector<32xbf16>
        %unpack3A_695 = tpu.unpack_subelements %mul3A_694, 0 {pack_format = #tpu.pack_format<interleaved>} : vector<32xbf16> -> vector<16xf32>
        %unpack3A_696 = tpu.unpack_subelements %mul3A_694, 1 {pack_format = #tpu.pack_format<interleaved>} : vector<32xbf16> -> vector<16xf32>
        %add3A_697 = arith.addf %add3A_682, %unpack3A_695 : vector<16xf32>
        %add3A_698 = arith.addf %add3A_683, %unpack3A_696 : vector<16xf32>
        %add3A_699 = arith.addf %add3A_697, %add3A_698 : vector<16xf32>
        %add3A_700 = arith.constant 1 : i32
        %add3A_701 = arith.addi %add3A_640, %add3A_700 : i32
        %get3A_702 = arith.index_cast %rem3A_294 : i32 to index
        %get3A_703 = arith.index_cast %add3A_701 : i32 to index
        %get3A_704 = arith.constant 0 : index
        %get3A_705 = tpu.vector_load %arg7[%get3A_702, %get3A_703, %get3A_704] {strides = array<i32>} : memref<3x128x64xi32, #tpu.memory_space<vmem>>, vector<16xi32>,
        %bitcast3A_706 = vector.bitcast %get3A_705 : vector<16xi32> to vector<32xbf16>
        %get3A_707 = arith.index_cast %rem3A_294 : i32 to index
        %get3A_708 = arith.index_cast %add3A_701 : i32 to index
        %get3A_709 = arith.constant 0 : index
        %get3A_710 = tpu.vector_load %arg8[%get3A_707, %get3A_708, %get3A_709] {strides = array<i32>} : memref<3x128x64xi32, #tpu.memory_space<vmem>>, vector<16xi32>,
        %bitcast3A_711 = vector.bitcast %get3A_710 : vector<16xi32> to vector<32xbf16>
        %mul3A_712 = arith.mulf %bitcast3A_706, %bitcast3A_711 : vector<32xbf16>
        %unpack3A_713 = tpu.unpack_subelements %mul3A_712, 0 {pack_format = #tpu.pack_format<interleaved>} : vector<32xbf16> -> vector<16xf32>
        %unpack3A_714 = tpu.unpack_subelements %mul3A_712, 1 {pack_format = #tpu.pack_format<interleaved>} : vector<32xbf16> -> vector<16xf32>
        %get3A_715 = arith.index_cast %rem3A_294 : i32 to index
        %get3A_716 = arith.index_cast %add3A_701 : i32 to index
        %get3A_717 = arith.constant 16 : index
        %get3A_718 = tpu.vector_load %arg7[%get3A_715, %get3A_716, %get3A_717] {strides = array<i32>} : memref<3x128x64xi32, #tpu.memory_space<vmem>>, vector<16xi32>,
        %bitcast3A_719 = vector.bitcast %get3A_718 : vector<16xi32> to vector<32xbf16>
        %get3A_720 = arith.index_cast %rem3A_294 : i32 to index
        %get3A_721 = arith.index_cast %add3A_701 : i32 to index
        %get3A_722 = arith.constant 16 : index
        %get3A_723 = tpu.vector_load %arg8[%get3A_720, %get3A_721, %get3A_722] {strides = array<i32>} : memref<3x128x64xi32, #tpu.memory_space<vmem>>, vector<16xi32>,
        %bitcast3A_724 = vector.bitcast %get3A_723 : vector<16xi32> to vector<32xbf16>
        %mul3A_725 = arith.mulf %bitcast3A_719, %bitcast3A_724 : vector<32xbf16>
        %unpack3A_726 = tpu.unpack_subelements %mul3A_725, 0 {pack_format = #tpu.pack_format<interleaved>} : vector<32xbf16> -> vector<16xf32>
        %unpack3A_727 = tpu.unpack_subelements %mul3A_725, 1 {pack_format = #tpu.pack_format<interleaved>} : vector<32xbf16> -> vector<16xf32>
        %add3A_728 = arith.addf %unpack3A_713, %unpack3A_726 : vector<16xf32>
        %add3A_729 = arith.addf %unpack3A_714, %unpack3A_727 : vector<16xf32>
        %get3A_730 = arith.index_cast %rem3A_294 : i32 to index
        %get3A_731 = arith.index_cast %add3A_701 : i32 to index
        %get3A_732 = arith.constant 32 : index
        %get3A_733 = tpu.vector_load %arg7[%get3A_730, %get3A_731, %get3A_732] {strides = array<i32>} : memref<3x128x64xi32, #tpu.memory_space<vmem>>, vector<16xi32>,
        %bitcast3A_734 = vector.bitcast %get3A_733 : vector<16xi32> to vector<32xbf16>
        %get3A_735 = arith.index_cast %rem3A_294 : i32 to index
        %get3A_736 = arith.index_cast %add3A_701 : i32 to index
        %get3A_737 = arith.constant 32 : index
        %get3A_738 = tpu.vector_load %arg8[%get3A_735, %get3A_736, %get3A_737] {strides = array<i32>} : memref<3x128x64xi32, #tpu.memory_space<vmem>>, vector<16xi32>,
        %bitcast3A_739 = vector.bitcast %get3A_738 : vector<16xi32> to vector<32xbf16>
        %mul3A_740 = arith.mulf %bitcast3A_734, %bitcast3A_739 : vector<32xbf16>
        %unpack3A_741 = tpu.unpack_subelements %mul3A_740, 0 {pack_format = #tpu.pack_format<interleaved>} : vector<32xbf16> -> vector<16xf32>
        %unpack3A_742 = tpu.unpack_subelements %mul3A_740, 1 {pack_format = #tpu.pack_format<interleaved>} : vector<32xbf16> -> vector<16xf32>
        %add3A_743 = arith.addf %add3A_728, %unpack3A_741 : vector<16xf32>
        %add3A_744 = arith.addf %add3A_729, %unpack3A_742 : vector<16xf32>
        %get3A_745 = arith.index_cast %rem3A_294 : i32 to index
        %get3A_746 = arith.index_cast %add3A_701 : i32 to index
        %get3A_747 = arith.constant 48 : index
        %get3A_748 = tpu.vector_load %arg7[%get3A_745, %get3A_746, %get3A_747] {strides = array<i32>} : memref<3x128x64xi32, #tpu.memory_space<vmem>>, vector<16xi32>,
        %bitcast3A_749 = vector.bitcast %get3A_748 : vector<16xi32> to vector<32xbf16>
        %get3A_750 = arith.index_cast %rem3A_294 : i32 to index
        %get3A_751 = arith.index_cast %add3A_701 : i32 to index
        %get3A_752 = arith.constant 48 : index
        %get3A_753 = tpu.vector_load %arg8[%get3A_750, %get3A_751, %get3A_752] {strides = array<i32>} : memref<3x128x64xi32, #tpu.memory_space<vmem>>, vector<16xi32>,
        %bitcast3A_754 = vector.bitcast %get3A_753 : vector<16xi32> to vector<32xbf16>
        %mul3A_755 = arith.mulf %bitcast3A_749, %bitcast3A_754 : vector<32xbf16>
        %unpack3A_756 = tpu.unpack_subelements %mul3A_755, 0 {pack_format = #tpu.pack_format<interleaved>} : vector<32xbf16> -> vector<16xf32>
        %unpack3A_757 = tpu.unpack_subelements %mul3A_755, 1 {pack_format = #tpu.pack_format<interleaved>} : vector<32xbf16> -> vector<16xf32>
        %add3A_758 = arith.addf %add3A_743, %unpack3A_756 : vector<16xf32>
        %add3A_759 = arith.addf %add3A_744, %unpack3A_757 : vector<16xf32>
        %add3A_760 = arith.addf %add3A_758, %add3A_759 : vector<16xf32>
        %broadcast_in_dim3A_761 = vector.shape_cast %and3A_32 : vector<16xi32> to vector<16x1xi32>
        %gather3A_762 = vector.shape_cast %broadcast_in_dim3A_761 : vector<16x1xi32> to vector<16xi32>
        %gather3A_763 = tpu.dynamic_gather %add3A_760[%gather3A_762] in [0] : vector<16xf32>, vector<16xi32> -> vector<16xf32>
        %select_n3A_764 = arith.select %eq3A_9, %add3A_699, %gather3A_763 : vector<16xi1>, vector<16xf32>
        %broadcast_in_dim3A_765 = vector.shape_cast %and3A_56 : vector<16xi32> to vector<16x1xi32>
        %gather3A_766 = vector.shape_cast %broadcast_in_dim3A_765 : vector<16x1xi32> to vector<16xi32>
        %gather3A_767 = tpu.dynamic_gather %add3A_699[%gather3A_766] in [0] : vector<16xf32>, vector<16xi32> -> vector<16xf32>
        %select_n3A_768 = arith.select %eq3A_9, %gather3A_767, %add3A_760 : vector<16xi1>, vector<16xf32>
        %add3A_769 = arith.addf %select_n3A_764, %select_n3A_768 : vector<16xf32>
        %add3A_770 = arith.constant 2 : i32
        %add3A_771 = arith.addi %add3A_640, %add3A_770 : i32
        %get3A_772 = arith.index_cast %rem3A_294 : i32 to index
        %get3A_773 = arith.index_cast %add3A_771 : i32 to index
        %get3A_774 = arith.constant 0 : index
        %get3A_775 = tpu.vector_load %arg7[%get3A_772, %get3A_773, %get3A_774] {strides = array<i32>} : memref<3x128x64xi32, #tpu.memory_space<vmem>>, vector<16xi32>,
        %bitcast3A_776 = vector.bitcast %get3A_775 : vector<16xi32> to vector<32xbf16>
        %get3A_777 = arith.index_cast %rem3A_294 : i32 to index
        %get3A_778 = arith.index_cast %add3A_771 : i32 to index
        %get3A_779 = arith.constant 0 : index
        %get3A_780 = tpu.vector_load %arg8[%get3A_777, %get3A_778, %get3A_779] {strides = array<i32>} : memref<3x128x64xi32, #tpu.memory_space<vmem>>, vector<16xi32>,
        %bitcast3A_781 = vector.bitcast %get3A_780 : vector<16xi32> to vector<32xbf16>
        %mul3A_782 = arith.mulf %bitcast3A_776, %bitcast3A_781 : vector<32xbf16>
        %unpack3A_783 = tpu.unpack_subelements %mul3A_782, 0 {pack_format = #tpu.pack_format<interleaved>} : vector<32xbf16> -> vector<16xf32>
        %unpack3A_784 = tpu.unpack_subelements %mul3A_782, 1 {pack_format = #tpu.pack_format<interleaved>} : vector<32xbf16> -> vector<16xf32>
        %get3A_785 = arith.index_cast %rem3A_294 : i32 to index
        %get3A_786 = arith.index_cast %add3A_771 : i32 to index
        %get3A_787 = arith.constant 16 : index
        %get3A_788 = tpu.vector_load %arg7[%get3A_785, %get3A_786, %get3A_787] {strides = array<i32>} : memref<3x128x64xi32, #tpu.memory_space<vmem>>, vector<16xi32>,
        %bitcast3A_789 = vector.bitcast %get3A_788 : vector<16xi32> to vector<32xbf16>
        %get3A_790 = arith.index_cast %rem3A_294 : i32 to index
        %get3A_791 = arith.index_cast %add3A_771 : i32 to index
        %get3A_792 = arith.constant 16 : index
        %get3A_793 = tpu.vector_load %arg8[%get3A_790, %get3A_791, %get3A_792] {strides = array<i32>} : memref<3x128x64xi32, #tpu.memory_space<vmem>>, vector<16xi32>,
        %bitcast3A_794 = vector.bitcast %get3A_793 : vector<16xi32> to vector<32xbf16>
        %mul3A_795 = arith.mulf %bitcast3A_789, %bitcast3A_794 : vector<32xbf16>
        %unpack3A_796 = tpu.unpack_subelements %mul3A_795, 0 {pack_format = #tpu.pack_format<interleaved>} : vector<32xbf16> -> vector<16xf32>
        %unpack3A_797 = tpu.unpack_subelements %mul3A_795, 1 {pack_format = #tpu.pack_format<interleaved>} : vector<32xbf16> -> vector<16xf32>
        %add3A_798 = arith.addf %unpack3A_783, %unpack3A_796 : vector<16xf32>
        %add3A_799 = arith.addf %unpack3A_784, %unpack3A_797 : vector<16xf32>
        %get3A_800 = arith.index_cast %rem3A_294 : i32 to index
        %get3A_801 = arith.index_cast %add3A_771 : i32 to index
        %get3A_802 = arith.constant 32 : index
        %get3A_803 = tpu.vector_load %arg7[%get3A_800, %get3A_801, %get3A_802] {strides = array<i32>} : memref<3x128x64xi32, #tpu.memory_space<vmem>>, vector<16xi32>,
        %bitcast3A_804 = vector.bitcast %get3A_803 : vector<16xi32> to vector<32xbf16>
        %get3A_805 = arith.index_cast %rem3A_294 : i32 to index
        %get3A_806 = arith.index_cast %add3A_771 : i32 to index
        %get3A_807 = arith.constant 32 : index
        %get3A_808 = tpu.vector_load %arg8[%get3A_805, %get3A_806, %get3A_807] {strides = array<i32>} : memref<3x128x64xi32, #tpu.memory_space<vmem>>, vector<16xi32>,
        %bitcast3A_809 = vector.bitcast %get3A_808 : vector<16xi32> to vector<32xbf16>
        %mul3A_810 = arith.mulf %bitcast3A_804, %bitcast3A_809 : vector<32xbf16>
        %unpack3A_811 = tpu.unpack_subelements %mul3A_810, 0 {pack_format = #tpu.pack_format<interleaved>} : vector<32xbf16> -> vector<16xf32>
        %unpack3A_812 = tpu.unpack_subelements %mul3A_810, 1 {pack_format = #tpu.pack_format<interleaved>} : vector<32xbf16> -> vector<16xf32>
        %add3A_813 = arith.addf %add3A_798, %unpack3A_811 : vector<16xf32>
        %add3A_814 = arith.addf %add3A_799, %unpack3A_812 : vector<16xf32>
        %get3A_815 = arith.index_cast %rem3A_294 : i32 to index
        %get3A_816 = arith.index_cast %add3A_771 : i32 to index
        %get3A_817 = arith.constant 48 : index
        %get3A_818 = tpu.vector_load %arg7[%get3A_815, %get3A_816, %get3A_817] {strides = array<i32>} : memref<3x128x64xi32, #tpu.memory_space<vmem>>, vector<16xi32>,
        %bitcast3A_819 = vector.bitcast %get3A_818 : vector<16xi32> to vector<32xbf16>
        %get3A_820 = arith.index_cast %rem3A_294 : i32 to index
        %get3A_821 = arith.index_cast %add3A_771 : i32 to index
        %get3A_822 = arith.constant 48 : index
        %get3A_823 = tpu.vector_load %arg8[%get3A_820, %get3A_821, %get3A_822] {strides = array<i32>} : memref<3x128x64xi32, #tpu.memory_space<vmem>>, vector<16xi32>,
        %bitcast3A_824 = vector.bitcast %get3A_823 : vector<16xi32> to vector<32xbf16>
        %mul3A_825 = arith.mulf %bitcast3A_819, %bitcast3A_824 : vector<32xbf16>
        %unpack3A_826 = tpu.unpack_subelements %mul3A_825, 0 {pack_format = #tpu.pack_format<interleaved>} : vector<32xbf16> -> vector<16xf32>
        %unpack3A_827 = tpu.unpack_subelements %mul3A_825, 1 {pack_format = #tpu.pack_format<interleaved>} : vector<32xbf16> -> vector<16xf32>
        %add3A_828 = arith.addf %add3A_813, %unpack3A_826 : vector<16xf32>
        %add3A_829 = arith.addf %add3A_814, %unpack3A_827 : vector<16xf32>
        %add3A_830 = arith.addf %add3A_828, %add3A_829 : vector<16xf32>
        %add3A_831 = arith.constant 3 : i32
        %add3A_832 = arith.addi %add3A_640, %add3A_831 : i32
        %get3A_833 = arith.index_cast %rem3A_294 : i32 to index
        %get3A_834 = arith.index_cast %add3A_832 : i32 to index
        %get3A_835 = arith.constant 0 : index
        %get3A_836 = tpu.vector_load %arg7[%get3A_833, %get3A_834, %get3A_835] {strides = array<i32>} : memref<3x128x64xi32, #tpu.memory_space<vmem>>, vector<16xi32>,
        %bitcast3A_837 = vector.bitcast %get3A_836 : vector<16xi32> to vector<32xbf16>
        %get3A_838 = arith.index_cast %rem3A_294 : i32 to index
        %get3A_839 = arith.index_cast %add3A_832 : i32 to index
        %get3A_840 = arith.constant 0 : index
        %get3A_841 = tpu.vector_load %arg8[%get3A_838, %get3A_839, %get3A_840] {strides = array<i32>} : memref<3x128x64xi32, #tpu.memory_space<vmem>>, vector<16xi32>,
        %bitcast3A_842 = vector.bitcast %get3A_841 : vector<16xi32> to vector<32xbf16>
        %mul3A_843 = arith.mulf %bitcast3A_837, %bitcast3A_842 : vector<32xbf16>
        %unpack3A_844 = tpu.unpack_subelements %mul3A_843, 0 {pack_format = #tpu.pack_format<interleaved>} : vector<32xbf16> -> vector<16xf32>
        %unpack3A_845 = tpu.unpack_subelements %mul3A_843, 1 {pack_format = #tpu.pack_format<interleaved>} : vector<32xbf16> -> vector<16xf32>
        %get3A_846 = arith.index_cast %rem3A_294 : i32 to index
        %get3A_847 = arith.index_cast %add3A_832 : i32 to index
        %get3A_848 = arith.constant 16 : index
        %get3A_849 = tpu.vector_load %arg7[%get3A_846, %get3A_847, %get3A_848] {strides = array<i32>} : memref<3x128x64xi32, #tpu.memory_space<vmem>>, vector<16xi32>,
        %bitcast3A_850 = vector.bitcast %get3A_849 : vector<16xi32> to vector<32xbf16>
        %get3A_851 = arith.index_cast %rem3A_294 : i32 to index
        %get3A_852 = arith.index_cast %add3A_832 : i32 to index
        %get3A_853 = arith.constant 16 : index
        %get3A_854 = tpu.vector_load %arg8[%get3A_851, %get3A_852, %get3A_853] {strides = array<i32>} : memref<3x128x64xi32, #tpu.memory_space<vmem>>, vector<16xi32>,
        %bitcast3A_855 = vector.bitcast %get3A_854 : vector<16xi32> to vector<32xbf16>
        %mul3A_856 = arith.mulf %bitcast3A_850, %bitcast3A_855 : vector<32xbf16>
        %unpack3A_857 = tpu.unpack_subelements %mul3A_856, 0 {pack_format = #tpu.pack_format<interleaved>} : vector<32xbf16> -> vector<16xf32>
        %unpack3A_858 = tpu.unpack_subelements %mul3A_856, 1 {pack_format = #tpu.pack_format<interleaved>} : vector<32xbf16> -> vector<16xf32>
        %add3A_859 = arith.addf %unpack3A_844, %unpack3A_857 : vector<16xf32>
        %add3A_860 = arith.addf %unpack3A_845, %unpack3A_858 : vector<16xf32>
        %get3A_861 = arith.index_cast %rem3A_294 : i32 to index
        %get3A_862 = arith.index_cast %add3A_832 : i32 to index
        %get3A_863 = arith.constant 32 : index
        %get3A_864 = tpu.vector_load %arg7[%get3A_861, %get3A_862, %get3A_863] {strides = array<i32>} : memref<3x128x64xi32, #tpu.memory_space<vmem>>, vector<16xi32>,
        %bitcast3A_865 = vector.bitcast %get3A_864 : vector<16xi32> to vector<32xbf16>
        %get3A_866 = arith.index_cast %rem3A_294 : i32 to index
        %get3A_867 = arith.index_cast %add3A_832 : i32 to index
        %get3A_868 = arith.constant 32 : index
        %get3A_869 = tpu.vector_load %arg8[%get3A_866, %get3A_867, %get3A_868] {strides = array<i32>} : memref<3x128x64xi32, #tpu.memory_space<vmem>>, vector<16xi32>,
        %bitcast3A_870 = vector.bitcast %get3A_869 : vector<16xi32> to vector<32xbf16>
        %mul3A_871 = arith.mulf %bitcast3A_865, %bitcast3A_870 : vector<32xbf16>
        %unpack3A_872 = tpu.unpack_subelements %mul3A_871, 0 {pack_format = #tpu.pack_format<interleaved>} : vector<32xbf16> -> vector<16xf32>
        %unpack3A_873 = tpu.unpack_subelements %mul3A_871, 1 {pack_format = #tpu.pack_format<interleaved>} : vector<32xbf16> -> vector<16xf32>
        %add3A_874 = arith.addf %add3A_859, %unpack3A_872 : vector<16xf32>
        %add3A_875 = arith.addf %add3A_860, %unpack3A_873 : vector<16xf32>
        %get3A_876 = arith.index_cast %rem3A_294 : i32 to index
        %get3A_877 = arith.index_cast %add3A_832 : i32 to index
        %get3A_878 = arith.constant 48 : index
        %get3A_879 = tpu.vector_load %arg7[%get3A_876, %get3A_877, %get3A_878] {strides = array<i32>} : memref<3x128x64xi32, #tpu.memory_space<vmem>>, vector<16xi32>,
        %bitcast3A_880 = vector.bitcast %get3A_879 : vector<16xi32> to vector<32xbf16>
        %get3A_881 = arith.index_cast %rem3A_294 : i32 to index
        %get3A_882 = arith.index_cast %add3A_832 : i32 to index
        %get3A_883 = arith.constant 48 : index
        %get3A_884 = tpu.vector_load %arg8[%get3A_881, %get3A_882, %get3A_883] {strides = array<i32>} : memref<3x128x64xi32, #tpu.memory_space<vmem>>, vector<16xi32>,
        %bitcast3A_885 = vector.bitcast %get3A_884 : vector<16xi32> to vector<32xbf16>
        %mul3A_886 = arith.mulf %bitcast3A_880, %bitcast3A_885 : vector<32xbf16>
        %unpack3A_887 = tpu.unpack_subelements %mul3A_886, 0 {pack_format = #tpu.pack_format<interleaved>} : vector<32xbf16> -> vector<16xf32>
        %unpack3A_888 = tpu.unpack_subelements %mul3A_886, 1 {pack_format = #tpu.pack_format<interleaved>} : vector<32xbf16> -> vector<16xf32>
        %add3A_889 = arith.addf %add3A_874, %unpack3A_887 : vector<16xf32>
        %add3A_890 = arith.addf %add3A_875, %unpack3A_888 : vector<16xf32>
        %add3A_891 = arith.addf %add3A_889, %add3A_890 : vector<16xf32>
        %broadcast_in_dim3A_892 = vector.shape_cast %and3A_32 : vector<16xi32> to vector<16x1xi32>
        %gather3A_893 = vector.shape_cast %broadcast_in_dim3A_892 : vector<16x1xi32> to vector<16xi32>
        %gather3A_894 = tpu.dynamic_gather %add3A_891[%gather3A_893] in [0] : vector<16xf32>, vector<16xi32> -> vector<16xf32>
        %select_n3A_895 = arith.select %eq3A_9, %add3A_830, %gather3A_894 : vector<16xi1>, vector<16xf32>
        %broadcast_in_dim3A_896 = vector.shape_cast %and3A_56 : vector<16xi32> to vector<16x1xi32>
        %gather3A_897 = vector.shape_cast %broadcast_in_dim3A_896 : vector<16x1xi32> to vector<16xi32>
        %gather3A_898 = tpu.dynamic_gather %add3A_830[%gather3A_897] in [0] : vector<16xf32>, vector<16xi32> -> vector<16xf32>
        %select_n3A_899 = arith.select %eq3A_9, %gather3A_898, %add3A_891 : vector<16xi1>, vector<16xf32>
        %add3A_900 = arith.addf %select_n3A_895, %select_n3A_899 : vector<16xf32>
        %broadcast_in_dim3A_901 = vector.shape_cast %and3A_38 : vector<16xi32> to vector<16x1xi32>
        %gather3A_902 = vector.shape_cast %broadcast_in_dim3A_901 : vector<16x1xi32> to vector<16xi32>
        %gather3A_903 = tpu.dynamic_gather %add3A_900[%gather3A_902] in [0] : vector<16xf32>, vector<16xi32> -> vector<16xf32>
        %select_n3A_904 = arith.select %eq3A_15, %add3A_769, %gather3A_903 : vector<16xi1>, vector<16xf32>
        %broadcast_in_dim3A_905 = vector.shape_cast %and3A_62 : vector<16xi32> to vector<16x1xi32>
        %gather3A_906 = vector.shape_cast %broadcast_in_dim3A_905 : vector<16x1xi32> to vector<16xi32>
        %gather3A_907 = tpu.dynamic_gather %add3A_769[%gather3A_906] in [0] : vector<16xf32>, vector<16xi32> -> vector<16xf32>
        %select_n3A_908 = arith.select %eq3A_15, %gather3A_907, %add3A_900 : vector<16xi1>, vector<16xf32>
        %add3A_909 = arith.addf %select_n3A_904, %select_n3A_908 : vector<16xf32>
        %mul3A_910 = arith.constant 16 : i32
        %mul3A_911 = arith.muli %scan3A_367, %mul3A_910 : i32
        %add3A_912 = arith.constant 8 : i32
        %add3A_913 = arith.addi %mul3A_911, %add3A_912 : i32
        %get3A_914 = arith.index_cast %rem3A_294 : i32 to index
        %get3A_915 = arith.index_cast %add3A_913 : i32 to index
        %get3A_916 = arith.constant 0 : index
        %get3A_917 = tpu.vector_load %arg7[%get3A_914, %get3A_915, %get3A_916] {strides = array<i32>} : memref<3x128x64xi32, #tpu.memory_space<vmem>>, vector<16xi32>,
        %bitcast3A_918 = vector.bitcast %get3A_917 : vector<16xi32> to vector<32xbf16>
        %get3A_919 = arith.index_cast %rem3A_294 : i32 to index
        %get3A_920 = arith.index_cast %add3A_913 : i32 to index
        %get3A_921 = arith.constant 0 : index
        %get3A_922 = tpu.vector_load %arg8[%get3A_919, %get3A_920, %get3A_921] {strides = array<i32>} : memref<3x128x64xi32, #tpu.memory_space<vmem>>, vector<16xi32>,
        %bitcast3A_923 = vector.bitcast %get3A_922 : vector<16xi32> to vector<32xbf16>
        %mul3A_924 = arith.mulf %bitcast3A_918, %bitcast3A_923 : vector<32xbf16>
        %unpack3A_925 = tpu.unpack_subelements %mul3A_924, 0 {pack_format = #tpu.pack_format<interleaved>} : vector<32xbf16> -> vector<16xf32>
        %unpack3A_926 = tpu.unpack_subelements %mul3A_924, 1 {pack_format = #tpu.pack_format<interleaved>} : vector<32xbf16> -> vector<16xf32>
        %get3A_927 = arith.index_cast %rem3A_294 : i32 to index
        %get3A_928 = arith.index_cast %add3A_913 : i32 to index
        %get3A_929 = arith.constant 16 : index
        %get3A_930 = tpu.vector_load %arg7[%get3A_927, %get3A_928, %get3A_929] {strides = array<i32>} : memref<3x128x64xi32, #tpu.memory_space<vmem>>, vector<16xi32>,
        %bitcast3A_931 = vector.bitcast %get3A_930 : vector<16xi32> to vector<32xbf16>
        %get3A_932 = arith.index_cast %rem3A_294 : i32 to index
        %get3A_933 = arith.index_cast %add3A_913 : i32 to index
        %get3A_934 = arith.constant 16 : index
        %get3A_935 = tpu.vector_load %arg8[%get3A_932, %get3A_933, %get3A_934] {strides = array<i32>} : memref<3x128x64xi32, #tpu.memory_space<vmem>>, vector<16xi32>,
        %bitcast3A_936 = vector.bitcast %get3A_935 : vector<16xi32> to vector<32xbf16>
        %mul3A_937 = arith.mulf %bitcast3A_931, %bitcast3A_936 : vector<32xbf16>
        %unpack3A_938 = tpu.unpack_subelements %mul3A_937, 0 {pack_format = #tpu.pack_format<interleaved>} : vector<32xbf16> -> vector<16xf32>
        %unpack3A_939 = tpu.unpack_subelements %mul3A_937, 1 {pack_format = #tpu.pack_format<interleaved>} : vector<32xbf16> -> vector<16xf32>
        %add3A_940 = arith.addf %unpack3A_925, %unpack3A_938 : vector<16xf32>
        %add3A_941 = arith.addf %unpack3A_926, %unpack3A_939 : vector<16xf32>
        %get3A_942 = arith.index_cast %rem3A_294 : i32 to index
        %get3A_943 = arith.index_cast %add3A_913 : i32 to index
        %get3A_944 = arith.constant 32 : index
        %get3A_945 = tpu.vector_load %arg7[%get3A_942, %get3A_943, %get3A_944] {strides = array<i32>} : memref<3x128x64xi32, #tpu.memory_space<vmem>>, vector<16xi32>,
        %bitcast3A_946 = vector.bitcast %get3A_945 : vector<16xi32> to vector<32xbf16>
        %get3A_947 = arith.index_cast %rem3A_294 : i32 to index
        %get3A_948 = arith.index_cast %add3A_913 : i32 to index
        %get3A_949 = arith.constant 32 : index
        %get3A_950 = tpu.vector_load %arg8[%get3A_947, %get3A_948, %get3A_949] {strides = array<i32>} : memref<3x128x64xi32, #tpu.memory_space<vmem>>, vector<16xi32>,
        %bitcast3A_951 = vector.bitcast %get3A_950 : vector<16xi32> to vector<32xbf16>
        %mul3A_952 = arith.mulf %bitcast3A_946, %bitcast3A_951 : vector<32xbf16>
        %unpack3A_953 = tpu.unpack_subelements %mul3A_952, 0 {pack_format = #tpu.pack_format<interleaved>} : vector<32xbf16> -> vector<16xf32>
        %unpack3A_954 = tpu.unpack_subelements %mul3A_952, 1 {pack_format = #tpu.pack_format<interleaved>} : vector<32xbf16> -> vector<16xf32>
        %add3A_955 = arith.addf %add3A_940, %unpack3A_953 : vector<16xf32>
        %add3A_956 = arith.addf %add3A_941, %unpack3A_954 : vector<16xf32>
        %get3A_957 = arith.index_cast %rem3A_294 : i32 to index
        %get3A_958 = arith.index_cast %add3A_913 : i32 to index
        %get3A_959 = arith.constant 48 : index
        %get3A_960 = tpu.vector_load %arg7[%get3A_957, %get3A_958, %get3A_959] {strides = array<i32>} : memref<3x128x64xi32, #tpu.memory_space<vmem>>, vector<16xi32>,
        %bitcast3A_961 = vector.bitcast %get3A_960 : vector<16xi32> to vector<32xbf16>
        %get3A_962 = arith.index_cast %rem3A_294 : i32 to index
        %get3A_963 = arith.index_cast %add3A_913 : i32 to index
        %get3A_964 = arith.constant 48 : index
        %get3A_965 = tpu.vector_load %arg8[%get3A_962, %get3A_963, %get3A_964] {strides = array<i32>} : memref<3x128x64xi32, #tpu.memory_space<vmem>>, vector<16xi32>,
        %bitcast3A_966 = vector.bitcast %get3A_965 : vector<16xi32> to vector<32xbf16>
        %mul3A_967 = arith.mulf %bitcast3A_961, %bitcast3A_966 : vector<32xbf16>
        %unpack3A_968 = tpu.unpack_subelements %mul3A_967, 0 {pack_format = #tpu.pack_format<interleaved>} : vector<32xbf16> -> vector<16xf32>
        %unpack3A_969 = tpu.unpack_subelements %mul3A_967, 1 {pack_format = #tpu.pack_format<interleaved>} : vector<32xbf16> -> vector<16xf32>
        %add3A_970 = arith.addf %add3A_955, %unpack3A_968 : vector<16xf32>
        %add3A_971 = arith.addf %add3A_956, %unpack3A_969 : vector<16xf32>
        %add3A_972 = arith.addf %add3A_970, %add3A_971 : vector<16xf32>
        %add3A_973 = arith.constant 1 : i32
        %add3A_974 = arith.addi %add3A_913, %add3A_973 : i32
        %get3A_975 = arith.index_cast %rem3A_294 : i32 to index
        %get3A_976 = arith.index_cast %add3A_974 : i32 to index
        %get3A_977 = arith.constant 0 : index
        %get3A_978 = tpu.vector_load %arg7[%get3A_975, %get3A_976, %get3A_977] {strides = array<i32>} : memref<3x128x64xi32, #tpu.memory_space<vmem>>, vector<16xi32>,
        %bitcast3A_979 = vector.bitcast %get3A_978 : vector<16xi32> to vector<32xbf16>
        %get3A_980 = arith.index_cast %rem3A_294 : i32 to index
        %get3A_981 = arith.index_cast %add3A_974 : i32 to index
        %get3A_982 = arith.constant 0 : index
        %get3A_983 = tpu.vector_load %arg8[%get3A_980, %get3A_981, %get3A_982] {strides = array<i32>} : memref<3x128x64xi32, #tpu.memory_space<vmem>>, vector<16xi32>,
        %bitcast3A_984 = vector.bitcast %get3A_983 : vector<16xi32> to vector<32xbf16>
        %mul3A_985 = arith.mulf %bitcast3A_979, %bitcast3A_984 : vector<32xbf16>
        %unpack3A_986 = tpu.unpack_subelements %mul3A_985, 0 {pack_format = #tpu.pack_format<interleaved>} : vector<32xbf16> -> vector<16xf32>
        %unpack3A_987 = tpu.unpack_subelements %mul3A_985, 1 {pack_format = #tpu.pack_format<interleaved>} : vector<32xbf16> -> vector<16xf32>
        %get3A_988 = arith.index_cast %rem3A_294 : i32 to index
        %get3A_989 = arith.index_cast %add3A_974 : i32 to index
        %get3A_990 = arith.constant 16 : index
        %get3A_991 = tpu.vector_load %arg7[%get3A_988, %get3A_989, %get3A_990] {strides = array<i32>} : memref<3x128x64xi32, #tpu.memory_space<vmem>>, vector<16xi32>,
        %bitcast3A_992 = vector.bitcast %get3A_991 : vector<16xi32> to vector<32xbf16>
        %get3A_993 = arith.index_cast %rem3A_294 : i32 to index
        %get3A_994 = arith.index_cast %add3A_974 : i32 to index
        %get3A_995 = arith.constant 16 : index
        %get3A_996 = tpu.vector_load %arg8[%get3A_993, %get3A_994, %get3A_995] {strides = array<i32>} : memref<3x128x64xi32, #tpu.memory_space<vmem>>, vector<16xi32>,
        %bitcast3A_997 = vector.bitcast %get3A_996 : vector<16xi32> to vector<32xbf16>
        %mul3A_998 = arith.mulf %bitcast3A_992, %bitcast3A_997 : vector<32xbf16>
        %unpack3A_999 = tpu.unpack_subelements %mul3A_998, 0 {pack_format = #tpu.pack_format<interleaved>} : vector<32xbf16> -> vector<16xf32>
        %unpack3A_1000 = tpu.unpack_subelements %mul3A_998, 1 {pack_format = #tpu.pack_format<interleaved>} : vector<32xbf16> -> vector<16xf32>
        %add3A_1001 = arith.addf %unpack3A_986, %unpack3A_999 : vector<16xf32>
        %add3A_1002 = arith.addf %unpack3A_987, %unpack3A_1000 : vector<16xf32>
        %get3A_1003 = arith.index_cast %rem3A_294 : i32 to index
        %get3A_1004 = arith.index_cast %add3A_974 : i32 to index
        %get3A_1005 = arith.constant 32 : index
        %get3A_1006 = tpu.vector_load %arg7[%get3A_1003, %get3A_1004, %get3A_1005] {strides = array<i32>} : memref<3x128x64xi32, #tpu.memory_space<vmem>>, vector<16xi32>,
        %bitcast3A_1007 = vector.bitcast %get3A_1006 : vector<16xi32> to vector<32xbf16>
        %get3A_1008 = arith.index_cast %rem3A_294 : i32 to index
        %get3A_1009 = arith.index_cast %add3A_974 : i32 to index
        %get3A_1010 = arith.constant 32 : index
        %get3A_1011 = tpu.vector_load %arg8[%get3A_1008, %get3A_1009, %get3A_1010] {strides = array<i32>} : memref<3x128x64xi32, #tpu.memory_space<vmem>>, vector<16xi32>,
        %bitcast3A_1012 = vector.bitcast %get3A_1011 : vector<16xi32> to vector<32xbf16>
        %mul3A_1013 = arith.mulf %bitcast3A_1007, %bitcast3A_1012 : vector<32xbf16>
        %unpack3A_1014 = tpu.unpack_subelements %mul3A_1013, 0 {pack_format = #tpu.pack_format<interleaved>} : vector<32xbf16> -> vector<16xf32>
        %unpack3A_1015 = tpu.unpack_subelements %mul3A_1013, 1 {pack_format = #tpu.pack_format<interleaved>} : vector<32xbf16> -> vector<16xf32>
        %add3A_1016 = arith.addf %add3A_1001, %unpack3A_1014 : vector<16xf32>
        %add3A_1017 = arith.addf %add3A_1002, %unpack3A_1015 : vector<16xf32>
        %get3A_1018 = arith.index_cast %rem3A_294 : i32 to index
        %get3A_1019 = arith.index_cast %add3A_974 : i32 to index
        %get3A_1020 = arith.constant 48 : index
        %get3A_1021 = tpu.vector_load %arg7[%get3A_1018, %get3A_1019, %get3A_1020] {strides = array<i32>} : memref<3x128x64xi32, #tpu.memory_space<vmem>>, vector<16xi32>,
        %bitcast3A_1022 = vector.bitcast %get3A_1021 : vector<16xi32> to vector<32xbf16>
        %get3A_1023 = arith.index_cast %rem3A_294 : i32 to index
        %get3A_1024 = arith.index_cast %add3A_974 : i32 to index
        %get3A_1025 = arith.constant 48 : index
        %get3A_1026 = tpu.vector_load %arg8[%get3A_1023, %get3A_1024, %get3A_1025] {strides = array<i32>} : memref<3x128x64xi32, #tpu.memory_space<vmem>>, vector<16xi32>,
        %bitcast3A_1027 = vector.bitcast %get3A_1026 : vector<16xi32> to vector<32xbf16>
        %mul3A_1028 = arith.mulf %bitcast3A_1022, %bitcast3A_1027 : vector<32xbf16>
        %unpack3A_1029 = tpu.unpack_subelements %mul3A_1028, 0 {pack_format = #tpu.pack_format<interleaved>} : vector<32xbf16> -> vector<16xf32>
        %unpack3A_1030 = tpu.unpack_subelements %mul3A_1028, 1 {pack_format = #tpu.pack_format<interleaved>} : vector<32xbf16> -> vector<16xf32>
        %add3A_1031 = arith.addf %add3A_1016, %unpack3A_1029 : vector<16xf32>
        %add3A_1032 = arith.addf %add3A_1017, %unpack3A_1030 : vector<16xf32>
        %add3A_1033 = arith.addf %add3A_1031, %add3A_1032 : vector<16xf32>
        %broadcast_in_dim3A_1034 = vector.shape_cast %and3A_32 : vector<16xi32> to vector<16x1xi32>
        %gather3A_1035 = vector.shape_cast %broadcast_in_dim3A_1034 : vector<16x1xi32> to vector<16xi32>
        %gather3A_1036 = tpu.dynamic_gather %add3A_1033[%gather3A_1035] in [0] : vector<16xf32>, vector<16xi32> -> vector<16xf32>
        %select_n3A_1037 = arith.select %eq3A_9, %add3A_972, %gather3A_1036 : vector<16xi1>, vector<16xf32>
        %broadcast_in_dim3A_1038 = vector.shape_cast %and3A_56 : vector<16xi32> to vector<16x1xi32>
        %gather3A_1039 = vector.shape_cast %broadcast_in_dim3A_1038 : vector<16x1xi32> to vector<16xi32>
        %gather3A_1040 = tpu.dynamic_gather %add3A_972[%gather3A_1039] in [0] : vector<16xf32>, vector<16xi32> -> vector<16xf32>
        %select_n3A_1041 = arith.select %eq3A_9, %gather3A_1040, %add3A_1033 : vector<16xi1>, vector<16xf32>
        %add3A_1042 = arith.addf %select_n3A_1037, %select_n3A_1041 : vector<16xf32>
        %add3A_1043 = arith.constant 2 : i32
        %add3A_1044 = arith.addi %add3A_913, %add3A_1043 : i32
        %get3A_1045 = arith.index_cast %rem3A_294 : i32 to index
        %get3A_1046 = arith.index_cast %add3A_1044 : i32 to index
        %get3A_1047 = arith.constant 0 : index
        %get3A_1048 = tpu.vector_load %arg7[%get3A_1045, %get3A_1046, %get3A_1047] {strides = array<i32>} : memref<3x128x64xi32, #tpu.memory_space<vmem>>, vector<16xi32>,
        %bitcast3A_1049 = vector.bitcast %get3A_1048 : vector<16xi32> to vector<32xbf16>
        %get3A_1050 = arith.index_cast %rem3A_294 : i32 to index
        %get3A_1051 = arith.index_cast %add3A_1044 : i32 to index
        %get3A_1052 = arith.constant 0 : index
        %get3A_1053 = tpu.vector_load %arg8[%get3A_1050, %get3A_1051, %get3A_1052] {strides = array<i32>} : memref<3x128x64xi32, #tpu.memory_space<vmem>>, vector<16xi32>,
        %bitcast3A_1054 = vector.bitcast %get3A_1053 : vector<16xi32> to vector<32xbf16>
        %mul3A_1055 = arith.mulf %bitcast3A_1049, %bitcast3A_1054 : vector<32xbf16>
        %unpack3A_1056 = tpu.unpack_subelements %mul3A_1055, 0 {pack_format = #tpu.pack_format<interleaved>} : vector<32xbf16> -> vector<16xf32>
        %unpack3A_1057 = tpu.unpack_subelements %mul3A_1055, 1 {pack_format = #tpu.pack_format<interleaved>} : vector<32xbf16> -> vector<16xf32>
        %get3A_1058 = arith.index_cast %rem3A_294 : i32 to index
        %get3A_1059 = arith.index_cast %add3A_1044 : i32 to index
        %get3A_1060 = arith.constant 16 : index
        %get3A_1061 = tpu.vector_load %arg7[%get3A_1058, %get3A_1059, %get3A_1060] {strides = array<i32>} : memref<3x128x64xi32, #tpu.memory_space<vmem>>, vector<16xi32>,
        %bitcast3A_1062 = vector.bitcast %get3A_1061 : vector<16xi32> to vector<32xbf16>
        %get3A_1063 = arith.index_cast %rem3A_294 : i32 to index
        %get3A_1064 = arith.index_cast %add3A_1044 : i32 to index
        %get3A_1065 = arith.constant 16 : index
        %get3A_1066 = tpu.vector_load %arg8[%get3A_1063, %get3A_1064, %get3A_1065] {strides = array<i32>} : memref<3x128x64xi32, #tpu.memory_space<vmem>>, vector<16xi32>,
        %bitcast3A_1067 = vector.bitcast %get3A_1066 : vector<16xi32> to vector<32xbf16>
        %mul3A_1068 = arith.mulf %bitcast3A_1062, %bitcast3A_1067 : vector<32xbf16>
        %unpack3A_1069 = tpu.unpack_subelements %mul3A_1068, 0 {pack_format = #tpu.pack_format<interleaved>} : vector<32xbf16> -> vector<16xf32>
        %unpack3A_1070 = tpu.unpack_subelements %mul3A_1068, 1 {pack_format = #tpu.pack_format<interleaved>} : vector<32xbf16> -> vector<16xf32>
        %add3A_1071 = arith.addf %unpack3A_1056, %unpack3A_1069 : vector<16xf32>
        %add3A_1072 = arith.addf %unpack3A_1057, %unpack3A_1070 : vector<16xf32>
        %get3A_1073 = arith.index_cast %rem3A_294 : i32 to index
        %get3A_1074 = arith.index_cast %add3A_1044 : i32 to index
        %get3A_1075 = arith.constant 32 : index
        %get3A_1076 = tpu.vector_load %arg7[%get3A_1073, %get3A_1074, %get3A_1075] {strides = array<i32>} : memref<3x128x64xi32, #tpu.memory_space<vmem>>, vector<16xi32>,
        %bitcast3A_1077 = vector.bitcast %get3A_1076 : vector<16xi32> to vector<32xbf16>
        %get3A_1078 = arith.index_cast %rem3A_294 : i32 to index
        %get3A_1079 = arith.index_cast %add3A_1044 : i32 to index
        %get3A_1080 = arith.constant 32 : index
        %get3A_1081 = tpu.vector_load %arg8[%get3A_1078, %get3A_1079, %get3A_1080] {strides = array<i32>} : memref<3x128x64xi32, #tpu.memory_space<vmem>>, vector<16xi32>,
        %bitcast3A_1082 = vector.bitcast %get3A_1081 : vector<16xi32> to vector<32xbf16>
        %mul3A_1083 = arith.mulf %bitcast3A_1077, %bitcast3A_1082 : vector<32xbf16>
        %unpack3A_1084 = tpu.unpack_subelements %mul3A_1083, 0 {pack_format = #tpu.pack_format<interleaved>} : vector<32xbf16> -> vector<16xf32>
        %unpack3A_1085 = tpu.unpack_subelements %mul3A_1083, 1 {pack_format = #tpu.pack_format<interleaved>} : vector<32xbf16> -> vector<16xf32>
        %add3A_1086 = arith.addf %add3A_1071, %unpack3A_1084 : vector<16xf32>
        %add3A_1087 = arith.addf %add3A_1072, %unpack3A_1085 : vector<16xf32>
        %get3A_1088 = arith.index_cast %rem3A_294 : i32 to index
        %get3A_1089 = arith.index_cast %add3A_1044 : i32 to index
        %get3A_1090 = arith.constant 48 : index
        %get3A_1091 = tpu.vector_load %arg7[%get3A_1088, %get3A_1089, %get3A_1090] {strides = array<i32>} : memref<3x128x64xi32, #tpu.memory_space<vmem>>, vector<16xi32>,
        %bitcast3A_1092 = vector.bitcast %get3A_1091 : vector<16xi32> to vector<32xbf16>
        %get3A_1093 = arith.index_cast %rem3A_294 : i32 to index
        %get3A_1094 = arith.index_cast %add3A_1044 : i32 to index
        %get3A_1095 = arith.constant 48 : index
        %get3A_1096 = tpu.vector_load %arg8[%get3A_1093, %get3A_1094, %get3A_1095] {strides = array<i32>} : memref<3x128x64xi32, #tpu.memory_space<vmem>>, vector<16xi32>,
        %bitcast3A_1097 = vector.bitcast %get3A_1096 : vector<16xi32> to vector<32xbf16>
        %mul3A_1098 = arith.mulf %bitcast3A_1092, %bitcast3A_1097 : vector<32xbf16>
        %unpack3A_1099 = tpu.unpack_subelements %mul3A_1098, 0 {pack_format = #tpu.pack_format<interleaved>} : vector<32xbf16> -> vector<16xf32>
        %unpack3A_1100 = tpu.unpack_subelements %mul3A_1098, 1 {pack_format = #tpu.pack_format<interleaved>} : vector<32xbf16> -> vector<16xf32>
        %add3A_1101 = arith.addf %add3A_1086, %unpack3A_1099 : vector<16xf32>
        %add3A_1102 = arith.addf %add3A_1087, %unpack3A_1100 : vector<16xf32>
        %add3A_1103 = arith.addf %add3A_1101, %add3A_1102 : vector<16xf32>
        %add3A_1104 = arith.constant 3 : i32
        %add3A_1105 = arith.addi %add3A_913, %add3A_1104 : i32
        %get3A_1106 = arith.index_cast %rem3A_294 : i32 to index
        %get3A_1107 = arith.index_cast %add3A_1105 : i32 to index
        %get3A_1108 = arith.constant 0 : index
        %get3A_1109 = tpu.vector_load %arg7[%get3A_1106, %get3A_1107, %get3A_1108] {strides = array<i32>} : memref<3x128x64xi32, #tpu.memory_space<vmem>>, vector<16xi32>,
        %bitcast3A_1110 = vector.bitcast %get3A_1109 : vector<16xi32> to vector<32xbf16>
        %get3A_1111 = arith.index_cast %rem3A_294 : i32 to index
        %get3A_1112 = arith.index_cast %add3A_1105 : i32 to index
        %get3A_1113 = arith.constant 0 : index
        %get3A_1114 = tpu.vector_load %arg8[%get3A_1111, %get3A_1112, %get3A_1113] {strides = array<i32>} : memref<3x128x64xi32, #tpu.memory_space<vmem>>, vector<16xi32>,
        %bitcast3A_1115 = vector.bitcast %get3A_1114 : vector<16xi32> to vector<32xbf16>
        %mul3A_1116 = arith.mulf %bitcast3A_1110, %bitcast3A_1115 : vector<32xbf16>
        %unpack3A_1117 = tpu.unpack_subelements %mul3A_1116, 0 {pack_format = #tpu.pack_format<interleaved>} : vector<32xbf16> -> vector<16xf32>
        %unpack3A_1118 = tpu.unpack_subelements %mul3A_1116, 1 {pack_format = #tpu.pack_format<interleaved>} : vector<32xbf16> -> vector<16xf32>
        %get3A_1119 = arith.index_cast %rem3A_294 : i32 to index
        %get3A_1120 = arith.index_cast %add3A_1105 : i32 to index
        %get3A_1121 = arith.constant 16 : index
        %get3A_1122 = tpu.vector_load %arg7[%get3A_1119, %get3A_1120, %get3A_1121] {strides = array<i32>} : memref<3x128x64xi32, #tpu.memory_space<vmem>>, vector<16xi32>,
        %bitcast3A_1123 = vector.bitcast %get3A_1122 : vector<16xi32> to vector<32xbf16>
        %get3A_1124 = arith.index_cast %rem3A_294 : i32 to index
        %get3A_1125 = arith.index_cast %add3A_1105 : i32 to index
        %get3A_1126 = arith.constant 16 : index
        %get3A_1127 = tpu.vector_load %arg8[%get3A_1124, %get3A_1125, %get3A_1126] {strides = array<i32>} : memref<3x128x64xi32, #tpu.memory_space<vmem>>, vector<16xi32>,
        %bitcast3A_1128 = vector.bitcast %get3A_1127 : vector<16xi32> to vector<32xbf16>
        %mul3A_1129 = arith.mulf %bitcast3A_1123, %bitcast3A_1128 : vector<32xbf16>
        %unpack3A_1130 = tpu.unpack_subelements %mul3A_1129, 0 {pack_format = #tpu.pack_format<interleaved>} : vector<32xbf16> -> vector<16xf32>
        %unpack3A_1131 = tpu.unpack_subelements %mul3A_1129, 1 {pack_format = #tpu.pack_format<interleaved>} : vector<32xbf16> -> vector<16xf32>
        %add3A_1132 = arith.addf %unpack3A_1117, %unpack3A_1130 : vector<16xf32>
        %add3A_1133 = arith.addf %unpack3A_1118, %unpack3A_1131 : vector<16xf32>
        %get3A_1134 = arith.index_cast %rem3A_294 : i32 to index
        %get3A_1135 = arith.index_cast %add3A_1105 : i32 to index
        %get3A_1136 = arith.constant 32 : index
        %get3A_1137 = tpu.vector_load %arg7[%get3A_1134, %get3A_1135, %get3A_1136] {strides = array<i32>} : memref<3x128x64xi32, #tpu.memory_space<vmem>>, vector<16xi32>,
        %bitcast3A_1138 = vector.bitcast %get3A_1137 : vector<16xi32> to vector<32xbf16>
        %get3A_1139 = arith.index_cast %rem3A_294 : i32 to index
        %get3A_1140 = arith.index_cast %add3A_1105 : i32 to index
        %get3A_1141 = arith.constant 32 : index
        %get3A_1142 = tpu.vector_load %arg8[%get3A_1139, %get3A_1140, %get3A_1141] {strides = array<i32>} : memref<3x128x64xi32, #tpu.memory_space<vmem>>, vector<16xi32>,
        %bitcast3A_1143 = vector.bitcast %get3A_1142 : vector<16xi32> to vector<32xbf16>
        %mul3A_1144 = arith.mulf %bitcast3A_1138, %bitcast3A_1143 : vector<32xbf16>
        %unpack3A_1145 = tpu.unpack_subelements %mul3A_1144, 0 {pack_format = #tpu.pack_format<interleaved>} : vector<32xbf16> -> vector<16xf32>
        %unpack3A_1146 = tpu.unpack_subelements %mul3A_1144, 1 {pack_format = #tpu.pack_format<interleaved>} : vector<32xbf16> -> vector<16xf32>
        %add3A_1147 = arith.addf %add3A_1132, %unpack3A_1145 : vector<16xf32>
        %add3A_1148 = arith.addf %add3A_1133, %unpack3A_1146 : vector<16xf32>
        %get3A_1149 = arith.index_cast %rem3A_294 : i32 to index
        %get3A_1150 = arith.index_cast %add3A_1105 : i32 to index
        %get3A_1151 = arith.constant 48 : index
        %get3A_1152 = tpu.vector_load %arg7[%get3A_1149, %get3A_1150, %get3A_1151] {strides = array<i32>} : memref<3x128x64xi32, #tpu.memory_space<vmem>>, vector<16xi32>,
        %bitcast3A_1153 = vector.bitcast %get3A_1152 : vector<16xi32> to vector<32xbf16>
        %get3A_1154 = arith.index_cast %rem3A_294 : i32 to index
        %get3A_1155 = arith.index_cast %add3A_1105 : i32 to index
        %get3A_1156 = arith.constant 48 : index
        %get3A_1157 = tpu.vector_load %arg8[%get3A_1154, %get3A_1155, %get3A_1156] {strides = array<i32>} : memref<3x128x64xi32, #tpu.memory_space<vmem>>, vector<16xi32>,
        %bitcast3A_1158 = vector.bitcast %get3A_1157 : vector<16xi32> to vector<32xbf16>
        %mul3A_1159 = arith.mulf %bitcast3A_1153, %bitcast3A_1158 : vector<32xbf16>
        %unpack3A_1160 = tpu.unpack_subelements %mul3A_1159, 0 {pack_format = #tpu.pack_format<interleaved>} : vector<32xbf16> -> vector<16xf32>
        %unpack3A_1161 = tpu.unpack_subelements %mul3A_1159, 1 {pack_format = #tpu.pack_format<interleaved>} : vector<32xbf16> -> vector<16xf32>
        %add3A_1162 = arith.addf %add3A_1147, %unpack3A_1160 : vector<16xf32>
        %add3A_1163 = arith.addf %add3A_1148, %unpack3A_1161 : vector<16xf32>
        %add3A_1164 = arith.addf %add3A_1162, %add3A_1163 : vector<16xf32>
        %broadcast_in_dim3A_1165 = vector.shape_cast %and3A_32 : vector<16xi32> to vector<16x1xi32>
        %gather3A_1166 = vector.shape_cast %broadcast_in_dim3A_1165 : vector<16x1xi32> to vector<16xi32>
        %gather3A_1167 = tpu.dynamic_gather %add3A_1164[%gather3A_1166] in [0] : vector<16xf32>, vector<16xi32> -> vector<16xf32>
        %select_n3A_1168 = arith.select %eq3A_9, %add3A_1103, %gather3A_1167 : vector<16xi1>, vector<16xf32>
        %broadcast_in_dim3A_1169 = vector.shape_cast %and3A_56 : vector<16xi32> to vector<16x1xi32>
        %gather3A_1170 = vector.shape_cast %broadcast_in_dim3A_1169 : vector<16x1xi32> to vector<16xi32>
        %gather3A_1171 = tpu.dynamic_gather %add3A_1103[%gather3A_1170] in [0] : vector<16xf32>, vector<16xi32> -> vector<16xf32>
        %select_n3A_1172 = arith.select %eq3A_9, %gather3A_1171, %add3A_1164 : vector<16xi1>, vector<16xf32>
        %add3A_1173 = arith.addf %select_n3A_1168, %select_n3A_1172 : vector<16xf32>
        %broadcast_in_dim3A_1174 = vector.shape_cast %and3A_38 : vector<16xi32> to vector<16x1xi32>
        %gather3A_1175 = vector.shape_cast %broadcast_in_dim3A_1174 : vector<16x1xi32> to vector<16xi32>
        %gather3A_1176 = tpu.dynamic_gather %add3A_1173[%gather3A_1175] in [0] : vector<16xf32>, vector<16xi32> -> vector<16xf32>
        %select_n3A_1177 = arith.select %eq3A_15, %add3A_1042, %gather3A_1176 : vector<16xi1>, vector<16xf32>
        %broadcast_in_dim3A_1178 = vector.shape_cast %and3A_62 : vector<16xi32> to vector<16x1xi32>
        %gather3A_1179 = vector.shape_cast %broadcast_in_dim3A_1178 : vector<16x1xi32> to vector<16xi32>
        %gather3A_1180 = tpu.dynamic_gather %add3A_1042[%gather3A_1179] in [0] : vector<16xf32>, vector<16xi32> -> vector<16xf32>
        %select_n3A_1181 = arith.select %eq3A_15, %gather3A_1180, %add3A_1173 : vector<16xi1>, vector<16xf32>
        %add3A_1182 = arith.addf %select_n3A_1177, %select_n3A_1181 : vector<16xf32>
        %mul3A_1183 = arith.constant 16 : i32
        %mul3A_1184 = arith.muli %scan3A_367, %mul3A_1183 : i32
        %add3A_1185 = arith.constant 12 : i32
        %add3A_1186 = arith.addi %mul3A_1184, %add3A_1185 : i32
        %get3A_1187 = arith.index_cast %rem3A_294 : i32 to index
        %get3A_1188 = arith.index_cast %add3A_1186 : i32 to index
        %get3A_1189 = arith.constant 0 : index
        %get3A_1190 = tpu.vector_load %arg7[%get3A_1187, %get3A_1188, %get3A_1189] {strides = array<i32>} : memref<3x128x64xi32, #tpu.memory_space<vmem>>, vector<16xi32>,
        %bitcast3A_1191 = vector.bitcast %get3A_1190 : vector<16xi32> to vector<32xbf16>
        %get3A_1192 = arith.index_cast %rem3A_294 : i32 to index
        %get3A_1193 = arith.index_cast %add3A_1186 : i32 to index
        %get3A_1194 = arith.constant 0 : index
        %get3A_1195 = tpu.vector_load %arg8[%get3A_1192, %get3A_1193, %get3A_1194] {strides = array<i32>} : memref<3x128x64xi32, #tpu.memory_space<vmem>>, vector<16xi32>,
        %bitcast3A_1196 = vector.bitcast %get3A_1195 : vector<16xi32> to vector<32xbf16>
        %mul3A_1197 = arith.mulf %bitcast3A_1191, %bitcast3A_1196 : vector<32xbf16>
        %unpack3A_1198 = tpu.unpack_subelements %mul3A_1197, 0 {pack_format = #tpu.pack_format<interleaved>} : vector<32xbf16> -> vector<16xf32>
        %unpack3A_1199 = tpu.unpack_subelements %mul3A_1197, 1 {pack_format = #tpu.pack_format<interleaved>} : vector<32xbf16> -> vector<16xf32>
        %get3A_1200 = arith.index_cast %rem3A_294 : i32 to index
        %get3A_1201 = arith.index_cast %add3A_1186 : i32 to index
        %get3A_1202 = arith.constant 16 : index
        %get3A_1203 = tpu.vector_load %arg7[%get3A_1200, %get3A_1201, %get3A_1202] {strides = array<i32>} : memref<3x128x64xi32, #tpu.memory_space<vmem>>, vector<16xi32>,
        %bitcast3A_1204 = vector.bitcast %get3A_1203 : vector<16xi32> to vector<32xbf16>
        %get3A_1205 = arith.index_cast %rem3A_294 : i32 to index
        %get3A_1206 = arith.index_cast %add3A_1186 : i32 to index
        %get3A_1207 = arith.constant 16 : index
        %get3A_1208 = tpu.vector_load %arg8[%get3A_1205, %get3A_1206, %get3A_1207] {strides = array<i32>} : memref<3x128x64xi32, #tpu.memory_space<vmem>>, vector<16xi32>,
        %bitcast3A_1209 = vector.bitcast %get3A_1208 : vector<16xi32> to vector<32xbf16>
        %mul3A_1210 = arith.mulf %bitcast3A_1204, %bitcast3A_1209 : vector<32xbf16>
        %unpack3A_1211 = tpu.unpack_subelements %mul3A_1210, 0 {pack_format = #tpu.pack_format<interleaved>} : vector<32xbf16> -> vector<16xf32>
        %unpack3A_1212 = tpu.unpack_subelements %mul3A_1210, 1 {pack_format = #tpu.pack_format<interleaved>} : vector<32xbf16> -> vector<16xf32>
        %add3A_1213 = arith.addf %unpack3A_1198, %unpack3A_1211 : vector<16xf32>
        %add3A_1214 = arith.addf %unpack3A_1199, %unpack3A_1212 : vector<16xf32>
        %get3A_1215 = arith.index_cast %rem3A_294 : i32 to index
        %get3A_1216 = arith.index_cast %add3A_1186 : i32 to index
        %get3A_1217 = arith.constant 32 : index
        %get3A_1218 = tpu.vector_load %arg7[%get3A_1215, %get3A_1216, %get3A_1217] {strides = array<i32>} : memref<3x128x64xi32, #tpu.memory_space<vmem>>, vector<16xi32>,
        %bitcast3A_1219 = vector.bitcast %get3A_1218 : vector<16xi32> to vector<32xbf16>
        %get3A_1220 = arith.index_cast %rem3A_294 : i32 to index
        %get3A_1221 = arith.index_cast %add3A_1186 : i32 to index
        %get3A_1222 = arith.constant 32 : index
        %get3A_1223 = tpu.vector_load %arg8[%get3A_1220, %get3A_1221, %get3A_1222] {strides = array<i32>} : memref<3x128x64xi32, #tpu.memory_space<vmem>>, vector<16xi32>,
        %bitcast3A_1224 = vector.bitcast %get3A_1223 : vector<16xi32> to vector<32xbf16>
        %mul3A_1225 = arith.mulf %bitcast3A_1219, %bitcast3A_1224 : vector<32xbf16>
        %unpack3A_1226 = tpu.unpack_subelements %mul3A_1225, 0 {pack_format = #tpu.pack_format<interleaved>} : vector<32xbf16> -> vector<16xf32>
        %unpack3A_1227 = tpu.unpack_subelements %mul3A_1225, 1 {pack_format = #tpu.pack_format<interleaved>} : vector<32xbf16> -> vector<16xf32>
        %add3A_1228 = arith.addf %add3A_1213, %unpack3A_1226 : vector<16xf32>
        %add3A_1229 = arith.addf %add3A_1214, %unpack3A_1227 : vector<16xf32>
        %get3A_1230 = arith.index_cast %rem3A_294 : i32 to index
        %get3A_1231 = arith.index_cast %add3A_1186 : i32 to index
        %get3A_1232 = arith.constant 48 : index
        %get3A_1233 = tpu.vector_load %arg7[%get3A_1230, %get3A_1231, %get3A_1232] {strides = array<i32>} : memref<3x128x64xi32, #tpu.memory_space<vmem>>, vector<16xi32>,
        %bitcast3A_1234 = vector.bitcast %get3A_1233 : vector<16xi32> to vector<32xbf16>
        %get3A_1235 = arith.index_cast %rem3A_294 : i32 to index
        %get3A_1236 = arith.index_cast %add3A_1186 : i32 to index
        %get3A_1237 = arith.constant 48 : index
        %get3A_1238 = tpu.vector_load %arg8[%get3A_1235, %get3A_1236, %get3A_1237] {strides = array<i32>} : memref<3x128x64xi32, #tpu.memory_space<vmem>>, vector<16xi32>,
        %bitcast3A_1239 = vector.bitcast %get3A_1238 : vector<16xi32> to vector<32xbf16>
        %mul3A_1240 = arith.mulf %bitcast3A_1234, %bitcast3A_1239 : vector<32xbf16>
        %unpack3A_1241 = tpu.unpack_subelements %mul3A_1240, 0 {pack_format = #tpu.pack_format<interleaved>} : vector<32xbf16> -> vector<16xf32>
        %unpack3A_1242 = tpu.unpack_subelements %mul3A_1240, 1 {pack_format = #tpu.pack_format<interleaved>} : vector<32xbf16> -> vector<16xf32>
        %add3A_1243 = arith.addf %add3A_1228, %unpack3A_1241 : vector<16xf32>
        %add3A_1244 = arith.addf %add3A_1229, %unpack3A_1242 : vector<16xf32>
        %add3A_1245 = arith.addf %add3A_1243, %add3A_1244 : vector<16xf32>
        %add3A_1246 = arith.constant 1 : i32
        %add3A_1247 = arith.addi %add3A_1186, %add3A_1246 : i32
        %get3A_1248 = arith.index_cast %rem3A_294 : i32 to index
        %get3A_1249 = arith.index_cast %add3A_1247 : i32 to index
        %get3A_1250 = arith.constant 0 : index
        %get3A_1251 = tpu.vector_load %arg7[%get3A_1248, %get3A_1249, %get3A_1250] {strides = array<i32>} : memref<3x128x64xi32, #tpu.memory_space<vmem>>, vector<16xi32>,
        %bitcast3A_1252 = vector.bitcast %get3A_1251 : vector<16xi32> to vector<32xbf16>
        %get3A_1253 = arith.index_cast %rem3A_294 : i32 to index
        %get3A_1254 = arith.index_cast %add3A_1247 : i32 to index
        %get3A_1255 = arith.constant 0 : index
        %get3A_1256 = tpu.vector_load %arg8[%get3A_1253, %get3A_1254, %get3A_1255] {strides = array<i32>} : memref<3x128x64xi32, #tpu.memory_space<vmem>>, vector<16xi32>,
        %bitcast3A_1257 = vector.bitcast %get3A_1256 : vector<16xi32> to vector<32xbf16>
        %mul3A_1258 = arith.mulf %bitcast3A_1252, %bitcast3A_1257 : vector<32xbf16>
        %unpack3A_1259 = tpu.unpack_subelements %mul3A_1258, 0 {pack_format = #tpu.pack_format<interleaved>} : vector<32xbf16> -> vector<16xf32>
        %unpack3A_1260 = tpu.unpack_subelements %mul3A_1258, 1 {pack_format = #tpu.pack_format<interleaved>} : vector<32xbf16> -> vector<16xf32>
        %get3A_1261 = arith.index_cast %rem3A_294 : i32 to index
        %get3A_1262 = arith.index_cast %add3A_1247 : i32 to index
        %get3A_1263 = arith.constant 16 : index
        %get3A_1264 = tpu.vector_load %arg7[%get3A_1261, %get3A_1262, %get3A_1263] {strides = array<i32>} : memref<3x128x64xi32, #tpu.memory_space<vmem>>, vector<16xi32>,
        %bitcast3A_1265 = vector.bitcast %get3A_1264 : vector<16xi32> to vector<32xbf16>
        %get3A_1266 = arith.index_cast %rem3A_294 : i32 to index
        %get3A_1267 = arith.index_cast %add3A_1247 : i32 to index
        %get3A_1268 = arith.constant 16 : index
        %get3A_1269 = tpu.vector_load %arg8[%get3A_1266, %get3A_1267, %get3A_1268] {strides = array<i32>} : memref<3x128x64xi32, #tpu.memory_space<vmem>>, vector<16xi32>,
        %bitcast3A_1270 = vector.bitcast %get3A_1269 : vector<16xi32> to vector<32xbf16>
        %mul3A_1271 = arith.mulf %bitcast3A_1265, %bitcast3A_1270 : vector<32xbf16>
        %unpack3A_1272 = tpu.unpack_subelements %mul3A_1271, 0 {pack_format = #tpu.pack_format<interleaved>} : vector<32xbf16> -> vector<16xf32>
        %unpack3A_1273 = tpu.unpack_subelements %mul3A_1271, 1 {pack_format = #tpu.pack_format<interleaved>} : vector<32xbf16> -> vector<16xf32>
        %add3A_1274 = arith.addf %unpack3A_1259, %unpack3A_1272 : vector<16xf32>
        %add3A_1275 = arith.addf %unpack3A_1260, %unpack3A_1273 : vector<16xf32>
        %get3A_1276 = arith.index_cast %rem3A_294 : i32 to index
        %get3A_1277 = arith.index_cast %add3A_1247 : i32 to index
        %get3A_1278 = arith.constant 32 : index
        %get3A_1279 = tpu.vector_load %arg7[%get3A_1276, %get3A_1277, %get3A_1278] {strides = array<i32>} : memref<3x128x64xi32, #tpu.memory_space<vmem>>, vector<16xi32>,
        %bitcast3A_1280 = vector.bitcast %get3A_1279 : vector<16xi32> to vector<32xbf16>
        %get3A_1281 = arith.index_cast %rem3A_294 : i32 to index
        %get3A_1282 = arith.index_cast %add3A_1247 : i32 to index
        %get3A_1283 = arith.constant 32 : index
        %get3A_1284 = tpu.vector_load %arg8[%get3A_1281, %get3A_1282, %get3A_1283] {strides = array<i32>} : memref<3x128x64xi32, #tpu.memory_space<vmem>>, vector<16xi32>,
        %bitcast3A_1285 = vector.bitcast %get3A_1284 : vector<16xi32> to vector<32xbf16>
        %mul3A_1286 = arith.mulf %bitcast3A_1280, %bitcast3A_1285 : vector<32xbf16>
        %unpack3A_1287 = tpu.unpack_subelements %mul3A_1286, 0 {pack_format = #tpu.pack_format<interleaved>} : vector<32xbf16> -> vector<16xf32>
        %unpack3A_1288 = tpu.unpack_subelements %mul3A_1286, 1 {pack_format = #tpu.pack_format<interleaved>} : vector<32xbf16> -> vector<16xf32>
        %add3A_1289 = arith.addf %add3A_1274, %unpack3A_1287 : vector<16xf32>
        %add3A_1290 = arith.addf %add3A_1275, %unpack3A_1288 : vector<16xf32>
        %get3A_1291 = arith.index_cast %rem3A_294 : i32 to index
        %get3A_1292 = arith.index_cast %add3A_1247 : i32 to index
        %get3A_1293 = arith.constant 48 : index
        %get3A_1294 = tpu.vector_load %arg7[%get3A_1291, %get3A_1292, %get3A_1293] {strides = array<i32>} : memref<3x128x64xi32, #tpu.memory_space<vmem>>, vector<16xi32>,
        %bitcast3A_1295 = vector.bitcast %get3A_1294 : vector<16xi32> to vector<32xbf16>
        %get3A_1296 = arith.index_cast %rem3A_294 : i32 to index
        %get3A_1297 = arith.index_cast %add3A_1247 : i32 to index
        %get3A_1298 = arith.constant 48 : index
        %get3A_1299 = tpu.vector_load %arg8[%get3A_1296, %get3A_1297, %get3A_1298] {strides = array<i32>} : memref<3x128x64xi32, #tpu.memory_space<vmem>>, vector<16xi32>,
        %bitcast3A_1300 = vector.bitcast %get3A_1299 : vector<16xi32> to vector<32xbf16>
        %mul3A_1301 = arith.mulf %bitcast3A_1295, %bitcast3A_1300 : vector<32xbf16>
        %unpack3A_1302 = tpu.unpack_subelements %mul3A_1301, 0 {pack_format = #tpu.pack_format<interleaved>} : vector<32xbf16> -> vector<16xf32>
        %unpack3A_1303 = tpu.unpack_subelements %mul3A_1301, 1 {pack_format = #tpu.pack_format<interleaved>} : vector<32xbf16> -> vector<16xf32>
        %add3A_1304 = arith.addf %add3A_1289, %unpack3A_1302 : vector<16xf32>
        %add3A_1305 = arith.addf %add3A_1290, %unpack3A_1303 : vector<16xf32>
        %add3A_1306 = arith.addf %add3A_1304, %add3A_1305 : vector<16xf32>
        %broadcast_in_dim3A_1307 = vector.shape_cast %and3A_32 : vector<16xi32> to vector<16x1xi32>
        %gather3A_1308 = vector.shape_cast %broadcast_in_dim3A_1307 : vector<16x1xi32> to vector<16xi32>
        %gather3A_1309 = tpu.dynamic_gather %add3A_1306[%gather3A_1308] in [0] : vector<16xf32>, vector<16xi32> -> vector<16xf32>
        %select_n3A_1310 = arith.select %eq3A_9, %add3A_1245, %gather3A_1309 : vector<16xi1>, vector<16xf32>
        %broadcast_in_dim3A_1311 = vector.shape_cast %and3A_56 : vector<16xi32> to vector<16x1xi32>
        %gather3A_1312 = vector.shape_cast %broadcast_in_dim3A_1311 : vector<16x1xi32> to vector<16xi32>
        %gather3A_1313 = tpu.dynamic_gather %add3A_1245[%gather3A_1312] in [0] : vector<16xf32>, vector<16xi32> -> vector<16xf32>
        %select_n3A_1314 = arith.select %eq3A_9, %gather3A_1313, %add3A_1306 : vector<16xi1>, vector<16xf32>
        %add3A_1315 = arith.addf %select_n3A_1310, %select_n3A_1314 : vector<16xf32>
        %add3A_1316 = arith.constant 2 : i32
        %add3A_1317 = arith.addi %add3A_1186, %add3A_1316 : i32
        %get3A_1318 = arith.index_cast %rem3A_294 : i32 to index
        %get3A_1319 = arith.index_cast %add3A_1317 : i32 to index
        %get3A_1320 = arith.constant 0 : index
        %get3A_1321 = tpu.vector_load %arg7[%get3A_1318, %get3A_1319, %get3A_1320] {strides = array<i32>} : memref<3x128x64xi32, #tpu.memory_space<vmem>>, vector<16xi32>,
        %bitcast3A_1322 = vector.bitcast %get3A_1321 : vector<16xi32> to vector<32xbf16>
        %get3A_1323 = arith.index_cast %rem3A_294 : i32 to index
        %get3A_1324 = arith.index_cast %add3A_1317 : i32 to index
        %get3A_1325 = arith.constant 0 : index
        %get3A_1326 = tpu.vector_load %arg8[%get3A_1323, %get3A_1324, %get3A_1325] {strides = array<i32>} : memref<3x128x64xi32, #tpu.memory_space<vmem>>, vector<16xi32>,
        %bitcast3A_1327 = vector.bitcast %get3A_1326 : vector<16xi32> to vector<32xbf16>
        %mul3A_1328 = arith.mulf %bitcast3A_1322, %bitcast3A_1327 : vector<32xbf16>
        %unpack3A_1329 = tpu.unpack_subelements %mul3A_1328, 0 {pack_format = #tpu.pack_format<interleaved>} : vector<32xbf16> -> vector<16xf32>
        %unpack3A_1330 = tpu.unpack_subelements %mul3A_1328, 1 {pack_format = #tpu.pack_format<interleaved>} : vector<32xbf16> -> vector<16xf32>
        %get3A_1331 = arith.index_cast %rem3A_294 : i32 to index
        %get3A_1332 = arith.index_cast %add3A_1317 : i32 to index
        %get3A_1333 = arith.constant 16 : index
        %get3A_1334 = tpu.vector_load %arg7[%get3A_1331, %get3A_1332, %get3A_1333] {strides = array<i32>} : memref<3x128x64xi32, #tpu.memory_space<vmem>>, vector<16xi32>,
        %bitcast3A_1335 = vector.bitcast %get3A_1334 : vector<16xi32> to vector<32xbf16>
        %get3A_1336 = arith.index_cast %rem3A_294 : i32 to index
        %get3A_1337 = arith.index_cast %add3A_1317 : i32 to index
        %get3A_1338 = arith.constant 16 : index
        %get3A_1339 = tpu.vector_load %arg8[%get3A_1336, %get3A_1337, %get3A_1338] {strides = array<i32>} : memref<3x128x64xi32, #tpu.memory_space<vmem>>, vector<16xi32>,
        %bitcast3A_1340 = vector.bitcast %get3A_1339 : vector<16xi32> to vector<32xbf16>
        %mul3A_1341 = arith.mulf %bitcast3A_1335, %bitcast3A_1340 : vector<32xbf16>
        %unpack3A_1342 = tpu.unpack_subelements %mul3A_1341, 0 {pack_format = #tpu.pack_format<interleaved>} : vector<32xbf16> -> vector<16xf32>
        %unpack3A_1343 = tpu.unpack_subelements %mul3A_1341, 1 {pack_format = #tpu.pack_format<interleaved>} : vector<32xbf16> -> vector<16xf32>
        %add3A_1344 = arith.addf %unpack3A_1329, %unpack3A_1342 : vector<16xf32>
        %add3A_1345 = arith.addf %unpack3A_1330, %unpack3A_1343 : vector<16xf32>
        %get3A_1346 = arith.index_cast %rem3A_294 : i32 to index
        %get3A_1347 = arith.index_cast %add3A_1317 : i32 to index
        %get3A_1348 = arith.constant 32 : index
        %get3A_1349 = tpu.vector_load %arg7[%get3A_1346, %get3A_1347, %get3A_1348] {strides = array<i32>} : memref<3x128x64xi32, #tpu.memory_space<vmem>>, vector<16xi32>,
        %bitcast3A_1350 = vector.bitcast %get3A_1349 : vector<16xi32> to vector<32xbf16>
        %get3A_1351 = arith.index_cast %rem3A_294 : i32 to index
        %get3A_1352 = arith.index_cast %add3A_1317 : i32 to index
        %get3A_1353 = arith.constant 32 : index
        %get3A_1354 = tpu.vector_load %arg8[%get3A_1351, %get3A_1352, %get3A_1353] {strides = array<i32>} : memref<3x128x64xi32, #tpu.memory_space<vmem>>, vector<16xi32>,
        %bitcast3A_1355 = vector.bitcast %get3A_1354 : vector<16xi32> to vector<32xbf16>
        %mul3A_1356 = arith.mulf %bitcast3A_1350, %bitcast3A_1355 : vector<32xbf16>
        %unpack3A_1357 = tpu.unpack_subelements %mul3A_1356, 0 {pack_format = #tpu.pack_format<interleaved>} : vector<32xbf16> -> vector<16xf32>
        %unpack3A_1358 = tpu.unpack_subelements %mul3A_1356, 1 {pack_format = #tpu.pack_format<interleaved>} : vector<32xbf16> -> vector<16xf32>
        %add3A_1359 = arith.addf %add3A_1344, %unpack3A_1357 : vector<16xf32>
        %add3A_1360 = arith.addf %add3A_1345, %unpack3A_1358 : vector<16xf32>
        %get3A_1361 = arith.index_cast %rem3A_294 : i32 to index
        %get3A_1362 = arith.index_cast %add3A_1317 : i32 to index
        %get3A_1363 = arith.constant 48 : index
        %get3A_1364 = tpu.vector_load %arg7[%get3A_1361, %get3A_1362, %get3A_1363] {strides = array<i32>} : memref<3x128x64xi32, #tpu.memory_space<vmem>>, vector<16xi32>,
        %bitcast3A_1365 = vector.bitcast %get3A_1364 : vector<16xi32> to vector<32xbf16>
        %get3A_1366 = arith.index_cast %rem3A_294 : i32 to index
        %get3A_1367 = arith.index_cast %add3A_1317 : i32 to index
        %get3A_1368 = arith.constant 48 : index
        %get3A_1369 = tpu.vector_load %arg8[%get3A_1366, %get3A_1367, %get3A_1368] {strides = array<i32>} : memref<3x128x64xi32, #tpu.memory_space<vmem>>, vector<16xi32>,
        %bitcast3A_1370 = vector.bitcast %get3A_1369 : vector<16xi32> to vector<32xbf16>
        %mul3A_1371 = arith.mulf %bitcast3A_1365, %bitcast3A_1370 : vector<32xbf16>
        %unpack3A_1372 = tpu.unpack_subelements %mul3A_1371, 0 {pack_format = #tpu.pack_format<interleaved>} : vector<32xbf16> -> vector<16xf32>
        %unpack3A_1373 = tpu.unpack_subelements %mul3A_1371, 1 {pack_format = #tpu.pack_format<interleaved>} : vector<32xbf16> -> vector<16xf32>
        %add3A_1374 = arith.addf %add3A_1359, %unpack3A_1372 : vector<16xf32>
        %add3A_1375 = arith.addf %add3A_1360, %unpack3A_1373 : vector<16xf32>
        %add3A_1376 = arith.addf %add3A_1374, %add3A_1375 : vector<16xf32>
        %add3A_1377 = arith.constant 3 : i32
        %add3A_1378 = arith.addi %add3A_1186, %add3A_1377 : i32
        %get3A_1379 = arith.index_cast %rem3A_294 : i32 to index
        %get3A_1380 = arith.index_cast %add3A_1378 : i32 to index
        %get3A_1381 = arith.constant 0 : index
        %get3A_1382 = tpu.vector_load %arg7[%get3A_1379, %get3A_1380, %get3A_1381] {strides = array<i32>} : memref<3x128x64xi32, #tpu.memory_space<vmem>>, vector<16xi32>,
        %bitcast3A_1383 = vector.bitcast %get3A_1382 : vector<16xi32> to vector<32xbf16>
        %get3A_1384 = arith.index_cast %rem3A_294 : i32 to index
        %get3A_1385 = arith.index_cast %add3A_1378 : i32 to index
        %get3A_1386 = arith.constant 0 : index
        %get3A_1387 = tpu.vector_load %arg8[%get3A_1384, %get3A_1385, %get3A_1386] {strides = array<i32>} : memref<3x128x64xi32, #tpu.memory_space<vmem>>, vector<16xi32>,
        %bitcast3A_1388 = vector.bitcast %get3A_1387 : vector<16xi32> to vector<32xbf16>
        %mul3A_1389 = arith.mulf %bitcast3A_1383, %bitcast3A_1388 : vector<32xbf16>
        %unpack3A_1390 = tpu.unpack_subelements %mul3A_1389, 0 {pack_format = #tpu.pack_format<interleaved>} : vector<32xbf16> -> vector<16xf32>
        %unpack3A_1391 = tpu.unpack_subelements %mul3A_1389, 1 {pack_format = #tpu.pack_format<interleaved>} : vector<32xbf16> -> vector<16xf32>
        %get3A_1392 = arith.index_cast %rem3A_294 : i32 to index
        %get3A_1393 = arith.index_cast %add3A_1378 : i32 to index
        %get3A_1394 = arith.constant 16 : index
        %get3A_1395 = tpu.vector_load %arg7[%get3A_1392, %get3A_1393, %get3A_1394] {strides = array<i32>} : memref<3x128x64xi32, #tpu.memory_space<vmem>>, vector<16xi32>,
        %bitcast3A_1396 = vector.bitcast %get3A_1395 : vector<16xi32> to vector<32xbf16>
        %get3A_1397 = arith.index_cast %rem3A_294 : i32 to index
        %get3A_1398 = arith.index_cast %add3A_1378 : i32 to index
        %get3A_1399 = arith.constant 16 : index
        %get3A_1400 = tpu.vector_load %arg8[%get3A_1397, %get3A_1398, %get3A_1399] {strides = array<i32>} : memref<3x128x64xi32, #tpu.memory_space<vmem>>, vector<16xi32>,
        %bitcast3A_1401 = vector.bitcast %get3A_1400 : vector<16xi32> to vector<32xbf16>
        %mul3A_1402 = arith.mulf %bitcast3A_1396, %bitcast3A_1401 : vector<32xbf16>
        %unpack3A_1403 = tpu.unpack_subelements %mul3A_1402, 0 {pack_format = #tpu.pack_format<interleaved>} : vector<32xbf16> -> vector<16xf32>
        %unpack3A_1404 = tpu.unpack_subelements %mul3A_1402, 1 {pack_format = #tpu.pack_format<interleaved>} : vector<32xbf16> -> vector<16xf32>
        %add3A_1405 = arith.addf %unpack3A_1390, %unpack3A_1403 : vector<16xf32>
        %add3A_1406 = arith.addf %unpack3A_1391, %unpack3A_1404 : vector<16xf32>
        %get3A_1407 = arith.index_cast %rem3A_294 : i32 to index
        %get3A_1408 = arith.index_cast %add3A_1378 : i32 to index
        %get3A_1409 = arith.constant 32 : index
        %get3A_1410 = tpu.vector_load %arg7[%get3A_1407, %get3A_1408, %get3A_1409] {strides = array<i32>} : memref<3x128x64xi32, #tpu.memory_space<vmem>>, vector<16xi32>,
        %bitcast3A_1411 = vector.bitcast %get3A_1410 : vector<16xi32> to vector<32xbf16>
        %get3A_1412 = arith.index_cast %rem3A_294 : i32 to index
        %get3A_1413 = arith.index_cast %add3A_1378 : i32 to index
        %get3A_1414 = arith.constant 32 : index
        %get3A_1415 = tpu.vector_load %arg8[%get3A_1412, %get3A_1413, %get3A_1414] {strides = array<i32>} : memref<3x128x64xi32, #tpu.memory_space<vmem>>, vector<16xi32>,
        %bitcast3A_1416 = vector.bitcast %get3A_1415 : vector<16xi32> to vector<32xbf16>
        %mul3A_1417 = arith.mulf %bitcast3A_1411, %bitcast3A_1416 : vector<32xbf16>
        %unpack3A_1418 = tpu.unpack_subelements %mul3A_1417, 0 {pack_format = #tpu.pack_format<interleaved>} : vector<32xbf16> -> vector<16xf32>
        %unpack3A_1419 = tpu.unpack_subelements %mul3A_1417, 1 {pack_format = #tpu.pack_format<interleaved>} : vector<32xbf16> -> vector<16xf32>
        %add3A_1420 = arith.addf %add3A_1405, %unpack3A_1418 : vector<16xf32>
        %add3A_1421 = arith.addf %add3A_1406, %unpack3A_1419 : vector<16xf32>
        %get3A_1422 = arith.index_cast %rem3A_294 : i32 to index
        %get3A_1423 = arith.index_cast %add3A_1378 : i32 to index
        %get3A_1424 = arith.constant 48 : index
        %get3A_1425 = tpu.vector_load %arg7[%get3A_1422, %get3A_1423, %get3A_1424] {strides = array<i32>} : memref<3x128x64xi32, #tpu.memory_space<vmem>>, vector<16xi32>,
        %bitcast3A_1426 = vector.bitcast %get3A_1425 : vector<16xi32> to vector<32xbf16>
        %get3A_1427 = arith.index_cast %rem3A_294 : i32 to index
        %get3A_1428 = arith.index_cast %add3A_1378 : i32 to index
        %get3A_1429 = arith.constant 48 : index
        %get3A_1430 = tpu.vector_load %arg8[%get3A_1427, %get3A_1428, %get3A_1429] {strides = array<i32>} : memref<3x128x64xi32, #tpu.memory_space<vmem>>, vector<16xi32>,
        %bitcast3A_1431 = vector.bitcast %get3A_1430 : vector<16xi32> to vector<32xbf16>
        %mul3A_1432 = arith.mulf %bitcast3A_1426, %bitcast3A_1431 : vector<32xbf16>
        %unpack3A_1433 = tpu.unpack_subelements %mul3A_1432, 0 {pack_format = #tpu.pack_format<interleaved>} : vector<32xbf16> -> vector<16xf32>
        %unpack3A_1434 = tpu.unpack_subelements %mul3A_1432, 1 {pack_format = #tpu.pack_format<interleaved>} : vector<32xbf16> -> vector<16xf32>
        %add3A_1435 = arith.addf %add3A_1420, %unpack3A_1433 : vector<16xf32>
        %add3A_1436 = arith.addf %add3A_1421, %unpack3A_1434 : vector<16xf32>
        %add3A_1437 = arith.addf %add3A_1435, %add3A_1436 : vector<16xf32>
        %broadcast_in_dim3A_1438 = vector.shape_cast %and3A_32 : vector<16xi32> to vector<16x1xi32>
        %gather3A_1439 = vector.shape_cast %broadcast_in_dim3A_1438 : vector<16x1xi32> to vector<16xi32>
        %gather3A_1440 = tpu.dynamic_gather %add3A_1437[%gather3A_1439] in [0] : vector<16xf32>, vector<16xi32> -> vector<16xf32>
        %select_n3A_1441 = arith.select %eq3A_9, %add3A_1376, %gather3A_1440 : vector<16xi1>, vector<16xf32>
        %broadcast_in_dim3A_1442 = vector.shape_cast %and3A_56 : vector<16xi32> to vector<16x1xi32>
        %gather3A_1443 = vector.shape_cast %broadcast_in_dim3A_1442 : vector<16x1xi32> to vector<16xi32>
        %gather3A_1444 = tpu.dynamic_gather %add3A_1376[%gather3A_1443] in [0] : vector<16xf32>, vector<16xi32> -> vector<16xf32>
        %select_n3A_1445 = arith.select %eq3A_9, %gather3A_1444, %add3A_1437 : vector<16xi1>, vector<16xf32>
        %add3A_1446 = arith.addf %select_n3A_1441, %select_n3A_1445 : vector<16xf32>
        %broadcast_in_dim3A_1447 = vector.shape_cast %and3A_38 : vector<16xi32> to vector<16x1xi32>
        %gather3A_1448 = vector.shape_cast %broadcast_in_dim3A_1447 : vector<16x1xi32> to vector<16xi32>
        %gather3A_1449 = tpu.dynamic_gather %add3A_1446[%gather3A_1448] in [0] : vector<16xf32>, vector<16xi32> -> vector<16xf32>
        %select_n3A_1450 = arith.select %eq3A_15, %add3A_1315, %gather3A_1449 : vector<16xi1>, vector<16xf32>
        %broadcast_in_dim3A_1451 = vector.shape_cast %and3A_62 : vector<16xi32> to vector<16x1xi32>
        %gather3A_1452 = vector.shape_cast %broadcast_in_dim3A_1451 : vector<16x1xi32> to vector<16xi32>
        %gather3A_1453 = tpu.dynamic_gather %add3A_1315[%gather3A_1452] in [0] : vector<16xf32>, vector<16xi32> -> vector<16xf32>
        %select_n3A_1454 = arith.select %eq3A_15, %gather3A_1453, %add3A_1446 : vector<16xi1>, vector<16xf32>
        %add3A_1455 = arith.addf %select_n3A_1450, %select_n3A_1454 : vector<16xf32>
        %broadcast_in_dim3A_1456 = vector.shape_cast %and3A_44 : vector<16xi32> to vector<16x1xi32>
        %gather3A_1457 = vector.shape_cast %broadcast_in_dim3A_1456 : vector<16x1xi32> to vector<16xi32>
        %gather3A_1458 = tpu.dynamic_gather %add3A_909[%gather3A_1457] in [0] : vector<16xf32>, vector<16xi32> -> vector<16xf32>
        %select_n3A_1459 = arith.select %eq3A_21, %add3A_636, %gather3A_1458 : vector<16xi1>, vector<16xf32>
        %broadcast_in_dim3A_1460 = vector.shape_cast %and3A_68 : vector<16xi32> to vector<16x1xi32>
        %gather3A_1461 = vector.shape_cast %broadcast_in_dim3A_1460 : vector<16x1xi32> to vector<16xi32>
        %gather3A_1462 = tpu.dynamic_gather %add3A_636[%gather3A_1461] in [0] : vector<16xf32>, vector<16xi32> -> vector<16xf32>
        %select_n3A_1463 = arith.select %eq3A_21, %gather3A_1462, %add3A_909 : vector<16xi1>, vector<16xf32>
        %add3A_1464 = arith.addf %select_n3A_1459, %select_n3A_1463 : vector<16xf32>
        %broadcast_in_dim3A_1465 = vector.shape_cast %and3A_44 : vector<16xi32> to vector<16x1xi32>
        %gather3A_1466 = vector.shape_cast %broadcast_in_dim3A_1465 : vector<16x1xi32> to vector<16xi32>
        %gather3A_1467 = tpu.dynamic_gather %add3A_1455[%gather3A_1466] in [0] : vector<16xf32>, vector<16xi32> -> vector<16xf32>
        %select_n3A_1468 = arith.select %eq3A_21, %add3A_1182, %gather3A_1467 : vector<16xi1>, vector<16xf32>
        %broadcast_in_dim3A_1469 = vector.shape_cast %and3A_68 : vector<16xi32> to vector<16x1xi32>
        %gather3A_1470 = vector.shape_cast %broadcast_in_dim3A_1469 : vector<16x1xi32> to vector<16xi32>
        %gather3A_1471 = tpu.dynamic_gather %add3A_1182[%gather3A_1470] in [0] : vector<16xf32>, vector<16xi32> -> vector<16xf32>
        %select_n3A_1472 = arith.select %eq3A_21, %gather3A_1471, %add3A_1455 : vector<16xi1>, vector<16xf32>
        %add3A_1473 = arith.addf %select_n3A_1468, %select_n3A_1472 : vector<16xf32>
        %broadcast_in_dim3A_1474 = vector.shape_cast %and3A_50 : vector<16xi32> to vector<16x1xi32>
        %gather3A_1475 = vector.shape_cast %broadcast_in_dim3A_1474 : vector<16x1xi32> to vector<16xi32>
        %gather3A_1476 = tpu.dynamic_gather %add3A_1473[%gather3A_1475] in [0] : vector<16xf32>, vector<16xi32> -> vector<16xf32>
        %select_n3A_1477 = arith.select %eq3A_27, %add3A_1464, %gather3A_1476 : vector<16xi1>, vector<16xf32>
        %broadcast_in_dim3A_1478 = vector.shape_cast %and3A_74 : vector<16xi32> to vector<16x1xi32>
        %gather3A_1479 = vector.shape_cast %broadcast_in_dim3A_1478 : vector<16x1xi32> to vector<16xi32>
        %gather3A_1480 = tpu.dynamic_gather %add3A_1464[%gather3A_1479] in [0] : vector<16xf32>, vector<16xi32> -> vector<16xf32>
        %select_n3A_1481 = arith.select %eq3A_27, %gather3A_1480, %add3A_1473 : vector<16xi1>, vector<16xf32>
        %add3A_1482 = arith.addf %select_n3A_1477, %select_n3A_1481 : vector<16xf32>
        %neg3A = arith.constant 0.000000e+00 : f32
        %neg3A_1483 = vector.broadcast %neg3A : f32 to vector<16xf32>
        %neg3A_1484 = arith.subf %neg3A_1483, %add3A_1482 : vector<16xf32>
        %exp3A = math.exp %neg3A_1484 : vector<16xf32>
        %add3A_1485 = arith.constant 1.000000e+00 : f32
        %add3A_1486 = vector.broadcast %add3A_1485 : f32 to vector<16xf32>
        %add3A_1487 = arith.addf %add3A_1486, %exp3A : vector<16xf32>
        %div3A = arith.constant 1.000000e+00 : f32
        %div3A_1488 = vector.broadcast %div3A : f32 to vector<16xf32>
        %div3A_1489 = arith.divf %div3A_1488, %add3A_1487 : vector<16xf32>
        %mul3A_1490 = arith.constant 16 : i32
        %mul3A_1491 = arith.muli %scan3A_367, %mul3A_1490 : i32
        %swap3A = arith.index_cast %rem3A_294 : i32 to index
        %swap3A_1492 = arith.index_cast %mul3A_1491 : i32 to index
        %swap3A_1493 = tpu.vector_load %arg9[%swap3A, %swap3A_1492] {strides = array<i32>} : memref<3x128xf32, #tpu.memory_space<vmem>>, vector<16xf32>,
        tpu.vector_store %arg9[%swap3A, %swap3A_1492], %div3A_1489 {strides = array<i32>} : memref<3x128xf32, #tpu.memory_space<vmem>>, vector<16xf32>,
        %scan3A_1494 = arith.constant 0 : i32
        scf.yield %scan3A_1494 : i32
      }
      %scan3A_350 = arith.constant 8 : i32
      %mul3A_351 = arith.constant 32 : i32
      %mul3A_352 = arith.muli %mul3A_351, %while3A_291 : i32
      %add3A_353 = arith.addi %add3A, %mul3A_352 : i32
      %mul3A_354 = arith.constant 128 : i32
      %mul3A_355 = arith.muli %add3A_353, %mul3A_354 : i32
      %dma_start3A_356 = arith.constant 0 : i32
      %dma_start3A_357 = tpu.memref_slice %arg9[%rem3A_294, %dma_start3A_356] : memref<3x128xf32, #tpu.memory_space<vmem>> -> memref<1x128xf32, #tpu.memory_space<vmem>>
      %dma_start3A_358 = tpu.memref_squeeze %dma_start3A_357 : memref<1x128xf32, #tpu.memory_space<vmem>> -> memref<128xf32, #tpu.memory_space<vmem>>
      %dma_start3A_359 = tpu.memref_slice %arg4[%mul3A_355] : memref<320000xf32, #tpu.memory_space<hbm>> -> memref<128xf32, #tpu.memory_space<hbm>>
      %dma_start3A_360 = tpu.memref_slice %arg12[%rem3A_294] : memref<3x!tpu.dma_semaphore, #tpu.memory_space<semaphore_mem>> -> memref<1x!tpu.dma_semaphore, #tpu.memory_space<semaphore_mem>>
      %dma_start3A_361 = tpu.memref_squeeze %dma_start3A_360 : memref<1x!tpu.dma_semaphore, #tpu.memory_space<semaphore_mem>> -> memref<!tpu.dma_semaphore, #tpu.memory_space<semaphore_mem>>
      %dma_start3A_362 = tpu.memref_slice %arg4[%mul3A_355] : memref<320000xf32, #tpu.memory_space<hbm>> -> memref<128xf32, #tpu.memory_space<hbm>>
      %dma_start3A_363 = arith.constant 0 : i32
      %dma_start3A_364 = tpu.memref_slice %arg9[%rem3A_294, %dma_start3A_363] : memref<3x128xf32, #tpu.memory_space<vmem>> -> memref<1x128xf32, #tpu.memory_space<vmem>>
      %dma_start3A_365 = tpu.memref_squeeze %dma_start3A_364 : memref<1x128xf32, #tpu.memory_space<vmem>> -> memref<128xf32, #tpu.memory_space<vmem>>
      tpu.enqueue_dma source(%dma_start3A_365 : memref<128xf32, #tpu.memory_space<vmem>>) target(%dma_start3A_362 : memref<128xf32, #tpu.memory_space<hbm>>) target_semaphore(%dma_start3A_361 : memref<!tpu.dma_semaphore, #tpu.memory_space<semaphore_mem>>)
      %while3A_366 = arith.constant 0 : i32
      scf.yield %while3A_366 : i32
    }
    %while3A_242 = arith.constant 1 : i32
    %while3A_243 = scf.for %while3A_291 = %while3A_239 to %while3A_235 step %while3A_242 iter_args(%while3A_292 = %while3A_241) -> (i32)  : i32 {
      %rem3A_293 = arith.constant 3 : i32
      %rem3A_294 = arith.remsi %while3A_291, %rem3A_293 : i32
      %dma_wait3A_295 = arith.constant 0 : i32
      %dma_wait3A_296 = arith.constant 0 : i32
      %dma_wait3A_297 = tpu.memref_slice %arg7[%rem3A_294, %dma_wait3A_295, %dma_wait3A_296] : memref<3x128x64xi32, #tpu.memory_space<vmem>> -> memref<1x128x64xi32, #tpu.memory_space<vmem>>
      %dma_wait3A_298 = tpu.memref_squeeze %dma_wait3A_297 : memref<1x128x64xi32, #tpu.memory_space<vmem>> -> memref<128x64xi32, #tpu.memory_space<vmem>>
      %dma_wait3A_299 = arith.constant 0 : i32
      %dma_wait3A_300 = arith.constant 0 : i32
      %dma_wait3A_301 = tpu.memref_slice %arg5[%dma_wait3A_299, %dma_wait3A_300] : memref<10000x64xi32, #tpu.memory_space<vmem_shared>> -> memref<128x64xi32, #tpu.memory_space<vmem_shared>>
      %dma_wait3A_302 = tpu.memref_slice %arg11[%rem3A_294] : memref<3x!tpu.dma_semaphore, #tpu.memory_space<semaphore_mem>> -> memref<1x!tpu.dma_semaphore, #tpu.memory_space<semaphore_mem>>
      %dma_wait3A_303 = tpu.memref_squeeze %dma_wait3A_302 : memref<1x!tpu.dma_semaphore, #tpu.memory_space<semaphore_mem>> -> memref<!tpu.dma_semaphore, #tpu.memory_space<semaphore_mem>>
      %dma_wait3A_304 = arith.constant 0 : i32
      %dma_wait3A_305 = arith.constant 0 : i32
      %dma_wait3A_306 = tpu.memref_slice %arg7[%rem3A_294, %dma_wait3A_304, %dma_wait3A_305] : memref<3x128x64xi32, #tpu.memory_space<vmem>> -> memref<1x128x64xi32, #tpu.memory_space<vmem>>
      %dma_wait3A_307 = tpu.memref_squeeze %dma_wait3A_306 : memref<1x128x64xi32, #tpu.memory_space<vmem>> -> memref<128x64xi32, #tpu.memory_space<vmem>>
      %dma_wait3A_308 = arith.constant 0 : i32
      %dma_wait3A_309 = arith.constant 0 : i32
      %dma_wait3A_310 = tpu.memref_slice %arg5[%dma_wait3A_308, %dma_wait3A_309] : memref<10000x64xi32, #tpu.memory_space<vmem_shared>> -> memref<128x64xi32, #tpu.memory_space<vmem_shared>>
      tpu.wait_dma2 semaphore(%dma_wait3A_303 : memref<!tpu.dma_semaphore, #tpu.memory_space<semaphore_mem>>) src(%dma_wait3A_310 : memref<128x64xi32, #tpu.memory_space<vmem_shared>>) dst(%dma_wait3A_307 : memref<128x64xi32, #tpu.memory_space<vmem>>)
      %dma_wait3A_311 = arith.constant 0 : i32
      %dma_wait3A_312 = arith.constant 0 : i32
      %dma_wait3A_313 = tpu.memref_slice %arg8[%rem3A_294, %dma_wait3A_311, %dma_wait3A_312] : memref<3x128x64xi32, #tpu.memory_space<vmem>> -> memref<1x128x64xi32, #tpu.memory_space<vmem>>
      %dma_wait3A_314 = tpu.memref_squeeze %dma_wait3A_313 : memref<1x128x64xi32, #tpu.memory_space<vmem>> -> memref<128x64xi32, #tpu.memory_space<vmem>>
      %dma_wait3A_315 = arith.constant 0 : i32
      %dma_wait3A_316 = arith.constant 0 : i32
      %dma_wait3A_317 = tpu.memref_slice %arg5[%dma_wait3A_315, %dma_wait3A_316] : memref<10000x64xi32, #tpu.memory_space<vmem_shared>> -> memref<128x64xi32, #tpu.memory_space<vmem_shared>>
      %dma_wait3A_318 = tpu.memref_slice %arg11[%rem3A_294] : memref<3x!tpu.dma_semaphore, #tpu.memory_space<semaphore_mem>> -> memref<1x!tpu.dma_semaphore, #tpu.memory_space<semaphore_mem>>
      %dma_wait3A_319 = tpu.memref_squeeze %dma_wait3A_318 : memref<1x!tpu.dma_semaphore, #tpu.memory_space<semaphore_mem>> -> memref<!tpu.dma_semaphore, #tpu.memory_space<semaphore_mem>>
      %dma_wait3A_320 = arith.constant 0 : i32
      %dma_wait3A_321 = arith.constant 0 : i32
      %dma_wait3A_322 = tpu.memref_slice %arg8[%rem3A_294, %dma_wait3A_320, %dma_wait3A_321] : memref<3x128x64xi32, #tpu.memory_space<vmem>> -> memref<1x128x64xi32, #tpu.memory_space<vmem>>
      %dma_wait3A_323 = tpu.memref_squeeze %dma_wait3A_322 : memref<1x128x64xi32, #tpu.memory_space<vmem>> -> memref<128x64xi32, #tpu.memory_space<vmem>>
      %dma_wait3A_324 = arith.constant 0 : i32
      %dma_wait3A_325 = arith.constant 0 : i32
      %dma_wait3A_326 = tpu.memref_slice %arg5[%dma_wait3A_324, %dma_wait3A_325] : memref<10000x64xi32, #tpu.memory_space<vmem_shared>> -> memref<128x64xi32, #tpu.memory_space<vmem_shared>>
      tpu.wait_dma2 semaphore(%dma_wait3A_319 : memref<!tpu.dma_semaphore, #tpu.memory_space<semaphore_mem>>) src(%dma_wait3A_326 : memref<128x64xi32, #tpu.memory_space<vmem_shared>>) dst(%dma_wait3A_323 : memref<128x64xi32, #tpu.memory_space<vmem>>)
      %add3A_327 = arith.constant 3 : i32
      %add3A_328 = arith.addi %while3A_291, %add3A_327 : i32
      %lt3A_329 = arith.cmpi slt, %add3A_328, %select_n3A : i32
      %convert_element_type3A_330 = arith.extui %lt3A_329 : i1 to i32
      %cond3A_331 = arith.constant 0 : i32
      %cond3A_332 = arith.cmpi ne, %convert_element_type3A_330, %cond3A_331 : i32
      scf.if %cond3A_332 {
        %add3A_367 = arith.constant 3 : i32
        %add3A_368 = arith.addi %while3A_291, %add3A_367 : i32
        %mul3A_369 = arith.constant 32 : i32
        %mul3A_370 = arith.muli %mul3A_369, %add3A_368 : i32
        %add3A_371 = arith.addi %add3A, %mul3A_370 : i32
        %mul3A_372 = arith.constant 128 : i32
        %mul3A_373 = arith.muli %add3A_371, %mul3A_372 : i32
        %dma_start3A_374 = arith.constant 0 : i32
        %dma_start3A_375 = arith.constant 0 : i32
        %dma_start3A_376 = tpu.memref_slice %arg6[%rem3A_294, %dma_start3A_374, %dma_start3A_375] : memref<3x2x128xi32, #tpu.memory_space<vmem>> -> memref<1x2x128xi32, #tpu.memory_space<vmem>>
        %dma_start3A_377 = tpu.memref_squeeze %dma_start3A_376 : memref<1x2x128xi32, #tpu.memory_space<vmem>> -> memref<2x128xi32, #tpu.memory_space<vmem>>
        %dma_start3A_378 = arith.constant 0 : i32
        %dma_start3A_379 = tpu.memref_slice %arg3[%dma_start3A_378, %mul3A_373] : memref<2x320000xi32, #tpu.memory_space<hbm>> -> memref<2x128xi32, #tpu.memory_space<hbm>>
        %dma_start3A_380 = tpu.memref_slice %arg10[%rem3A_294] : memref<3x!tpu.dma_semaphore, #tpu.memory_space<semaphore_mem>> -> memref<1x!tpu.dma_semaphore, #tpu.memory_space<semaphore_mem>>
        %dma_start3A_381 = tpu.memref_squeeze %dma_start3A_380 : memref<1x!tpu.dma_semaphore, #tpu.memory_space<semaphore_mem>> -> memref<!tpu.dma_semaphore, #tpu.memory_space<semaphore_mem>>
        %dma_start3A_382 = arith.constant 0 : i32
        %dma_start3A_383 = arith.constant 0 : i32
        %dma_start3A_384 = tpu.memref_slice %arg6[%rem3A_294, %dma_start3A_382, %dma_start3A_383] : memref<3x2x128xi32, #tpu.memory_space<vmem>> -> memref<1x2x128xi32, #tpu.memory_space<vmem>>
        %dma_start3A_385 = tpu.memref_squeeze %dma_start3A_384 : memref<1x2x128xi32, #tpu.memory_space<vmem>> -> memref<2x128xi32, #tpu.memory_space<vmem>>
        %dma_start3A_386 = arith.constant 0 : i32
        %dma_start3A_387 = tpu.memref_slice %arg3[%dma_start3A_386, %mul3A_373] : memref<2x320000xi32, #tpu.memory_space<hbm>> -> memref<2x128xi32, #tpu.memory_space<hbm>>
        tpu.enqueue_dma source(%dma_start3A_387 : memref<2x128xi32, #tpu.memory_space<hbm>>) target(%dma_start3A_385 : memref<2x128xi32, #tpu.memory_space<vmem>>) target_semaphore(%dma_start3A_381 : memref<!tpu.dma_semaphore, #tpu.memory_space<semaphore_mem>>)
      } else {
      }
      %add3A_333 = arith.constant 3 : i32
      %add3A_334 = arith.addi %while3A_291, %add3A_333 : i32
      %sub3A_335 = arith.constant 1 : i32
      %sub3A_336 = arith.subi %add3A_334, %sub3A_335 : i32
      %lt3A_337 = arith.cmpi slt, %sub3A_336, %select_n3A : i32
      %convert_element_type3A_338 = arith.extui %lt3A_337 : i1 to i32
      %cond3A_339 = arith.constant 0 : i32
      %cond3A_340 = arith.cmpi ne, %convert_element_type3A_338, %cond3A_339 : i32
      scf.if %cond3A_340 {
        %add3A_367 = arith.constant 3 : i32
        %add3A_368 = arith.addi %while3A_291, %add3A_367 : i32
        %sub3A_369 = arith.constant 1 : i32
        %sub3A_370 = arith.subi %add3A_368, %sub3A_369 : i32
        %rem3A_371 = arith.constant 3 : i32
        %rem3A_372 = arith.remsi %sub3A_370, %rem3A_371 : i32
        %dma_wait3A_373 = arith.constant 0 : i32
        %dma_wait3A_374 = arith.constant 0 : i32
        %dma_wait3A_375 = tpu.memref_slice %arg6[%rem3A_372, %dma_wait3A_373, %dma_wait3A_374] : memref<3x2x128xi32, #tpu.memory_space<vmem>> -> memref<1x2x128xi32, #tpu.memory_space<vmem>>
        %dma_wait3A_376 = tpu.memref_squeeze %dma_wait3A_375 : memref<1x2x128xi32, #tpu.memory_space<vmem>> -> memref<2x128xi32, #tpu.memory_space<vmem>>
        %dma_wait3A_377 = arith.constant 0 : i32
        %dma_wait3A_378 = arith.constant 0 : i32
        %dma_wait3A_379 = tpu.memref_slice %arg3[%dma_wait3A_377, %dma_wait3A_378] : memref<2x320000xi32, #tpu.memory_space<hbm>> -> memref<2x128xi32, #tpu.memory_space<hbm>>
        %dma_wait3A_380 = tpu.memref_slice %arg10[%rem3A_372] : memref<3x!tpu.dma_semaphore, #tpu.memory_space<semaphore_mem>> -> memref<1x!tpu.dma_semaphore, #tpu.memory_space<semaphore_mem>>
        %dma_wait3A_381 = tpu.memref_squeeze %dma_wait3A_380 : memref<1x!tpu.dma_semaphore, #tpu.memory_space<semaphore_mem>> -> memref<!tpu.dma_semaphore, #tpu.memory_space<semaphore_mem>>
        %dma_wait3A_382 = arith.constant 0 : i32
        %dma_wait3A_383 = arith.constant 0 : i32
        %dma_wait3A_384 = tpu.memref_slice %arg6[%rem3A_372, %dma_wait3A_382, %dma_wait3A_383] : memref<3x2x128xi32, #tpu.memory_space<vmem>> -> memref<1x2x128xi32, #tpu.memory_space<vmem>>
        %dma_wait3A_385 = tpu.memref_squeeze %dma_wait3A_384 : memref<1x2x128xi32, #tpu.memory_space<vmem>> -> memref<2x128xi32, #tpu.memory_space<vmem>>
        %dma_wait3A_386 = arith.constant 0 : i32
        %dma_wait3A_387 = arith.constant 0 : i32
        %dma_wait3A_388 = tpu.memref_slice %arg3[%dma_wait3A_386, %dma_wait3A_387] : memref<2x320000xi32, #tpu.memory_space<hbm>> -> memref<2x128xi32, #tpu.memory_space<hbm>>
        tpu.wait_dma2 semaphore(%dma_wait3A_381 : memref<!tpu.dma_semaphore, #tpu.memory_space<semaphore_mem>>) src(%dma_wait3A_388 : memref<2x128xi32, #tpu.memory_space<hbm>>) dst(%dma_wait3A_385 : memref<2x128xi32, #tpu.memory_space<vmem>>)
        %add3A_389 = arith.constant 3 : i32
        %add3A_390 = arith.addi %while3A_291, %add3A_389 : i32
        %sub3A_391 = arith.constant 1 : i32
        %sub3A_392 = arith.subi %add3A_390, %sub3A_391 : i32
        %dma_start3A_393 = arith.constant 0 : i32
        %dma_start3A_394 = arith.constant 0 : i32
        %dma_start3A_395 = arith.constant 0 : i32
        %dma_start3A_396 = tpu.memref_slice %arg7[%rem3A_372, %dma_start3A_394, %dma_start3A_395] : memref<3x128x64xi32, #tpu.memory_space<vmem>> -> memref<1x128x64xi32, #tpu.memory_space<vmem>>
        %dma_start3A_397 = tpu.memref_squeeze %dma_start3A_396 : memref<1x128x64xi32, #tpu.memory_space<vmem>> -> memref<128x64xi32, #tpu.memory_space<vmem>>
        %dma_start3A_398 = arith.constant 0 : i32
        %dma_start3A_399 = tpu.memref_slice %arg6[%rem3A_372, %dma_start3A_393, %dma_start3A_398] : memref<3x2x128xi32, #tpu.memory_space<vmem>> -> memref<1x1x128xi32, #tpu.memory_space<vmem>>
        %dma_start3A_400 = tpu.memref_squeeze %dma_start3A_399 : memref<1x1x128xi32, #tpu.memory_space<vmem>> -> memref<128xi32, #tpu.memory_space<vmem>>
        %dma_start3A_401 = arith.constant 0 : i32
        %dma_start3A_402 = arith.constant 0 : i32
        %dma_start3A_403 = tpu.memref_slice %arg5[%dma_start3A_401, %dma_start3A_402] : memref<10000x64xi32, #tpu.memory_space<vmem_shared>> -> memref<10000x64xi32, #tpu.memory_space<vmem_shared>>
        %dma_start3A_404 = tpu.memref_slice %arg11[%rem3A_372] : memref<3x!tpu.dma_semaphore, #tpu.memory_space<semaphore_mem>> -> memref<1x!tpu.dma_semaphore, #tpu.memory_space<semaphore_mem>>
        %dma_start3A_405 = tpu.memref_squeeze %dma_start3A_404 : memref<1x!tpu.dma_semaphore, #tpu.memory_space<semaphore_mem>> -> memref<!tpu.dma_semaphore, #tpu.memory_space<semaphore_mem>>
        tpu.enqueue_indirect_dma source(%dma_start3A_403 : memref<10000x64xi32, #tpu.memory_space<vmem_shared>>) target(%dma_start3A_397 : memref<128x64xi32, #tpu.memory_space<vmem>>) offsets(%dma_start3A_400 : memref<128xi32, #tpu.memory_space<vmem>>) semaphore(%dma_start3A_405 : memref<!tpu.dma_semaphore, #tpu.memory_space<semaphore_mem>>)
        %dma_start3A_406 = arith.constant 1 : i32
        %dma_start3A_407 = arith.constant 0 : i32
        %dma_start3A_408 = arith.constant 0 : i32
        %dma_start3A_409 = tpu.memref_slice %arg8[%rem3A_372, %dma_start3A_407, %dma_start3A_408] : memref<3x128x64xi32, #tpu.memory_space<vmem>> -> memref<1x128x64xi32, #tpu.memory_space<vmem>>
        %dma_start3A_410 = tpu.memref_squeeze %dma_start3A_409 : memref<1x128x64xi32, #tpu.memory_space<vmem>> -> memref<128x64xi32, #tpu.memory_space<vmem>>
        %dma_start3A_411 = arith.constant 0 : i32
        %dma_start3A_412 = tpu.memref_slice %arg6[%rem3A_372, %dma_start3A_406, %dma_start3A_411] : memref<3x2x128xi32, #tpu.memory_space<vmem>> -> memref<1x1x128xi32, #tpu.memory_space<vmem>>
        %dma_start3A_413 = tpu.memref_squeeze %dma_start3A_412 : memref<1x1x128xi32, #tpu.memory_space<vmem>> -> memref<128xi32, #tpu.memory_space<vmem>>
        %dma_start3A_414 = arith.constant 0 : i32
        %dma_start3A_415 = arith.constant 0 : i32
        %dma_start3A_416 = tpu.memref_slice %arg5[%dma_start3A_414, %dma_start3A_415] : memref<10000x64xi32, #tpu.memory_space<vmem_shared>> -> memref<10000x64xi32, #tpu.memory_space<vmem_shared>>
        %dma_start3A_417 = tpu.memref_slice %arg11[%rem3A_372] : memref<3x!tpu.dma_semaphore, #tpu.memory_space<semaphore_mem>> -> memref<1x!tpu.dma_semaphore, #tpu.memory_space<semaphore_mem>>
        %dma_start3A_418 = tpu.memref_squeeze %dma_start3A_417 : memref<1x!tpu.dma_semaphore, #tpu.memory_space<semaphore_mem>> -> memref<!tpu.dma_semaphore, #tpu.memory_space<semaphore_mem>>
        tpu.enqueue_indirect_dma source(%dma_start3A_416 : memref<10000x64xi32, #tpu.memory_space<vmem_shared>>) target(%dma_start3A_410 : memref<128x64xi32, #tpu.memory_space<vmem>>) offsets(%dma_start3A_413 : memref<128xi32, #tpu.memory_space<vmem>>) semaphore(%dma_start3A_418 : memref<!tpu.dma_semaphore, #tpu.memory_space<semaphore_mem>>)
      } else {
      }
      %ge3A = arith.constant 3 : i32
      %ge3A_341 = arith.cmpi sge, %while3A_291, %ge3A : i32
      %convert_element_type3A_342 = arith.extui %ge3A_341 : i1 to i32
      %cond3A_343 = arith.constant 0 : i32
      %cond3A_344 = arith.cmpi ne, %convert_element_type3A_342, %cond3A_343 : i32
      scf.if %cond3A_344 {
        %dma_wait3A_367 = arith.constant 0 : i32
        %dma_wait3A_368 = tpu.memref_slice %arg9[%rem3A_294, %dma_wait3A_367] : memref<3x128xf32, #tpu.memory_space<vmem>> -> memref<1x128xf32, #tpu.memory_space<vmem>>
        %dma_wait3A_369 = tpu.memref_squeeze %dma_wait3A_368 : memref<1x128xf32, #tpu.memory_space<vmem>> -> memref<128xf32, #tpu.memory_space<vmem>>
        %dma_wait3A_370 = arith.constant 0 : i32
        %dma_wait3A_371 = tpu.memref_slice %arg4[%dma_wait3A_370] : memref<320000xf32, #tpu.memory_space<hbm>> -> memref<128xf32, #tpu.memory_space<hbm>>
        %dma_wait3A_372 = tpu.memref_slice %arg12[%rem3A_294] : memref<3x!tpu.dma_semaphore, #tpu.memory_space<semaphore_mem>> -> memref<1x!tpu.dma_semaphore, #tpu.memory_space<semaphore_mem>>
        %dma_wait3A_373 = tpu.memref_squeeze %dma_wait3A_372 : memref<1x!tpu.dma_semaphore, #tpu.memory_space<semaphore_mem>> -> memref<!tpu.dma_semaphore, #tpu.memory_space<semaphore_mem>>
        %dma_wait3A_374 = arith.constant 0 : i32
        %dma_wait3A_375 = tpu.memref_slice %arg4[%dma_wait3A_374] : memref<320000xf32, #tpu.memory_space<hbm>> -> memref<128xf32, #tpu.memory_space<hbm>>
        %dma_wait3A_376 = arith.constant 0 : i32
        %dma_wait3A_377 = tpu.memref_slice %arg9[%rem3A_294, %dma_wait3A_376] : memref<3x128xf32, #tpu.memory_space<vmem>> -> memref<1x128xf32, #tpu.memory_space<vmem>>
        %dma_wait3A_378 = tpu.memref_squeeze %dma_wait3A_377 : memref<1x128xf32, #tpu.memory_space<vmem>> -> memref<128xf32, #tpu.memory_space<vmem>>
        tpu.wait_dma2 semaphore(%dma_wait3A_373 : memref<!tpu.dma_semaphore, #tpu.memory_space<semaphore_mem>>) src(%dma_wait3A_378 : memref<128xf32, #tpu.memory_space<vmem>>) dst(%dma_wait3A_375 : memref<128xf32, #tpu.memory_space<hbm>>)
      } else {
      }
      %scan3A = arith.constant 0 : i32
      %scan3A_345 = arith.constant 0 : i32
      %scan3A_346 = arith.constant 8 : i32
      %scan3A_347 = arith.addi %scan3A_345, %scan3A_346 : i32
      %scan3A_348 = arith.constant 1 : i32
      %scan3A_349 = scf.for %scan3A_367 = %scan3A_345 to %scan3A_347 step %scan3A_348 iter_args(%scan3A_368 = %scan3A) -> (i32)  : i32 {
        %mul3A_369 = arith.constant 16 : i32
        %mul3A_370 = arith.muli %scan3A_367, %mul3A_369 : i32
        %add3A_371 = arith.constant 0 : i32
        %add3A_372 = arith.addi %mul3A_370, %add3A_371 : i32
        %get3A = arith.index_cast %rem3A_294 : i32 to index
        %get3A_373 = arith.index_cast %add3A_372 : i32 to index
        %get3A_374 = arith.constant 0 : index
        %get3A_375 = tpu.vector_load %arg7[%get3A, %get3A_373, %get3A_374] {strides = array<i32>} : memref<3x128x64xi32, #tpu.memory_space<vmem>>, vector<16xi32>,
        %bitcast3A = vector.bitcast %get3A_375 : vector<16xi32> to vector<32xbf16>
        %get3A_376 = arith.index_cast %rem3A_294 : i32 to index
        %get3A_377 = arith.index_cast %add3A_372 : i32 to index
        %get3A_378 = arith.constant 0 : index
        %get3A_379 = tpu.vector_load %arg8[%get3A_376, %get3A_377, %get3A_378] {strides = array<i32>} : memref<3x128x64xi32, #tpu.memory_space<vmem>>, vector<16xi32>,
        %bitcast3A_380 = vector.bitcast %get3A_379 : vector<16xi32> to vector<32xbf16>
        %mul3A_381 = arith.mulf %bitcast3A, %bitcast3A_380 : vector<32xbf16>
        %unpack3A = tpu.unpack_subelements %mul3A_381, 0 {pack_format = #tpu.pack_format<interleaved>} : vector<32xbf16> -> vector<16xf32>
        %unpack3A_382 = tpu.unpack_subelements %mul3A_381, 1 {pack_format = #tpu.pack_format<interleaved>} : vector<32xbf16> -> vector<16xf32>
        %get3A_383 = arith.index_cast %rem3A_294 : i32 to index
        %get3A_384 = arith.index_cast %add3A_372 : i32 to index
        %get3A_385 = arith.constant 16 : index
        %get3A_386 = tpu.vector_load %arg7[%get3A_383, %get3A_384, %get3A_385] {strides = array<i32>} : memref<3x128x64xi32, #tpu.memory_space<vmem>>, vector<16xi32>,
        %bitcast3A_387 = vector.bitcast %get3A_386 : vector<16xi32> to vector<32xbf16>
        %get3A_388 = arith.index_cast %rem3A_294 : i32 to index
        %get3A_389 = arith.index_cast %add3A_372 : i32 to index
        %get3A_390 = arith.constant 16 : index
        %get3A_391 = tpu.vector_load %arg8[%get3A_388, %get3A_389, %get3A_390] {strides = array<i32>} : memref<3x128x64xi32, #tpu.memory_space<vmem>>, vector<16xi32>,
        %bitcast3A_392 = vector.bitcast %get3A_391 : vector<16xi32> to vector<32xbf16>
        %mul3A_393 = arith.mulf %bitcast3A_387, %bitcast3A_392 : vector<32xbf16>
        %unpack3A_394 = tpu.unpack_subelements %mul3A_393, 0 {pack_format = #tpu.pack_format<interleaved>} : vector<32xbf16> -> vector<16xf32>
        %unpack3A_395 = tpu.unpack_subelements %mul3A_393, 1 {pack_format = #tpu.pack_format<interleaved>} : vector<32xbf16> -> vector<16xf32>
        %add3A_396 = arith.addf %unpack3A, %unpack3A_394 : vector<16xf32>
        %add3A_397 = arith.addf %unpack3A_382, %unpack3A_395 : vector<16xf32>
        %get3A_398 = arith.index_cast %rem3A_294 : i32 to index
        %get3A_399 = arith.index_cast %add3A_372 : i32 to index
        %get3A_400 = arith.constant 32 : index
        %get3A_401 = tpu.vector_load %arg7[%get3A_398, %get3A_399, %get3A_400] {strides = array<i32>} : memref<3x128x64xi32, #tpu.memory_space<vmem>>, vector<16xi32>,
        %bitcast3A_402 = vector.bitcast %get3A_401 : vector<16xi32> to vector<32xbf16>
        %get3A_403 = arith.index_cast %rem3A_294 : i32 to index
        %get3A_404 = arith.index_cast %add3A_372 : i32 to index
        %get3A_405 = arith.constant 32 : index
        %get3A_406 = tpu.vector_load %arg8[%get3A_403, %get3A_404, %get3A_405] {strides = array<i32>} : memref<3x128x64xi32, #tpu.memory_space<vmem>>, vector<16xi32>,
        %bitcast3A_407 = vector.bitcast %get3A_406 : vector<16xi32> to vector<32xbf16>
        %mul3A_408 = arith.mulf %bitcast3A_402, %bitcast3A_407 : vector<32xbf16>
        %unpack3A_409 = tpu.unpack_subelements %mul3A_408, 0 {pack_format = #tpu.pack_format<interleaved>} : vector<32xbf16> -> vector<16xf32>
        %unpack3A_410 = tpu.unpack_subelements %mul3A_408, 1 {pack_format = #tpu.pack_format<interleaved>} : vector<32xbf16> -> vector<16xf32>
        %add3A_411 = arith.addf %add3A_396, %unpack3A_409 : vector<16xf32>
        %add3A_412 = arith.addf %add3A_397, %unpack3A_410 : vector<16xf32>
        %get3A_413 = arith.index_cast %rem3A_294 : i32 to index
        %get3A_414 = arith.index_cast %add3A_372 : i32 to index
        %get3A_415 = arith.constant 48 : index
        %get3A_416 = tpu.vector_load %arg7[%get3A_413, %get3A_414, %get3A_415] {strides = array<i32>} : memref<3x128x64xi32, #tpu.memory_space<vmem>>, vector<16xi32>,
        %bitcast3A_417 = vector.bitcast %get3A_416 : vector<16xi32> to vector<32xbf16>
        %get3A_418 = arith.index_cast %rem3A_294 : i32 to index
        %get3A_419 = arith.index_cast %add3A_372 : i32 to index
        %get3A_420 = arith.constant 48 : index
        %get3A_421 = tpu.vector_load %arg8[%get3A_418, %get3A_419, %get3A_420] {strides = array<i32>} : memref<3x128x64xi32, #tpu.memory_space<vmem>>, vector<16xi32>,
        %bitcast3A_422 = vector.bitcast %get3A_421 : vector<16xi32> to vector<32xbf16>
        %mul3A_423 = arith.mulf %bitcast3A_417, %bitcast3A_422 : vector<32xbf16>
        %unpack3A_424 = tpu.unpack_subelements %mul3A_423, 0 {pack_format = #tpu.pack_format<interleaved>} : vector<32xbf16> -> vector<16xf32>
        %unpack3A_425 = tpu.unpack_subelements %mul3A_423, 1 {pack_format = #tpu.pack_format<interleaved>} : vector<32xbf16> -> vector<16xf32>
        %add3A_426 = arith.addf %add3A_411, %unpack3A_424 : vector<16xf32>
        %add3A_427 = arith.addf %add3A_412, %unpack3A_425 : vector<16xf32>
        %add3A_428 = arith.addf %add3A_426, %add3A_427 : vector<16xf32>
        %add3A_429 = arith.constant 1 : i32
        %add3A_430 = arith.addi %add3A_372, %add3A_429 : i32
        %get3A_431 = arith.index_cast %rem3A_294 : i32 to index
        %get3A_432 = arith.index_cast %add3A_430 : i32 to index
        %get3A_433 = arith.constant 0 : index
        %get3A_434 = tpu.vector_load %arg7[%get3A_431, %get3A_432, %get3A_433] {strides = array<i32>} : memref<3x128x64xi32, #tpu.memory_space<vmem>>, vector<16xi32>,
        %bitcast3A_435 = vector.bitcast %get3A_434 : vector<16xi32> to vector<32xbf16>
        %get3A_436 = arith.index_cast %rem3A_294 : i32 to index
        %get3A_437 = arith.index_cast %add3A_430 : i32 to index
        %get3A_438 = arith.constant 0 : index
        %get3A_439 = tpu.vector_load %arg8[%get3A_436, %get3A_437, %get3A_438] {strides = array<i32>} : memref<3x128x64xi32, #tpu.memory_space<vmem>>, vector<16xi32>,
        %bitcast3A_440 = vector.bitcast %get3A_439 : vector<16xi32> to vector<32xbf16>
        %mul3A_441 = arith.mulf %bitcast3A_435, %bitcast3A_440 : vector<32xbf16>
        %unpack3A_442 = tpu.unpack_subelements %mul3A_441, 0 {pack_format = #tpu.pack_format<interleaved>} : vector<32xbf16> -> vector<16xf32>
        %unpack3A_443 = tpu.unpack_subelements %mul3A_441, 1 {pack_format = #tpu.pack_format<interleaved>} : vector<32xbf16> -> vector<16xf32>
        %get3A_444 = arith.index_cast %rem3A_294 : i32 to index
        %get3A_445 = arith.index_cast %add3A_430 : i32 to index
        %get3A_446 = arith.constant 16 : index
        %get3A_447 = tpu.vector_load %arg7[%get3A_444, %get3A_445, %get3A_446] {strides = array<i32>} : memref<3x128x64xi32, #tpu.memory_space<vmem>>, vector<16xi32>,
        %bitcast3A_448 = vector.bitcast %get3A_447 : vector<16xi32> to vector<32xbf16>
        %get3A_449 = arith.index_cast %rem3A_294 : i32 to index
        %get3A_450 = arith.index_cast %add3A_430 : i32 to index
        %get3A_451 = arith.constant 16 : index
        %get3A_452 = tpu.vector_load %arg8[%get3A_449, %get3A_450, %get3A_451] {strides = array<i32>} : memref<3x128x64xi32, #tpu.memory_space<vmem>>, vector<16xi32>,
        %bitcast3A_453 = vector.bitcast %get3A_452 : vector<16xi32> to vector<32xbf16>
        %mul3A_454 = arith.mulf %bitcast3A_448, %bitcast3A_453 : vector<32xbf16>
        %unpack3A_455 = tpu.unpack_subelements %mul3A_454, 0 {pack_format = #tpu.pack_format<interleaved>} : vector<32xbf16> -> vector<16xf32>
        %unpack3A_456 = tpu.unpack_subelements %mul3A_454, 1 {pack_format = #tpu.pack_format<interleaved>} : vector<32xbf16> -> vector<16xf32>
        %add3A_457 = arith.addf %unpack3A_442, %unpack3A_455 : vector<16xf32>
        %add3A_458 = arith.addf %unpack3A_443, %unpack3A_456 : vector<16xf32>
        %get3A_459 = arith.index_cast %rem3A_294 : i32 to index
        %get3A_460 = arith.index_cast %add3A_430 : i32 to index
        %get3A_461 = arith.constant 32 : index
        %get3A_462 = tpu.vector_load %arg7[%get3A_459, %get3A_460, %get3A_461] {strides = array<i32>} : memref<3x128x64xi32, #tpu.memory_space<vmem>>, vector<16xi32>,
        %bitcast3A_463 = vector.bitcast %get3A_462 : vector<16xi32> to vector<32xbf16>
        %get3A_464 = arith.index_cast %rem3A_294 : i32 to index
        %get3A_465 = arith.index_cast %add3A_430 : i32 to index
        %get3A_466 = arith.constant 32 : index
        %get3A_467 = tpu.vector_load %arg8[%get3A_464, %get3A_465, %get3A_466] {strides = array<i32>} : memref<3x128x64xi32, #tpu.memory_space<vmem>>, vector<16xi32>,
        %bitcast3A_468 = vector.bitcast %get3A_467 : vector<16xi32> to vector<32xbf16>
        %mul3A_469 = arith.mulf %bitcast3A_463, %bitcast3A_468 : vector<32xbf16>
        %unpack3A_470 = tpu.unpack_subelements %mul3A_469, 0 {pack_format = #tpu.pack_format<interleaved>} : vector<32xbf16> -> vector<16xf32>
        %unpack3A_471 = tpu.unpack_subelements %mul3A_469, 1 {pack_format = #tpu.pack_format<interleaved>} : vector<32xbf16> -> vector<16xf32>
        %add3A_472 = arith.addf %add3A_457, %unpack3A_470 : vector<16xf32>
        %add3A_473 = arith.addf %add3A_458, %unpack3A_471 : vector<16xf32>
        %get3A_474 = arith.index_cast %rem3A_294 : i32 to index
        %get3A_475 = arith.index_cast %add3A_430 : i32 to index
        %get3A_476 = arith.constant 48 : index
        %get3A_477 = tpu.vector_load %arg7[%get3A_474, %get3A_475, %get3A_476] {strides = array<i32>} : memref<3x128x64xi32, #tpu.memory_space<vmem>>, vector<16xi32>,
        %bitcast3A_478 = vector.bitcast %get3A_477 : vector<16xi32> to vector<32xbf16>
        %get3A_479 = arith.index_cast %rem3A_294 : i32 to index
        %get3A_480 = arith.index_cast %add3A_430 : i32 to index
        %get3A_481 = arith.constant 48 : index
        %get3A_482 = tpu.vector_load %arg8[%get3A_479, %get3A_480, %get3A_481] {strides = array<i32>} : memref<3x128x64xi32, #tpu.memory_space<vmem>>, vector<16xi32>,
        %bitcast3A_483 = vector.bitcast %get3A_482 : vector<16xi32> to vector<32xbf16>
        %mul3A_484 = arith.mulf %bitcast3A_478, %bitcast3A_483 : vector<32xbf16>
        %unpack3A_485 = tpu.unpack_subelements %mul3A_484, 0 {pack_format = #tpu.pack_format<interleaved>} : vector<32xbf16> -> vector<16xf32>
        %unpack3A_486 = tpu.unpack_subelements %mul3A_484, 1 {pack_format = #tpu.pack_format<interleaved>} : vector<32xbf16> -> vector<16xf32>
        %add3A_487 = arith.addf %add3A_472, %unpack3A_485 : vector<16xf32>
        %add3A_488 = arith.addf %add3A_473, %unpack3A_486 : vector<16xf32>
        %add3A_489 = arith.addf %add3A_487, %add3A_488 : vector<16xf32>
        %broadcast_in_dim3A = vector.shape_cast %and3A_32 : vector<16xi32> to vector<16x1xi32>
        %gather3A = vector.shape_cast %broadcast_in_dim3A : vector<16x1xi32> to vector<16xi32>
        %gather3A_490 = tpu.dynamic_gather %add3A_489[%gather3A] in [0] : vector<16xf32>, vector<16xi32> -> vector<16xf32>
        %select_n3A_491 = arith.select %eq3A_9, %add3A_428, %gather3A_490 : vector<16xi1>, vector<16xf32>
        %broadcast_in_dim3A_492 = vector.shape_cast %and3A_56 : vector<16xi32> to vector<16x1xi32>
        %gather3A_493 = vector.shape_cast %broadcast_in_dim3A_492 : vector<16x1xi32> to vector<16xi32>
        %gather3A_494 = tpu.dynamic_gather %add3A_428[%gather3A_493] in [0] : vector<16xf32>, vector<16xi32> -> vector<16xf32>
        %select_n3A_495 = arith.select %eq3A_9, %gather3A_494, %add3A_489 : vector<16xi1>, vector<16xf32>
        %add3A_496 = arith.addf %select_n3A_491, %select_n3A_495 : vector<16xf32>
        %add3A_497 = arith.constant 2 : i32
        %add3A_498 = arith.addi %add3A_372, %add3A_497 : i32
        %get3A_499 = arith.index_cast %rem3A_294 : i32 to index
        %get3A_500 = arith.index_cast %add3A_498 : i32 to index
        %get3A_501 = arith.constant 0 : index
        %get3A_502 = tpu.vector_load %arg7[%get3A_499, %get3A_500, %get3A_501] {strides = array<i32>} : memref<3x128x64xi32, #tpu.memory_space<vmem>>, vector<16xi32>,
        %bitcast3A_503 = vector.bitcast %get3A_502 : vector<16xi32> to vector<32xbf16>
        %get3A_504 = arith.index_cast %rem3A_294 : i32 to index
        %get3A_505 = arith.index_cast %add3A_498 : i32 to index
        %get3A_506 = arith.constant 0 : index
        %get3A_507 = tpu.vector_load %arg8[%get3A_504, %get3A_505, %get3A_506] {strides = array<i32>} : memref<3x128x64xi32, #tpu.memory_space<vmem>>, vector<16xi32>,
        %bitcast3A_508 = vector.bitcast %get3A_507 : vector<16xi32> to vector<32xbf16>
        %mul3A_509 = arith.mulf %bitcast3A_503, %bitcast3A_508 : vector<32xbf16>
        %unpack3A_510 = tpu.unpack_subelements %mul3A_509, 0 {pack_format = #tpu.pack_format<interleaved>} : vector<32xbf16> -> vector<16xf32>
        %unpack3A_511 = tpu.unpack_subelements %mul3A_509, 1 {pack_format = #tpu.pack_format<interleaved>} : vector<32xbf16> -> vector<16xf32>
        %get3A_512 = arith.index_cast %rem3A_294 : i32 to index
        %get3A_513 = arith.index_cast %add3A_498 : i32 to index
        %get3A_514 = arith.constant 16 : index
        %get3A_515 = tpu.vector_load %arg7[%get3A_512, %get3A_513, %get3A_514] {strides = array<i32>} : memref<3x128x64xi32, #tpu.memory_space<vmem>>, vector<16xi32>,
        %bitcast3A_516 = vector.bitcast %get3A_515 : vector<16xi32> to vector<32xbf16>
        %get3A_517 = arith.index_cast %rem3A_294 : i32 to index
        %get3A_518 = arith.index_cast %add3A_498 : i32 to index
        %get3A_519 = arith.constant 16 : index
        %get3A_520 = tpu.vector_load %arg8[%get3A_517, %get3A_518, %get3A_519] {strides = array<i32>} : memref<3x128x64xi32, #tpu.memory_space<vmem>>, vector<16xi32>,
        %bitcast3A_521 = vector.bitcast %get3A_520 : vector<16xi32> to vector<32xbf16>
        %mul3A_522 = arith.mulf %bitcast3A_516, %bitcast3A_521 : vector<32xbf16>
        %unpack3A_523 = tpu.unpack_subelements %mul3A_522, 0 {pack_format = #tpu.pack_format<interleaved>} : vector<32xbf16> -> vector<16xf32>
        %unpack3A_524 = tpu.unpack_subelements %mul3A_522, 1 {pack_format = #tpu.pack_format<interleaved>} : vector<32xbf16> -> vector<16xf32>
        %add3A_525 = arith.addf %unpack3A_510, %unpack3A_523 : vector<16xf32>
        %add3A_526 = arith.addf %unpack3A_511, %unpack3A_524 : vector<16xf32>
        %get3A_527 = arith.index_cast %rem3A_294 : i32 to index
        %get3A_528 = arith.index_cast %add3A_498 : i32 to index
        %get3A_529 = arith.constant 32 : index
        %get3A_530 = tpu.vector_load %arg7[%get3A_527, %get3A_528, %get3A_529] {strides = array<i32>} : memref<3x128x64xi32, #tpu.memory_space<vmem>>, vector<16xi32>,
        %bitcast3A_531 = vector.bitcast %get3A_530 : vector<16xi32> to vector<32xbf16>
        %get3A_532 = arith.index_cast %rem3A_294 : i32 to index
        %get3A_533 = arith.index_cast %add3A_498 : i32 to index
        %get3A_534 = arith.constant 32 : index
        %get3A_535 = tpu.vector_load %arg8[%get3A_532, %get3A_533, %get3A_534] {strides = array<i32>} : memref<3x128x64xi32, #tpu.memory_space<vmem>>, vector<16xi32>,
        %bitcast3A_536 = vector.bitcast %get3A_535 : vector<16xi32> to vector<32xbf16>
        %mul3A_537 = arith.mulf %bitcast3A_531, %bitcast3A_536 : vector<32xbf16>
        %unpack3A_538 = tpu.unpack_subelements %mul3A_537, 0 {pack_format = #tpu.pack_format<interleaved>} : vector<32xbf16> -> vector<16xf32>
        %unpack3A_539 = tpu.unpack_subelements %mul3A_537, 1 {pack_format = #tpu.pack_format<interleaved>} : vector<32xbf16> -> vector<16xf32>
        %add3A_540 = arith.addf %add3A_525, %unpack3A_538 : vector<16xf32>
        %add3A_541 = arith.addf %add3A_526, %unpack3A_539 : vector<16xf32>
        %get3A_542 = arith.index_cast %rem3A_294 : i32 to index
        %get3A_543 = arith.index_cast %add3A_498 : i32 to index
        %get3A_544 = arith.constant 48 : index
        %get3A_545 = tpu.vector_load %arg7[%get3A_542, %get3A_543, %get3A_544] {strides = array<i32>} : memref<3x128x64xi32, #tpu.memory_space<vmem>>, vector<16xi32>,
        %bitcast3A_546 = vector.bitcast %get3A_545 : vector<16xi32> to vector<32xbf16>
        %get3A_547 = arith.index_cast %rem3A_294 : i32 to index
        %get3A_548 = arith.index_cast %add3A_498 : i32 to index
        %get3A_549 = arith.constant 48 : index
        %get3A_550 = tpu.vector_load %arg8[%get3A_547, %get3A_548, %get3A_549] {strides = array<i32>} : memref<3x128x64xi32, #tpu.memory_space<vmem>>, vector<16xi32>,
        %bitcast3A_551 = vector.bitcast %get3A_550 : vector<16xi32> to vector<32xbf16>
        %mul3A_552 = arith.mulf %bitcast3A_546, %bitcast3A_551 : vector<32xbf16>
        %unpack3A_553 = tpu.unpack_subelements %mul3A_552, 0 {pack_format = #tpu.pack_format<interleaved>} : vector<32xbf16> -> vector<16xf32>
        %unpack3A_554 = tpu.unpack_subelements %mul3A_552, 1 {pack_format = #tpu.pack_format<interleaved>} : vector<32xbf16> -> vector<16xf32>
        %add3A_555 = arith.addf %add3A_540, %unpack3A_553 : vector<16xf32>
        %add3A_556 = arith.addf %add3A_541, %unpack3A_554 : vector<16xf32>
        %add3A_557 = arith.addf %add3A_555, %add3A_556 : vector<16xf32>
        %add3A_558 = arith.constant 3 : i32
        %add3A_559 = arith.addi %add3A_372, %add3A_558 : i32
        %get3A_560 = arith.index_cast %rem3A_294 : i32 to index
        %get3A_561 = arith.index_cast %add3A_559 : i32 to index
        %get3A_562 = arith.constant 0 : index
        %get3A_563 = tpu.vector_load %arg7[%get3A_560, %get3A_561, %get3A_562] {strides = array<i32>} : memref<3x128x64xi32, #tpu.memory_space<vmem>>, vector<16xi32>,
        %bitcast3A_564 = vector.bitcast %get3A_563 : vector<16xi32> to vector<32xbf16>
        %get3A_565 = arith.index_cast %rem3A_294 : i32 to index
        %get3A_566 = arith.index_cast %add3A_559 : i32 to index
        %get3A_567 = arith.constant 0 : index
        %get3A_568 = tpu.vector_load %arg8[%get3A_565, %get3A_566, %get3A_567] {strides = array<i32>} : memref<3x128x64xi32, #tpu.memory_space<vmem>>, vector<16xi32>,
        %bitcast3A_569 = vector.bitcast %get3A_568 : vector<16xi32> to vector<32xbf16>
        %mul3A_570 = arith.mulf %bitcast3A_564, %bitcast3A_569 : vector<32xbf16>
        %unpack3A_571 = tpu.unpack_subelements %mul3A_570, 0 {pack_format = #tpu.pack_format<interleaved>} : vector<32xbf16> -> vector<16xf32>
        %unpack3A_572 = tpu.unpack_subelements %mul3A_570, 1 {pack_format = #tpu.pack_format<interleaved>} : vector<32xbf16> -> vector<16xf32>
        %get3A_573 = arith.index_cast %rem3A_294 : i32 to index
        %get3A_574 = arith.index_cast %add3A_559 : i32 to index
        %get3A_575 = arith.constant 16 : index
        %get3A_576 = tpu.vector_load %arg7[%get3A_573, %get3A_574, %get3A_575] {strides = array<i32>} : memref<3x128x64xi32, #tpu.memory_space<vmem>>, vector<16xi32>,
        %bitcast3A_577 = vector.bitcast %get3A_576 : vector<16xi32> to vector<32xbf16>
        %get3A_578 = arith.index_cast %rem3A_294 : i32 to index
        %get3A_579 = arith.index_cast %add3A_559 : i32 to index
        %get3A_580 = arith.constant 16 : index
        %get3A_581 = tpu.vector_load %arg8[%get3A_578, %get3A_579, %get3A_580] {strides = array<i32>} : memref<3x128x64xi32, #tpu.memory_space<vmem>>, vector<16xi32>,
        %bitcast3A_582 = vector.bitcast %get3A_581 : vector<16xi32> to vector<32xbf16>
        %mul3A_583 = arith.mulf %bitcast3A_577, %bitcast3A_582 : vector<32xbf16>
        %unpack3A_584 = tpu.unpack_subelements %mul3A_583, 0 {pack_format = #tpu.pack_format<interleaved>} : vector<32xbf16> -> vector<16xf32>
        %unpack3A_585 = tpu.unpack_subelements %mul3A_583, 1 {pack_format = #tpu.pack_format<interleaved>} : vector<32xbf16> -> vector<16xf32>
        %add3A_586 = arith.addf %unpack3A_571, %unpack3A_584 : vector<16xf32>
        %add3A_587 = arith.addf %unpack3A_572, %unpack3A_585 : vector<16xf32>
        %get3A_588 = arith.index_cast %rem3A_294 : i32 to index
        %get3A_589 = arith.index_cast %add3A_559 : i32 to index
        %get3A_590 = arith.constant 32 : index
        %get3A_591 = tpu.vector_load %arg7[%get3A_588, %get3A_589, %get3A_590] {strides = array<i32>} : memref<3x128x64xi32, #tpu.memory_space<vmem>>, vector<16xi32>,
        %bitcast3A_592 = vector.bitcast %get3A_591 : vector<16xi32> to vector<32xbf16>
        %get3A_593 = arith.index_cast %rem3A_294 : i32 to index
        %get3A_594 = arith.index_cast %add3A_559 : i32 to index
        %get3A_595 = arith.constant 32 : index
        %get3A_596 = tpu.vector_load %arg8[%get3A_593, %get3A_594, %get3A_595] {strides = array<i32>} : memref<3x128x64xi32, #tpu.memory_space<vmem>>, vector<16xi32>,
        %bitcast3A_597 = vector.bitcast %get3A_596 : vector<16xi32> to vector<32xbf16>
        %mul3A_598 = arith.mulf %bitcast3A_592, %bitcast3A_597 : vector<32xbf16>
        %unpack3A_599 = tpu.unpack_subelements %mul3A_598, 0 {pack_format = #tpu.pack_format<interleaved>} : vector<32xbf16> -> vector<16xf32>
        %unpack3A_600 = tpu.unpack_subelements %mul3A_598, 1 {pack_format = #tpu.pack_format<interleaved>} : vector<32xbf16> -> vector<16xf32>
        %add3A_601 = arith.addf %add3A_586, %unpack3A_599 : vector<16xf32>
        %add3A_602 = arith.addf %add3A_587, %unpack3A_600 : vector<16xf32>
        %get3A_603 = arith.index_cast %rem3A_294 : i32 to index
        %get3A_604 = arith.index_cast %add3A_559 : i32 to index
        %get3A_605 = arith.constant 48 : index
        %get3A_606 = tpu.vector_load %arg7[%get3A_603, %get3A_604, %get3A_605] {strides = array<i32>} : memref<3x128x64xi32, #tpu.memory_space<vmem>>, vector<16xi32>,
        %bitcast3A_607 = vector.bitcast %get3A_606 : vector<16xi32> to vector<32xbf16>
        %get3A_608 = arith.index_cast %rem3A_294 : i32 to index
        %get3A_609 = arith.index_cast %add3A_559 : i32 to index
        %get3A_610 = arith.constant 48 : index
        %get3A_611 = tpu.vector_load %arg8[%get3A_608, %get3A_609, %get3A_610] {strides = array<i32>} : memref<3x128x64xi32, #tpu.memory_space<vmem>>, vector<16xi32>,
        %bitcast3A_612 = vector.bitcast %get3A_611 : vector<16xi32> to vector<32xbf16>
        %mul3A_613 = arith.mulf %bitcast3A_607, %bitcast3A_612 : vector<32xbf16>
        %unpack3A_614 = tpu.unpack_subelements %mul3A_613, 0 {pack_format = #tpu.pack_format<interleaved>} : vector<32xbf16> -> vector<16xf32>
        %unpack3A_615 = tpu.unpack_subelements %mul3A_613, 1 {pack_format = #tpu.pack_format<interleaved>} : vector<32xbf16> -> vector<16xf32>
        %add3A_616 = arith.addf %add3A_601, %unpack3A_614 : vector<16xf32>
        %add3A_617 = arith.addf %add3A_602, %unpack3A_615 : vector<16xf32>
        %add3A_618 = arith.addf %add3A_616, %add3A_617 : vector<16xf32>
        %broadcast_in_dim3A_619 = vector.shape_cast %and3A_32 : vector<16xi32> to vector<16x1xi32>
        %gather3A_620 = vector.shape_cast %broadcast_in_dim3A_619 : vector<16x1xi32> to vector<16xi32>
        %gather3A_621 = tpu.dynamic_gather %add3A_618[%gather3A_620] in [0] : vector<16xf32>, vector<16xi32> -> vector<16xf32>
        %select_n3A_622 = arith.select %eq3A_9, %add3A_557, %gather3A_621 : vector<16xi1>, vector<16xf32>
        %broadcast_in_dim3A_623 = vector.shape_cast %and3A_56 : vector<16xi32> to vector<16x1xi32>
        %gather3A_624 = vector.shape_cast %broadcast_in_dim3A_623 : vector<16x1xi32> to vector<16xi32>
        %gather3A_625 = tpu.dynamic_gather %add3A_557[%gather3A_624] in [0] : vector<16xf32>, vector<16xi32> -> vector<16xf32>
        %select_n3A_626 = arith.select %eq3A_9, %gather3A_625, %add3A_618 : vector<16xi1>, vector<16xf32>
        %add3A_627 = arith.addf %select_n3A_622, %select_n3A_626 : vector<16xf32>
        %broadcast_in_dim3A_628 = vector.shape_cast %and3A_38 : vector<16xi32> to vector<16x1xi32>
        %gather3A_629 = vector.shape_cast %broadcast_in_dim3A_628 : vector<16x1xi32> to vector<16xi32>
        %gather3A_630 = tpu.dynamic_gather %add3A_627[%gather3A_629] in [0] : vector<16xf32>, vector<16xi32> -> vector<16xf32>
        %select_n3A_631 = arith.select %eq3A_15, %add3A_496, %gather3A_630 : vector<16xi1>, vector<16xf32>
        %broadcast_in_dim3A_632 = vector.shape_cast %and3A_62 : vector<16xi32> to vector<16x1xi32>
        %gather3A_633 = vector.shape_cast %broadcast_in_dim3A_632 : vector<16x1xi32> to vector<16xi32>
        %gather3A_634 = tpu.dynamic_gather %add3A_496[%gather3A_633] in [0] : vector<16xf32>, vector<16xi32> -> vector<16xf32>
        %select_n3A_635 = arith.select %eq3A_15, %gather3A_634, %add3A_627 : vector<16xi1>, vector<16xf32>
        %add3A_636 = arith.addf %select_n3A_631, %select_n3A_635 : vector<16xf32>
        %mul3A_637 = arith.constant 16 : i32
        %mul3A_638 = arith.muli %scan3A_367, %mul3A_637 : i32
        %add3A_639 = arith.constant 4 : i32
        %add3A_640 = arith.addi %mul3A_638, %add3A_639 : i32
        %get3A_641 = arith.index_cast %rem3A_294 : i32 to index
        %get3A_642 = arith.index_cast %add3A_640 : i32 to index
        %get3A_643 = arith.constant 0 : index
        %get3A_644 = tpu.vector_load %arg7[%get3A_641, %get3A_642, %get3A_643] {strides = array<i32>} : memref<3x128x64xi32, #tpu.memory_space<vmem>>, vector<16xi32>,
        %bitcast3A_645 = vector.bitcast %get3A_644 : vector<16xi32> to vector<32xbf16>
        %get3A_646 = arith.index_cast %rem3A_294 : i32 to index
        %get3A_647 = arith.index_cast %add3A_640 : i32 to index
        %get3A_648 = arith.constant 0 : index
        %get3A_649 = tpu.vector_load %arg8[%get3A_646, %get3A_647, %get3A_648] {strides = array<i32>} : memref<3x128x64xi32, #tpu.memory_space<vmem>>, vector<16xi32>,
        %bitcast3A_650 = vector.bitcast %get3A_649 : vector<16xi32> to vector<32xbf16>
        %mul3A_651 = arith.mulf %bitcast3A_645, %bitcast3A_650 : vector<32xbf16>
        %unpack3A_652 = tpu.unpack_subelements %mul3A_651, 0 {pack_format = #tpu.pack_format<interleaved>} : vector<32xbf16> -> vector<16xf32>
        %unpack3A_653 = tpu.unpack_subelements %mul3A_651, 1 {pack_format = #tpu.pack_format<interleaved>} : vector<32xbf16> -> vector<16xf32>
        %get3A_654 = arith.index_cast %rem3A_294 : i32 to index
        %get3A_655 = arith.index_cast %add3A_640 : i32 to index
        %get3A_656 = arith.constant 16 : index
        %get3A_657 = tpu.vector_load %arg7[%get3A_654, %get3A_655, %get3A_656] {strides = array<i32>} : memref<3x128x64xi32, #tpu.memory_space<vmem>>, vector<16xi32>,
        %bitcast3A_658 = vector.bitcast %get3A_657 : vector<16xi32> to vector<32xbf16>
        %get3A_659 = arith.index_cast %rem3A_294 : i32 to index
        %get3A_660 = arith.index_cast %add3A_640 : i32 to index
        %get3A_661 = arith.constant 16 : index
        %get3A_662 = tpu.vector_load %arg8[%get3A_659, %get3A_660, %get3A_661] {strides = array<i32>} : memref<3x128x64xi32, #tpu.memory_space<vmem>>, vector<16xi32>,
        %bitcast3A_663 = vector.bitcast %get3A_662 : vector<16xi32> to vector<32xbf16>
        %mul3A_664 = arith.mulf %bitcast3A_658, %bitcast3A_663 : vector<32xbf16>
        %unpack3A_665 = tpu.unpack_subelements %mul3A_664, 0 {pack_format = #tpu.pack_format<interleaved>} : vector<32xbf16> -> vector<16xf32>
        %unpack3A_666 = tpu.unpack_subelements %mul3A_664, 1 {pack_format = #tpu.pack_format<interleaved>} : vector<32xbf16> -> vector<16xf32>
        %add3A_667 = arith.addf %unpack3A_652, %unpack3A_665 : vector<16xf32>
        %add3A_668 = arith.addf %unpack3A_653, %unpack3A_666 : vector<16xf32>
        %get3A_669 = arith.index_cast %rem3A_294 : i32 to index
        %get3A_670 = arith.index_cast %add3A_640 : i32 to index
        %get3A_671 = arith.constant 32 : index
        %get3A_672 = tpu.vector_load %arg7[%get3A_669, %get3A_670, %get3A_671] {strides = array<i32>} : memref<3x128x64xi32, #tpu.memory_space<vmem>>, vector<16xi32>,
        %bitcast3A_673 = vector.bitcast %get3A_672 : vector<16xi32> to vector<32xbf16>
        %get3A_674 = arith.index_cast %rem3A_294 : i32 to index
        %get3A_675 = arith.index_cast %add3A_640 : i32 to index
        %get3A_676 = arith.constant 32 : index
        %get3A_677 = tpu.vector_load %arg8[%get3A_674, %get3A_675, %get3A_676] {strides = array<i32>} : memref<3x128x64xi32, #tpu.memory_space<vmem>>, vector<16xi32>,
        %bitcast3A_678 = vector.bitcast %get3A_677 : vector<16xi32> to vector<32xbf16>
        %mul3A_679 = arith.mulf %bitcast3A_673, %bitcast3A_678 : vector<32xbf16>
        %unpack3A_680 = tpu.unpack_subelements %mul3A_679, 0 {pack_format = #tpu.pack_format<interleaved>} : vector<32xbf16> -> vector<16xf32>
        %unpack3A_681 = tpu.unpack_subelements %mul3A_679, 1 {pack_format = #tpu.pack_format<interleaved>} : vector<32xbf16> -> vector<16xf32>
        %add3A_682 = arith.addf %add3A_667, %unpack3A_680 : vector<16xf32>
        %add3A_683 = arith.addf %add3A_668, %unpack3A_681 : vector<16xf32>
        %get3A_684 = arith.index_cast %rem3A_294 : i32 to index
        %get3A_685 = arith.index_cast %add3A_640 : i32 to index
        %get3A_686 = arith.constant 48 : index
        %get3A_687 = tpu.vector_load %arg7[%get3A_684, %get3A_685, %get3A_686] {strides = array<i32>} : memref<3x128x64xi32, #tpu.memory_space<vmem>>, vector<16xi32>,
        %bitcast3A_688 = vector.bitcast %get3A_687 : vector<16xi32> to vector<32xbf16>
        %get3A_689 = arith.index_cast %rem3A_294 : i32 to index
        %get3A_690 = arith.index_cast %add3A_640 : i32 to index
        %get3A_691 = arith.constant 48 : index
        %get3A_692 = tpu.vector_load %arg8[%get3A_689, %get3A_690, %get3A_691] {strides = array<i32>} : memref<3x128x64xi32, #tpu.memory_space<vmem>>, vector<16xi32>,
        %bitcast3A_693 = vector.bitcast %get3A_692 : vector<16xi32> to vector<32xbf16>
        %mul3A_694 = arith.mulf %bitcast3A_688, %bitcast3A_693 : vector<32xbf16>
        %unpack3A_695 = tpu.unpack_subelements %mul3A_694, 0 {pack_format = #tpu.pack_format<interleaved>} : vector<32xbf16> -> vector<16xf32>
        %unpack3A_696 = tpu.unpack_subelements %mul3A_694, 1 {pack_format = #tpu.pack_format<interleaved>} : vector<32xbf16> -> vector<16xf32>
        %add3A_697 = arith.addf %add3A_682, %unpack3A_695 : vector<16xf32>
        %add3A_698 = arith.addf %add3A_683, %unpack3A_696 : vector<16xf32>
        %add3A_699 = arith.addf %add3A_697, %add3A_698 : vector<16xf32>
        %add3A_700 = arith.constant 1 : i32
        %add3A_701 = arith.addi %add3A_640, %add3A_700 : i32
        %get3A_702 = arith.index_cast %rem3A_294 : i32 to index
        %get3A_703 = arith.index_cast %add3A_701 : i32 to index
        %get3A_704 = arith.constant 0 : index
        %get3A_705 = tpu.vector_load %arg7[%get3A_702, %get3A_703, %get3A_704] {strides = array<i32>} : memref<3x128x64xi32, #tpu.memory_space<vmem>>, vector<16xi32>,
        %bitcast3A_706 = vector.bitcast %get3A_705 : vector<16xi32> to vector<32xbf16>
        %get3A_707 = arith.index_cast %rem3A_294 : i32 to index
        %get3A_708 = arith.index_cast %add3A_701 : i32 to index
        %get3A_709 = arith.constant 0 : index
        %get3A_710 = tpu.vector_load %arg8[%get3A_707, %get3A_708, %get3A_709] {strides = array<i32>} : memref<3x128x64xi32, #tpu.memory_space<vmem>>, vector<16xi32>,
        %bitcast3A_711 = vector.bitcast %get3A_710 : vector<16xi32> to vector<32xbf16>
        %mul3A_712 = arith.mulf %bitcast3A_706, %bitcast3A_711 : vector<32xbf16>
        %unpack3A_713 = tpu.unpack_subelements %mul3A_712, 0 {pack_format = #tpu.pack_format<interleaved>} : vector<32xbf16> -> vector<16xf32>
        %unpack3A_714 = tpu.unpack_subelements %mul3A_712, 1 {pack_format = #tpu.pack_format<interleaved>} : vector<32xbf16> -> vector<16xf32>
        %get3A_715 = arith.index_cast %rem3A_294 : i32 to index
        %get3A_716 = arith.index_cast %add3A_701 : i32 to index
        %get3A_717 = arith.constant 16 : index
        %get3A_718 = tpu.vector_load %arg7[%get3A_715, %get3A_716, %get3A_717] {strides = array<i32>} : memref<3x128x64xi32, #tpu.memory_space<vmem>>, vector<16xi32>,
        %bitcast3A_719 = vector.bitcast %get3A_718 : vector<16xi32> to vector<32xbf16>
        %get3A_720 = arith.index_cast %rem3A_294 : i32 to index
        %get3A_721 = arith.index_cast %add3A_701 : i32 to index
        %get3A_722 = arith.constant 16 : index
        %get3A_723 = tpu.vector_load %arg8[%get3A_720, %get3A_721, %get3A_722] {strides = array<i32>} : memref<3x128x64xi32, #tpu.memory_space<vmem>>, vector<16xi32>,
        %bitcast3A_724 = vector.bitcast %get3A_723 : vector<16xi32> to vector<32xbf16>
        %mul3A_725 = arith.mulf %bitcast3A_719, %bitcast3A_724 : vector<32xbf16>
        %unpack3A_726 = tpu.unpack_subelements %mul3A_725, 0 {pack_format = #tpu.pack_format<interleaved>} : vector<32xbf16> -> vector<16xf32>
        %unpack3A_727 = tpu.unpack_subelements %mul3A_725, 1 {pack_format = #tpu.pack_format<interleaved>} : vector<32xbf16> -> vector<16xf32>
        %add3A_728 = arith.addf %unpack3A_713, %unpack3A_726 : vector<16xf32>
        %add3A_729 = arith.addf %unpack3A_714, %unpack3A_727 : vector<16xf32>
        %get3A_730 = arith.index_cast %rem3A_294 : i32 to index
        %get3A_731 = arith.index_cast %add3A_701 : i32 to index
        %get3A_732 = arith.constant 32 : index
        %get3A_733 = tpu.vector_load %arg7[%get3A_730, %get3A_731, %get3A_732] {strides = array<i32>} : memref<3x128x64xi32, #tpu.memory_space<vmem>>, vector<16xi32>,
        %bitcast3A_734 = vector.bitcast %get3A_733 : vector<16xi32> to vector<32xbf16>
        %get3A_735 = arith.index_cast %rem3A_294 : i32 to index
        %get3A_736 = arith.index_cast %add3A_701 : i32 to index
        %get3A_737 = arith.constant 32 : index
        %get3A_738 = tpu.vector_load %arg8[%get3A_735, %get3A_736, %get3A_737] {strides = array<i32>} : memref<3x128x64xi32, #tpu.memory_space<vmem>>, vector<16xi32>,
        %bitcast3A_739 = vector.bitcast %get3A_738 : vector<16xi32> to vector<32xbf16>
        %mul3A_740 = arith.mulf %bitcast3A_734, %bitcast3A_739 : vector<32xbf16>
        %unpack3A_741 = tpu.unpack_subelements %mul3A_740, 0 {pack_format = #tpu.pack_format<interleaved>} : vector<32xbf16> -> vector<16xf32>
        %unpack3A_742 = tpu.unpack_subelements %mul3A_740, 1 {pack_format = #tpu.pack_format<interleaved>} : vector<32xbf16> -> vector<16xf32>
        %add3A_743 = arith.addf %add3A_728, %unpack3A_741 : vector<16xf32>
        %add3A_744 = arith.addf %add3A_729, %unpack3A_742 : vector<16xf32>
        %get3A_745 = arith.index_cast %rem3A_294 : i32 to index
        %get3A_746 = arith.index_cast %add3A_701 : i32 to index
        %get3A_747 = arith.constant 48 : index
        %get3A_748 = tpu.vector_load %arg7[%get3A_745, %get3A_746, %get3A_747] {strides = array<i32>} : memref<3x128x64xi32, #tpu.memory_space<vmem>>, vector<16xi32>,
        %bitcast3A_749 = vector.bitcast %get3A_748 : vector<16xi32> to vector<32xbf16>
        %get3A_750 = arith.index_cast %rem3A_294 : i32 to index
        %get3A_751 = arith.index_cast %add3A_701 : i32 to index
        %get3A_752 = arith.constant 48 : index
        %get3A_753 = tpu.vector_load %arg8[%get3A_750, %get3A_751, %get3A_752] {strides = array<i32>} : memref<3x128x64xi32, #tpu.memory_space<vmem>>, vector<16xi32>,
        %bitcast3A_754 = vector.bitcast %get3A_753 : vector<16xi32> to vector<32xbf16>
        %mul3A_755 = arith.mulf %bitcast3A_749, %bitcast3A_754 : vector<32xbf16>
        %unpack3A_756 = tpu.unpack_subelements %mul3A_755, 0 {pack_format = #tpu.pack_format<interleaved>} : vector<32xbf16> -> vector<16xf32>
        %unpack3A_757 = tpu.unpack_subelements %mul3A_755, 1 {pack_format = #tpu.pack_format<interleaved>} : vector<32xbf16> -> vector<16xf32>
        %add3A_758 = arith.addf %add3A_743, %unpack3A_756 : vector<16xf32>
        %add3A_759 = arith.addf %add3A_744, %unpack3A_757 : vector<16xf32>
        %add3A_760 = arith.addf %add3A_758, %add3A_759 : vector<16xf32>
        %broadcast_in_dim3A_761 = vector.shape_cast %and3A_32 : vector<16xi32> to vector<16x1xi32>
        %gather3A_762 = vector.shape_cast %broadcast_in_dim3A_761 : vector<16x1xi32> to vector<16xi32>
        %gather3A_763 = tpu.dynamic_gather %add3A_760[%gather3A_762] in [0] : vector<16xf32>, vector<16xi32> -> vector<16xf32>
        %select_n3A_764 = arith.select %eq3A_9, %add3A_699, %gather3A_763 : vector<16xi1>, vector<16xf32>
        %broadcast_in_dim3A_765 = vector.shape_cast %and3A_56 : vector<16xi32> to vector<16x1xi32>
        %gather3A_766 = vector.shape_cast %broadcast_in_dim3A_765 : vector<16x1xi32> to vector<16xi32>
        %gather3A_767 = tpu.dynamic_gather %add3A_699[%gather3A_766] in [0] : vector<16xf32>, vector<16xi32> -> vector<16xf32>
        %select_n3A_768 = arith.select %eq3A_9, %gather3A_767, %add3A_760 : vector<16xi1>, vector<16xf32>
        %add3A_769 = arith.addf %select_n3A_764, %select_n3A_768 : vector<16xf32>
        %add3A_770 = arith.constant 2 : i32
        %add3A_771 = arith.addi %add3A_640, %add3A_770 : i32
        %get3A_772 = arith.index_cast %rem3A_294 : i32 to index
        %get3A_773 = arith.index_cast %add3A_771 : i32 to index
        %get3A_774 = arith.constant 0 : index
        %get3A_775 = tpu.vector_load %arg7[%get3A_772, %get3A_773, %get3A_774] {strides = array<i32>} : memref<3x128x64xi32, #tpu.memory_space<vmem>>, vector<16xi32>,
        %bitcast3A_776 = vector.bitcast %get3A_775 : vector<16xi32> to vector<32xbf16>
        %get3A_777 = arith.index_cast %rem3A_294 : i32 to index
        %get3A_778 = arith.index_cast %add3A_771 : i32 to index
        %get3A_779 = arith.constant 0 : index
        %get3A_780 = tpu.vector_load %arg8[%get3A_777, %get3A_778, %get3A_779] {strides = array<i32>} : memref<3x128x64xi32, #tpu.memory_space<vmem>>, vector<16xi32>,
        %bitcast3A_781 = vector.bitcast %get3A_780 : vector<16xi32> to vector<32xbf16>
        %mul3A_782 = arith.mulf %bitcast3A_776, %bitcast3A_781 : vector<32xbf16>
        %unpack3A_783 = tpu.unpack_subelements %mul3A_782, 0 {pack_format = #tpu.pack_format<interleaved>} : vector<32xbf16> -> vector<16xf32>
        %unpack3A_784 = tpu.unpack_subelements %mul3A_782, 1 {pack_format = #tpu.pack_format<interleaved>} : vector<32xbf16> -> vector<16xf32>
        %get3A_785 = arith.index_cast %rem3A_294 : i32 to index
        %get3A_786 = arith.index_cast %add3A_771 : i32 to index
        %get3A_787 = arith.constant 16 : index
        %get3A_788 = tpu.vector_load %arg7[%get3A_785, %get3A_786, %get3A_787] {strides = array<i32>} : memref<3x128x64xi32, #tpu.memory_space<vmem>>, vector<16xi32>,
        %bitcast3A_789 = vector.bitcast %get3A_788 : vector<16xi32> to vector<32xbf16>
        %get3A_790 = arith.index_cast %rem3A_294 : i32 to index
        %get3A_791 = arith.index_cast %add3A_771 : i32 to index
        %get3A_792 = arith.constant 16 : index
        %get3A_793 = tpu.vector_load %arg8[%get3A_790, %get3A_791, %get3A_792] {strides = array<i32>} : memref<3x128x64xi32, #tpu.memory_space<vmem>>, vector<16xi32>,
        %bitcast3A_794 = vector.bitcast %get3A_793 : vector<16xi32> to vector<32xbf16>
        %mul3A_795 = arith.mulf %bitcast3A_789, %bitcast3A_794 : vector<32xbf16>
        %unpack3A_796 = tpu.unpack_subelements %mul3A_795, 0 {pack_format = #tpu.pack_format<interleaved>} : vector<32xbf16> -> vector<16xf32>
        %unpack3A_797 = tpu.unpack_subelements %mul3A_795, 1 {pack_format = #tpu.pack_format<interleaved>} : vector<32xbf16> -> vector<16xf32>
        %add3A_798 = arith.addf %unpack3A_783, %unpack3A_796 : vector<16xf32>
        %add3A_799 = arith.addf %unpack3A_784, %unpack3A_797 : vector<16xf32>
        %get3A_800 = arith.index_cast %rem3A_294 : i32 to index
        %get3A_801 = arith.index_cast %add3A_771 : i32 to index
        %get3A_802 = arith.constant 32 : index
        %get3A_803 = tpu.vector_load %arg7[%get3A_800, %get3A_801, %get3A_802] {strides = array<i32>} : memref<3x128x64xi32, #tpu.memory_space<vmem>>, vector<16xi32>,
        %bitcast3A_804 = vector.bitcast %get3A_803 : vector<16xi32> to vector<32xbf16>
        %get3A_805 = arith.index_cast %rem3A_294 : i32 to index
        %get3A_806 = arith.index_cast %add3A_771 : i32 to index
        %get3A_807 = arith.constant 32 : index
        %get3A_808 = tpu.vector_load %arg8[%get3A_805, %get3A_806, %get3A_807] {strides = array<i32>} : memref<3x128x64xi32, #tpu.memory_space<vmem>>, vector<16xi32>,
        %bitcast3A_809 = vector.bitcast %get3A_808 : vector<16xi32> to vector<32xbf16>
        %mul3A_810 = arith.mulf %bitcast3A_804, %bitcast3A_809 : vector<32xbf16>
        %unpack3A_811 = tpu.unpack_subelements %mul3A_810, 0 {pack_format = #tpu.pack_format<interleaved>} : vector<32xbf16> -> vector<16xf32>
        %unpack3A_812 = tpu.unpack_subelements %mul3A_810, 1 {pack_format = #tpu.pack_format<interleaved>} : vector<32xbf16> -> vector<16xf32>
        %add3A_813 = arith.addf %add3A_798, %unpack3A_811 : vector<16xf32>
        %add3A_814 = arith.addf %add3A_799, %unpack3A_812 : vector<16xf32>
        %get3A_815 = arith.index_cast %rem3A_294 : i32 to index
        %get3A_816 = arith.index_cast %add3A_771 : i32 to index
        %get3A_817 = arith.constant 48 : index
        %get3A_818 = tpu.vector_load %arg7[%get3A_815, %get3A_816, %get3A_817] {strides = array<i32>} : memref<3x128x64xi32, #tpu.memory_space<vmem>>, vector<16xi32>,
        %bitcast3A_819 = vector.bitcast %get3A_818 : vector<16xi32> to vector<32xbf16>
        %get3A_820 = arith.index_cast %rem3A_294 : i32 to index
        %get3A_821 = arith.index_cast %add3A_771 : i32 to index
        %get3A_822 = arith.constant 48 : index
        %get3A_823 = tpu.vector_load %arg8[%get3A_820, %get3A_821, %get3A_822] {strides = array<i32>} : memref<3x128x64xi32, #tpu.memory_space<vmem>>, vector<16xi32>,
        %bitcast3A_824 = vector.bitcast %get3A_823 : vector<16xi32> to vector<32xbf16>
        %mul3A_825 = arith.mulf %bitcast3A_819, %bitcast3A_824 : vector<32xbf16>
        %unpack3A_826 = tpu.unpack_subelements %mul3A_825, 0 {pack_format = #tpu.pack_format<interleaved>} : vector<32xbf16> -> vector<16xf32>
        %unpack3A_827 = tpu.unpack_subelements %mul3A_825, 1 {pack_format = #tpu.pack_format<interleaved>} : vector<32xbf16> -> vector<16xf32>
        %add3A_828 = arith.addf %add3A_813, %unpack3A_826 : vector<16xf32>
        %add3A_829 = arith.addf %add3A_814, %unpack3A_827 : vector<16xf32>
        %add3A_830 = arith.addf %add3A_828, %add3A_829 : vector<16xf32>
        %add3A_831 = arith.constant 3 : i32
        %add3A_832 = arith.addi %add3A_640, %add3A_831 : i32
        %get3A_833 = arith.index_cast %rem3A_294 : i32 to index
        %get3A_834 = arith.index_cast %add3A_832 : i32 to index
        %get3A_835 = arith.constant 0 : index
        %get3A_836 = tpu.vector_load %arg7[%get3A_833, %get3A_834, %get3A_835] {strides = array<i32>} : memref<3x128x64xi32, #tpu.memory_space<vmem>>, vector<16xi32>,
        %bitcast3A_837 = vector.bitcast %get3A_836 : vector<16xi32> to vector<32xbf16>
        %get3A_838 = arith.index_cast %rem3A_294 : i32 to index
        %get3A_839 = arith.index_cast %add3A_832 : i32 to index
        %get3A_840 = arith.constant 0 : index
        %get3A_841 = tpu.vector_load %arg8[%get3A_838, %get3A_839, %get3A_840] {strides = array<i32>} : memref<3x128x64xi32, #tpu.memory_space<vmem>>, vector<16xi32>,
        %bitcast3A_842 = vector.bitcast %get3A_841 : vector<16xi32> to vector<32xbf16>
        %mul3A_843 = arith.mulf %bitcast3A_837, %bitcast3A_842 : vector<32xbf16>
        %unpack3A_844 = tpu.unpack_subelements %mul3A_843, 0 {pack_format = #tpu.pack_format<interleaved>} : vector<32xbf16> -> vector<16xf32>
        %unpack3A_845 = tpu.unpack_subelements %mul3A_843, 1 {pack_format = #tpu.pack_format<interleaved>} : vector<32xbf16> -> vector<16xf32>
        %get3A_846 = arith.index_cast %rem3A_294 : i32 to index
        %get3A_847 = arith.index_cast %add3A_832 : i32 to index
        %get3A_848 = arith.constant 16 : index
        %get3A_849 = tpu.vector_load %arg7[%get3A_846, %get3A_847, %get3A_848] {strides = array<i32>} : memref<3x128x64xi32, #tpu.memory_space<vmem>>, vector<16xi32>,
        %bitcast3A_850 = vector.bitcast %get3A_849 : vector<16xi32> to vector<32xbf16>
        %get3A_851 = arith.index_cast %rem3A_294 : i32 to index
        %get3A_852 = arith.index_cast %add3A_832 : i32 to index
        %get3A_853 = arith.constant 16 : index
        %get3A_854 = tpu.vector_load %arg8[%get3A_851, %get3A_852, %get3A_853] {strides = array<i32>} : memref<3x128x64xi32, #tpu.memory_space<vmem>>, vector<16xi32>,
        %bitcast3A_855 = vector.bitcast %get3A_854 : vector<16xi32> to vector<32xbf16>
        %mul3A_856 = arith.mulf %bitcast3A_850, %bitcast3A_855 : vector<32xbf16>
        %unpack3A_857 = tpu.unpack_subelements %mul3A_856, 0 {pack_format = #tpu.pack_format<interleaved>} : vector<32xbf16> -> vector<16xf32>
        %unpack3A_858 = tpu.unpack_subelements %mul3A_856, 1 {pack_format = #tpu.pack_format<interleaved>} : vector<32xbf16> -> vector<16xf32>
        %add3A_859 = arith.addf %unpack3A_844, %unpack3A_857 : vector<16xf32>
        %add3A_860 = arith.addf %unpack3A_845, %unpack3A_858 : vector<16xf32>
        %get3A_861 = arith.index_cast %rem3A_294 : i32 to index
        %get3A_862 = arith.index_cast %add3A_832 : i32 to index
        %get3A_863 = arith.constant 32 : index
        %get3A_864 = tpu.vector_load %arg7[%get3A_861, %get3A_862, %get3A_863] {strides = array<i32>} : memref<3x128x64xi32, #tpu.memory_space<vmem>>, vector<16xi32>,
        %bitcast3A_865 = vector.bitcast %get3A_864 : vector<16xi32> to vector<32xbf16>
        %get3A_866 = arith.index_cast %rem3A_294 : i32 to index
        %get3A_867 = arith.index_cast %add3A_832 : i32 to index
        %get3A_868 = arith.constant 32 : index
        %get3A_869 = tpu.vector_load %arg8[%get3A_866, %get3A_867, %get3A_868] {strides = array<i32>} : memref<3x128x64xi32, #tpu.memory_space<vmem>>, vector<16xi32>,
        %bitcast3A_870 = vector.bitcast %get3A_869 : vector<16xi32> to vector<32xbf16>
        %mul3A_871 = arith.mulf %bitcast3A_865, %bitcast3A_870 : vector<32xbf16>
        %unpack3A_872 = tpu.unpack_subelements %mul3A_871, 0 {pack_format = #tpu.pack_format<interleaved>} : vector<32xbf16> -> vector<16xf32>
        %unpack3A_873 = tpu.unpack_subelements %mul3A_871, 1 {pack_format = #tpu.pack_format<interleaved>} : vector<32xbf16> -> vector<16xf32>
        %add3A_874 = arith.addf %add3A_859, %unpack3A_872 : vector<16xf32>
        %add3A_875 = arith.addf %add3A_860, %unpack3A_873 : vector<16xf32>
        %get3A_876 = arith.index_cast %rem3A_294 : i32 to index
        %get3A_877 = arith.index_cast %add3A_832 : i32 to index
        %get3A_878 = arith.constant 48 : index
        %get3A_879 = tpu.vector_load %arg7[%get3A_876, %get3A_877, %get3A_878] {strides = array<i32>} : memref<3x128x64xi32, #tpu.memory_space<vmem>>, vector<16xi32>,
        %bitcast3A_880 = vector.bitcast %get3A_879 : vector<16xi32> to vector<32xbf16>
        %get3A_881 = arith.index_cast %rem3A_294 : i32 to index
        %get3A_882 = arith.index_cast %add3A_832 : i32 to index
        %get3A_883 = arith.constant 48 : index
        %get3A_884 = tpu.vector_load %arg8[%get3A_881, %get3A_882, %get3A_883] {strides = array<i32>} : memref<3x128x64xi32, #tpu.memory_space<vmem>>, vector<16xi32>,
        %bitcast3A_885 = vector.bitcast %get3A_884 : vector<16xi32> to vector<32xbf16>
        %mul3A_886 = arith.mulf %bitcast3A_880, %bitcast3A_885 : vector<32xbf16>
        %unpack3A_887 = tpu.unpack_subelements %mul3A_886, 0 {pack_format = #tpu.pack_format<interleaved>} : vector<32xbf16> -> vector<16xf32>
        %unpack3A_888 = tpu.unpack_subelements %mul3A_886, 1 {pack_format = #tpu.pack_format<interleaved>} : vector<32xbf16> -> vector<16xf32>
        %add3A_889 = arith.addf %add3A_874, %unpack3A_887 : vector<16xf32>
        %add3A_890 = arith.addf %add3A_875, %unpack3A_888 : vector<16xf32>
        %add3A_891 = arith.addf %add3A_889, %add3A_890 : vector<16xf32>
        %broadcast_in_dim3A_892 = vector.shape_cast %and3A_32 : vector<16xi32> to vector<16x1xi32>
        %gather3A_893 = vector.shape_cast %broadcast_in_dim3A_892 : vector<16x1xi32> to vector<16xi32>
        %gather3A_894 = tpu.dynamic_gather %add3A_891[%gather3A_893] in [0] : vector<16xf32>, vector<16xi32> -> vector<16xf32>
        %select_n3A_895 = arith.select %eq3A_9, %add3A_830, %gather3A_894 : vector<16xi1>, vector<16xf32>
        %broadcast_in_dim3A_896 = vector.shape_cast %and3A_56 : vector<16xi32> to vector<16x1xi32>
        %gather3A_897 = vector.shape_cast %broadcast_in_dim3A_896 : vector<16x1xi32> to vector<16xi32>
        %gather3A_898 = tpu.dynamic_gather %add3A_830[%gather3A_897] in [0] : vector<16xf32>, vector<16xi32> -> vector<16xf32>
        %select_n3A_899 = arith.select %eq3A_9, %gather3A_898, %add3A_891 : vector<16xi1>, vector<16xf32>
        %add3A_900 = arith.addf %select_n3A_895, %select_n3A_899 : vector<16xf32>
        %broadcast_in_dim3A_901 = vector.shape_cast %and3A_38 : vector<16xi32> to vector<16x1xi32>
        %gather3A_902 = vector.shape_cast %broadcast_in_dim3A_901 : vector<16x1xi32> to vector<16xi32>
        %gather3A_903 = tpu.dynamic_gather %add3A_900[%gather3A_902] in [0] : vector<16xf32>, vector<16xi32> -> vector<16xf32>
        %select_n3A_904 = arith.select %eq3A_15, %add3A_769, %gather3A_903 : vector<16xi1>, vector<16xf32>
        %broadcast_in_dim3A_905 = vector.shape_cast %and3A_62 : vector<16xi32> to vector<16x1xi32>
        %gather3A_906 = vector.shape_cast %broadcast_in_dim3A_905 : vector<16x1xi32> to vector<16xi32>
        %gather3A_907 = tpu.dynamic_gather %add3A_769[%gather3A_906] in [0] : vector<16xf32>, vector<16xi32> -> vector<16xf32>
        %select_n3A_908 = arith.select %eq3A_15, %gather3A_907, %add3A_900 : vector<16xi1>, vector<16xf32>
        %add3A_909 = arith.addf %select_n3A_904, %select_n3A_908 : vector<16xf32>
        %mul3A_910 = arith.constant 16 : i32
        %mul3A_911 = arith.muli %scan3A_367, %mul3A_910 : i32
        %add3A_912 = arith.constant 8 : i32
        %add3A_913 = arith.addi %mul3A_911, %add3A_912 : i32
        %get3A_914 = arith.index_cast %rem3A_294 : i32 to index
        %get3A_915 = arith.index_cast %add3A_913 : i32 to index
        %get3A_916 = arith.constant 0 : index
        %get3A_917 = tpu.vector_load %arg7[%get3A_914, %get3A_915, %get3A_916] {strides = array<i32>} : memref<3x128x64xi32, #tpu.memory_space<vmem>>, vector<16xi32>,
        %bitcast3A_918 = vector.bitcast %get3A_917 : vector<16xi32> to vector<32xbf16>
        %get3A_919 = arith.index_cast %rem3A_294 : i32 to index
        %get3A_920 = arith.index_cast %add3A_913 : i32 to index
        %get3A_921 = arith.constant 0 : index
        %get3A_922 = tpu.vector_load %arg8[%get3A_919, %get3A_920, %get3A_921] {strides = array<i32>} : memref<3x128x64xi32, #tpu.memory_space<vmem>>, vector<16xi32>,
        %bitcast3A_923 = vector.bitcast %get3A_922 : vector<16xi32> to vector<32xbf16>
        %mul3A_924 = arith.mulf %bitcast3A_918, %bitcast3A_923 : vector<32xbf16>
        %unpack3A_925 = tpu.unpack_subelements %mul3A_924, 0 {pack_format = #tpu.pack_format<interleaved>} : vector<32xbf16> -> vector<16xf32>
        %unpack3A_926 = tpu.unpack_subelements %mul3A_924, 1 {pack_format = #tpu.pack_format<interleaved>} : vector<32xbf16> -> vector<16xf32>
        %get3A_927 = arith.index_cast %rem3A_294 : i32 to index
        %get3A_928 = arith.index_cast %add3A_913 : i32 to index
        %get3A_929 = arith.constant 16 : index
        %get3A_930 = tpu.vector_load %arg7[%get3A_927, %get3A_928, %get3A_929] {strides = array<i32>} : memref<3x128x64xi32, #tpu.memory_space<vmem>>, vector<16xi32>,
        %bitcast3A_931 = vector.bitcast %get3A_930 : vector<16xi32> to vector<32xbf16>
        %get3A_932 = arith.index_cast %rem3A_294 : i32 to index
        %get3A_933 = arith.index_cast %add3A_913 : i32 to index
        %get3A_934 = arith.constant 16 : index
        %get3A_935 = tpu.vector_load %arg8[%get3A_932, %get3A_933, %get3A_934] {strides = array<i32>} : memref<3x128x64xi32, #tpu.memory_space<vmem>>, vector<16xi32>,
        %bitcast3A_936 = vector.bitcast %get3A_935 : vector<16xi32> to vector<32xbf16>
        %mul3A_937 = arith.mulf %bitcast3A_931, %bitcast3A_936 : vector<32xbf16>
        %unpack3A_938 = tpu.unpack_subelements %mul3A_937, 0 {pack_format = #tpu.pack_format<interleaved>} : vector<32xbf16> -> vector<16xf32>
        %unpack3A_939 = tpu.unpack_subelements %mul3A_937, 1 {pack_format = #tpu.pack_format<interleaved>} : vector<32xbf16> -> vector<16xf32>
        %add3A_940 = arith.addf %unpack3A_925, %unpack3A_938 : vector<16xf32>
        %add3A_941 = arith.addf %unpack3A_926, %unpack3A_939 : vector<16xf32>
        %get3A_942 = arith.index_cast %rem3A_294 : i32 to index
        %get3A_943 = arith.index_cast %add3A_913 : i32 to index
        %get3A_944 = arith.constant 32 : index
        %get3A_945 = tpu.vector_load %arg7[%get3A_942, %get3A_943, %get3A_944] {strides = array<i32>} : memref<3x128x64xi32, #tpu.memory_space<vmem>>, vector<16xi32>,
        %bitcast3A_946 = vector.bitcast %get3A_945 : vector<16xi32> to vector<32xbf16>
        %get3A_947 = arith.index_cast %rem3A_294 : i32 to index
        %get3A_948 = arith.index_cast %add3A_913 : i32 to index
        %get3A_949 = arith.constant 32 : index
        %get3A_950 = tpu.vector_load %arg8[%get3A_947, %get3A_948, %get3A_949] {strides = array<i32>} : memref<3x128x64xi32, #tpu.memory_space<vmem>>, vector<16xi32>,
        %bitcast3A_951 = vector.bitcast %get3A_950 : vector<16xi32> to vector<32xbf16>
        %mul3A_952 = arith.mulf %bitcast3A_946, %bitcast3A_951 : vector<32xbf16>
        %unpack3A_953 = tpu.unpack_subelements %mul3A_952, 0 {pack_format = #tpu.pack_format<interleaved>} : vector<32xbf16> -> vector<16xf32>
        %unpack3A_954 = tpu.unpack_subelements %mul3A_952, 1 {pack_format = #tpu.pack_format<interleaved>} : vector<32xbf16> -> vector<16xf32>
        %add3A_955 = arith.addf %add3A_940, %unpack3A_953 : vector<16xf32>
        %add3A_956 = arith.addf %add3A_941, %unpack3A_954 : vector<16xf32>
        %get3A_957 = arith.index_cast %rem3A_294 : i32 to index
        %get3A_958 = arith.index_cast %add3A_913 : i32 to index
        %get3A_959 = arith.constant 48 : index
        %get3A_960 = tpu.vector_load %arg7[%get3A_957, %get3A_958, %get3A_959] {strides = array<i32>} : memref<3x128x64xi32, #tpu.memory_space<vmem>>, vector<16xi32>,
        %bitcast3A_961 = vector.bitcast %get3A_960 : vector<16xi32> to vector<32xbf16>
        %get3A_962 = arith.index_cast %rem3A_294 : i32 to index
        %get3A_963 = arith.index_cast %add3A_913 : i32 to index
        %get3A_964 = arith.constant 48 : index
        %get3A_965 = tpu.vector_load %arg8[%get3A_962, %get3A_963, %get3A_964] {strides = array<i32>} : memref<3x128x64xi32, #tpu.memory_space<vmem>>, vector<16xi32>,
        %bitcast3A_966 = vector.bitcast %get3A_965 : vector<16xi32> to vector<32xbf16>
        %mul3A_967 = arith.mulf %bitcast3A_961, %bitcast3A_966 : vector<32xbf16>
        %unpack3A_968 = tpu.unpack_subelements %mul3A_967, 0 {pack_format = #tpu.pack_format<interleaved>} : vector<32xbf16> -> vector<16xf32>
        %unpack3A_969 = tpu.unpack_subelements %mul3A_967, 1 {pack_format = #tpu.pack_format<interleaved>} : vector<32xbf16> -> vector<16xf32>
        %add3A_970 = arith.addf %add3A_955, %unpack3A_968 : vector<16xf32>
        %add3A_971 = arith.addf %add3A_956, %unpack3A_969 : vector<16xf32>
        %add3A_972 = arith.addf %add3A_970, %add3A_971 : vector<16xf32>
        %add3A_973 = arith.constant 1 : i32
        %add3A_974 = arith.addi %add3A_913, %add3A_973 : i32
        %get3A_975 = arith.index_cast %rem3A_294 : i32 to index
        %get3A_976 = arith.index_cast %add3A_974 : i32 to index
        %get3A_977 = arith.constant 0 : index
        %get3A_978 = tpu.vector_load %arg7[%get3A_975, %get3A_976, %get3A_977] {strides = array<i32>} : memref<3x128x64xi32, #tpu.memory_space<vmem>>, vector<16xi32>,
        %bitcast3A_979 = vector.bitcast %get3A_978 : vector<16xi32> to vector<32xbf16>
        %get3A_980 = arith.index_cast %rem3A_294 : i32 to index
        %get3A_981 = arith.index_cast %add3A_974 : i32 to index
        %get3A_982 = arith.constant 0 : index
        %get3A_983 = tpu.vector_load %arg8[%get3A_980, %get3A_981, %get3A_982] {strides = array<i32>} : memref<3x128x64xi32, #tpu.memory_space<vmem>>, vector<16xi32>,
        %bitcast3A_984 = vector.bitcast %get3A_983 : vector<16xi32> to vector<32xbf16>
        %mul3A_985 = arith.mulf %bitcast3A_979, %bitcast3A_984 : vector<32xbf16>
        %unpack3A_986 = tpu.unpack_subelements %mul3A_985, 0 {pack_format = #tpu.pack_format<interleaved>} : vector<32xbf16> -> vector<16xf32>
        %unpack3A_987 = tpu.unpack_subelements %mul3A_985, 1 {pack_format = #tpu.pack_format<interleaved>} : vector<32xbf16> -> vector<16xf32>
        %get3A_988 = arith.index_cast %rem3A_294 : i32 to index
        %get3A_989 = arith.index_cast %add3A_974 : i32 to index
        %get3A_990 = arith.constant 16 : index
        %get3A_991 = tpu.vector_load %arg7[%get3A_988, %get3A_989, %get3A_990] {strides = array<i32>} : memref<3x128x64xi32, #tpu.memory_space<vmem>>, vector<16xi32>,
        %bitcast3A_992 = vector.bitcast %get3A_991 : vector<16xi32> to vector<32xbf16>
        %get3A_993 = arith.index_cast %rem3A_294 : i32 to index
        %get3A_994 = arith.index_cast %add3A_974 : i32 to index
        %get3A_995 = arith.constant 16 : index
        %get3A_996 = tpu.vector_load %arg8[%get3A_993, %get3A_994, %get3A_995] {strides = array<i32>} : memref<3x128x64xi32, #tpu.memory_space<vmem>>, vector<16xi32>,
        %bitcast3A_997 = vector.bitcast %get3A_996 : vector<16xi32> to vector<32xbf16>
        %mul3A_998 = arith.mulf %bitcast3A_992, %bitcast3A_997 : vector<32xbf16>
        %unpack3A_999 = tpu.unpack_subelements %mul3A_998, 0 {pack_format = #tpu.pack_format<interleaved>} : vector<32xbf16> -> vector<16xf32>
        %unpack3A_1000 = tpu.unpack_subelements %mul3A_998, 1 {pack_format = #tpu.pack_format<interleaved>} : vector<32xbf16> -> vector<16xf32>
        %add3A_1001 = arith.addf %unpack3A_986, %unpack3A_999 : vector<16xf32>
        %add3A_1002 = arith.addf %unpack3A_987, %unpack3A_1000 : vector<16xf32>
        %get3A_1003 = arith.index_cast %rem3A_294 : i32 to index
        %get3A_1004 = arith.index_cast %add3A_974 : i32 to index
        %get3A_1005 = arith.constant 32 : index
        %get3A_1006 = tpu.vector_load %arg7[%get3A_1003, %get3A_1004, %get3A_1005] {strides = array<i32>} : memref<3x128x64xi32, #tpu.memory_space<vmem>>, vector<16xi32>,
        %bitcast3A_1007 = vector.bitcast %get3A_1006 : vector<16xi32> to vector<32xbf16>
        %get3A_1008 = arith.index_cast %rem3A_294 : i32 to index
        %get3A_1009 = arith.index_cast %add3A_974 : i32 to index
        %get3A_1010 = arith.constant 32 : index
        %get3A_1011 = tpu.vector_load %arg8[%get3A_1008, %get3A_1009, %get3A_1010] {strides = array<i32>} : memref<3x128x64xi32, #tpu.memory_space<vmem>>, vector<16xi32>,
        %bitcast3A_1012 = vector.bitcast %get3A_1011 : vector<16xi32> to vector<32xbf16>
        %mul3A_1013 = arith.mulf %bitcast3A_1007, %bitcast3A_1012 : vector<32xbf16>
        %unpack3A_1014 = tpu.unpack_subelements %mul3A_1013, 0 {pack_format = #tpu.pack_format<interleaved>} : vector<32xbf16> -> vector<16xf32>
        %unpack3A_1015 = tpu.unpack_subelements %mul3A_1013, 1 {pack_format = #tpu.pack_format<interleaved>} : vector<32xbf16> -> vector<16xf32>
        %add3A_1016 = arith.addf %add3A_1001, %unpack3A_1014 : vector<16xf32>
        %add3A_1017 = arith.addf %add3A_1002, %unpack3A_1015 : vector<16xf32>
        %get3A_1018 = arith.index_cast %rem3A_294 : i32 to index
        %get3A_1019 = arith.index_cast %add3A_974 : i32 to index
        %get3A_1020 = arith.constant 48 : index
        %get3A_1021 = tpu.vector_load %arg7[%get3A_1018, %get3A_1019, %get3A_1020] {strides = array<i32>} : memref<3x128x64xi32, #tpu.memory_space<vmem>>, vector<16xi32>,
        %bitcast3A_1022 = vector.bitcast %get3A_1021 : vector<16xi32> to vector<32xbf16>
        %get3A_1023 = arith.index_cast %rem3A_294 : i32 to index
        %get3A_1024 = arith.index_cast %add3A_974 : i32 to index
        %get3A_1025 = arith.constant 48 : index
        %get3A_1026 = tpu.vector_load %arg8[%get3A_1023, %get3A_1024, %get3A_1025] {strides = array<i32>} : memref<3x128x64xi32, #tpu.memory_space<vmem>>, vector<16xi32>,
        %bitcast3A_1027 = vector.bitcast %get3A_1026 : vector<16xi32> to vector<32xbf16>
        %mul3A_1028 = arith.mulf %bitcast3A_1022, %bitcast3A_1027 : vector<32xbf16>
        %unpack3A_1029 = tpu.unpack_subelements %mul3A_1028, 0 {pack_format = #tpu.pack_format<interleaved>} : vector<32xbf16> -> vector<16xf32>
        %unpack3A_1030 = tpu.unpack_subelements %mul3A_1028, 1 {pack_format = #tpu.pack_format<interleaved>} : vector<32xbf16> -> vector<16xf32>
        %add3A_1031 = arith.addf %add3A_1016, %unpack3A_1029 : vector<16xf32>
        %add3A_1032 = arith.addf %add3A_1017, %unpack3A_1030 : vector<16xf32>
        %add3A_1033 = arith.addf %add3A_1031, %add3A_1032 : vector<16xf32>
        %broadcast_in_dim3A_1034 = vector.shape_cast %and3A_32 : vector<16xi32> to vector<16x1xi32>
        %gather3A_1035 = vector.shape_cast %broadcast_in_dim3A_1034 : vector<16x1xi32> to vector<16xi32>
        %gather3A_1036 = tpu.dynamic_gather %add3A_1033[%gather3A_1035] in [0] : vector<16xf32>, vector<16xi32> -> vector<16xf32>
        %select_n3A_1037 = arith.select %eq3A_9, %add3A_972, %gather3A_1036 : vector<16xi1>, vector<16xf32>
        %broadcast_in_dim3A_1038 = vector.shape_cast %and3A_56 : vector<16xi32> to vector<16x1xi32>
        %gather3A_1039 = vector.shape_cast %broadcast_in_dim3A_1038 : vector<16x1xi32> to vector<16xi32>
        %gather3A_1040 = tpu.dynamic_gather %add3A_972[%gather3A_1039] in [0] : vector<16xf32>, vector<16xi32> -> vector<16xf32>
        %select_n3A_1041 = arith.select %eq3A_9, %gather3A_1040, %add3A_1033 : vector<16xi1>, vector<16xf32>
        %add3A_1042 = arith.addf %select_n3A_1037, %select_n3A_1041 : vector<16xf32>
        %add3A_1043 = arith.constant 2 : i32
        %add3A_1044 = arith.addi %add3A_913, %add3A_1043 : i32
        %get3A_1045 = arith.index_cast %rem3A_294 : i32 to index
        %get3A_1046 = arith.index_cast %add3A_1044 : i32 to index
        %get3A_1047 = arith.constant 0 : index
        %get3A_1048 = tpu.vector_load %arg7[%get3A_1045, %get3A_1046, %get3A_1047] {strides = array<i32>} : memref<3x128x64xi32, #tpu.memory_space<vmem>>, vector<16xi32>,
        %bitcast3A_1049 = vector.bitcast %get3A_1048 : vector<16xi32> to vector<32xbf16>
        %get3A_1050 = arith.index_cast %rem3A_294 : i32 to index
        %get3A_1051 = arith.index_cast %add3A_1044 : i32 to index
        %get3A_1052 = arith.constant 0 : index
        %get3A_1053 = tpu.vector_load %arg8[%get3A_1050, %get3A_1051, %get3A_1052] {strides = array<i32>} : memref<3x128x64xi32, #tpu.memory_space<vmem>>, vector<16xi32>,
        %bitcast3A_1054 = vector.bitcast %get3A_1053 : vector<16xi32> to vector<32xbf16>
        %mul3A_1055 = arith.mulf %bitcast3A_1049, %bitcast3A_1054 : vector<32xbf16>
        %unpack3A_1056 = tpu.unpack_subelements %mul3A_1055, 0 {pack_format = #tpu.pack_format<interleaved>} : vector<32xbf16> -> vector<16xf32>
        %unpack3A_1057 = tpu.unpack_subelements %mul3A_1055, 1 {pack_format = #tpu.pack_format<interleaved>} : vector<32xbf16> -> vector<16xf32>
        %get3A_1058 = arith.index_cast %rem3A_294 : i32 to index
        %get3A_1059 = arith.index_cast %add3A_1044 : i32 to index
        %get3A_1060 = arith.constant 16 : index
        %get3A_1061 = tpu.vector_load %arg7[%get3A_1058, %get3A_1059, %get3A_1060] {strides = array<i32>} : memref<3x128x64xi32, #tpu.memory_space<vmem>>, vector<16xi32>,
        %bitcast3A_1062 = vector.bitcast %get3A_1061 : vector<16xi32> to vector<32xbf16>
        %get3A_1063 = arith.index_cast %rem3A_294 : i32 to index
        %get3A_1064 = arith.index_cast %add3A_1044 : i32 to index
        %get3A_1065 = arith.constant 16 : index
        %get3A_1066 = tpu.vector_load %arg8[%get3A_1063, %get3A_1064, %get3A_1065] {strides = array<i32>} : memref<3x128x64xi32, #tpu.memory_space<vmem>>, vector<16xi32>,
        %bitcast3A_1067 = vector.bitcast %get3A_1066 : vector<16xi32> to vector<32xbf16>
        %mul3A_1068 = arith.mulf %bitcast3A_1062, %bitcast3A_1067 : vector<32xbf16>
        %unpack3A_1069 = tpu.unpack_subelements %mul3A_1068, 0 {pack_format = #tpu.pack_format<interleaved>} : vector<32xbf16> -> vector<16xf32>
        %unpack3A_1070 = tpu.unpack_subelements %mul3A_1068, 1 {pack_format = #tpu.pack_format<interleaved>} : vector<32xbf16> -> vector<16xf32>
        %add3A_1071 = arith.addf %unpack3A_1056, %unpack3A_1069 : vector<16xf32>
        %add3A_1072 = arith.addf %unpack3A_1057, %unpack3A_1070 : vector<16xf32>
        %get3A_1073 = arith.index_cast %rem3A_294 : i32 to index
        %get3A_1074 = arith.index_cast %add3A_1044 : i32 to index
        %get3A_1075 = arith.constant 32 : index
        %get3A_1076 = tpu.vector_load %arg7[%get3A_1073, %get3A_1074, %get3A_1075] {strides = array<i32>} : memref<3x128x64xi32, #tpu.memory_space<vmem>>, vector<16xi32>,
        %bitcast3A_1077 = vector.bitcast %get3A_1076 : vector<16xi32> to vector<32xbf16>
        %get3A_1078 = arith.index_cast %rem3A_294 : i32 to index
        %get3A_1079 = arith.index_cast %add3A_1044 : i32 to index
        %get3A_1080 = arith.constant 32 : index
        %get3A_1081 = tpu.vector_load %arg8[%get3A_1078, %get3A_1079, %get3A_1080] {strides = array<i32>} : memref<3x128x64xi32, #tpu.memory_space<vmem>>, vector<16xi32>,
        %bitcast3A_1082 = vector.bitcast %get3A_1081 : vector<16xi32> to vector<32xbf16>
        %mul3A_1083 = arith.mulf %bitcast3A_1077, %bitcast3A_1082 : vector<32xbf16>
        %unpack3A_1084 = tpu.unpack_subelements %mul3A_1083, 0 {pack_format = #tpu.pack_format<interleaved>} : vector<32xbf16> -> vector<16xf32>
        %unpack3A_1085 = tpu.unpack_subelements %mul3A_1083, 1 {pack_format = #tpu.pack_format<interleaved>} : vector<32xbf16> -> vector<16xf32>
        %add3A_1086 = arith.addf %add3A_1071, %unpack3A_1084 : vector<16xf32>
        %add3A_1087 = arith.addf %add3A_1072, %unpack3A_1085 : vector<16xf32>
        %get3A_1088 = arith.index_cast %rem3A_294 : i32 to index
        %get3A_1089 = arith.index_cast %add3A_1044 : i32 to index
        %get3A_1090 = arith.constant 48 : index
        %get3A_1091 = tpu.vector_load %arg7[%get3A_1088, %get3A_1089, %get3A_1090] {strides = array<i32>} : memref<3x128x64xi32, #tpu.memory_space<vmem>>, vector<16xi32>,
        %bitcast3A_1092 = vector.bitcast %get3A_1091 : vector<16xi32> to vector<32xbf16>
        %get3A_1093 = arith.index_cast %rem3A_294 : i32 to index
        %get3A_1094 = arith.index_cast %add3A_1044 : i32 to index
        %get3A_1095 = arith.constant 48 : index
        %get3A_1096 = tpu.vector_load %arg8[%get3A_1093, %get3A_1094, %get3A_1095] {strides = array<i32>} : memref<3x128x64xi32, #tpu.memory_space<vmem>>, vector<16xi32>,
        %bitcast3A_1097 = vector.bitcast %get3A_1096 : vector<16xi32> to vector<32xbf16>
        %mul3A_1098 = arith.mulf %bitcast3A_1092, %bitcast3A_1097 : vector<32xbf16>
        %unpack3A_1099 = tpu.unpack_subelements %mul3A_1098, 0 {pack_format = #tpu.pack_format<interleaved>} : vector<32xbf16> -> vector<16xf32>
        %unpack3A_1100 = tpu.unpack_subelements %mul3A_1098, 1 {pack_format = #tpu.pack_format<interleaved>} : vector<32xbf16> -> vector<16xf32>
        %add3A_1101 = arith.addf %add3A_1086, %unpack3A_1099 : vector<16xf32>
        %add3A_1102 = arith.addf %add3A_1087, %unpack3A_1100 : vector<16xf32>
        %add3A_1103 = arith.addf %add3A_1101, %add3A_1102 : vector<16xf32>
        %add3A_1104 = arith.constant 3 : i32
        %add3A_1105 = arith.addi %add3A_913, %add3A_1104 : i32
        %get3A_1106 = arith.index_cast %rem3A_294 : i32 to index
        %get3A_1107 = arith.index_cast %add3A_1105 : i32 to index
        %get3A_1108 = arith.constant 0 : index
        %get3A_1109 = tpu.vector_load %arg7[%get3A_1106, %get3A_1107, %get3A_1108] {strides = array<i32>} : memref<3x128x64xi32, #tpu.memory_space<vmem>>, vector<16xi32>,
        %bitcast3A_1110 = vector.bitcast %get3A_1109 : vector<16xi32> to vector<32xbf16>
        %get3A_1111 = arith.index_cast %rem3A_294 : i32 to index
        %get3A_1112 = arith.index_cast %add3A_1105 : i32 to index
        %get3A_1113 = arith.constant 0 : index
        %get3A_1114 = tpu.vector_load %arg8[%get3A_1111, %get3A_1112, %get3A_1113] {strides = array<i32>} : memref<3x128x64xi32, #tpu.memory_space<vmem>>, vector<16xi32>,
        %bitcast3A_1115 = vector.bitcast %get3A_1114 : vector<16xi32> to vector<32xbf16>
        %mul3A_1116 = arith.mulf %bitcast3A_1110, %bitcast3A_1115 : vector<32xbf16>
        %unpack3A_1117 = tpu.unpack_subelements %mul3A_1116, 0 {pack_format = #tpu.pack_format<interleaved>} : vector<32xbf16> -> vector<16xf32>
        %unpack3A_1118 = tpu.unpack_subelements %mul3A_1116, 1 {pack_format = #tpu.pack_format<interleaved>} : vector<32xbf16> -> vector<16xf32>
        %get3A_1119 = arith.index_cast %rem3A_294 : i32 to index
        %get3A_1120 = arith.index_cast %add3A_1105 : i32 to index
        %get3A_1121 = arith.constant 16 : index
        %get3A_1122 = tpu.vector_load %arg7[%get3A_1119, %get3A_1120, %get3A_1121] {strides = array<i32>} : memref<3x128x64xi32, #tpu.memory_space<vmem>>, vector<16xi32>,
        %bitcast3A_1123 = vector.bitcast %get3A_1122 : vector<16xi32> to vector<32xbf16>
        %get3A_1124 = arith.index_cast %rem3A_294 : i32 to index
        %get3A_1125 = arith.index_cast %add3A_1105 : i32 to index
        %get3A_1126 = arith.constant 16 : index
        %get3A_1127 = tpu.vector_load %arg8[%get3A_1124, %get3A_1125, %get3A_1126] {strides = array<i32>} : memref<3x128x64xi32, #tpu.memory_space<vmem>>, vector<16xi32>,
        %bitcast3A_1128 = vector.bitcast %get3A_1127 : vector<16xi32> to vector<32xbf16>
        %mul3A_1129 = arith.mulf %bitcast3A_1123, %bitcast3A_1128 : vector<32xbf16>
        %unpack3A_1130 = tpu.unpack_subelements %mul3A_1129, 0 {pack_format = #tpu.pack_format<interleaved>} : vector<32xbf16> -> vector<16xf32>
        %unpack3A_1131 = tpu.unpack_subelements %mul3A_1129, 1 {pack_format = #tpu.pack_format<interleaved>} : vector<32xbf16> -> vector<16xf32>
        %add3A_1132 = arith.addf %unpack3A_1117, %unpack3A_1130 : vector<16xf32>
        %add3A_1133 = arith.addf %unpack3A_1118, %unpack3A_1131 : vector<16xf32>
        %get3A_1134 = arith.index_cast %rem3A_294 : i32 to index
        %get3A_1135 = arith.index_cast %add3A_1105 : i32 to index
        %get3A_1136 = arith.constant 32 : index
        %get3A_1137 = tpu.vector_load %arg7[%get3A_1134, %get3A_1135, %get3A_1136] {strides = array<i32>} : memref<3x128x64xi32, #tpu.memory_space<vmem>>, vector<16xi32>,
        %bitcast3A_1138 = vector.bitcast %get3A_1137 : vector<16xi32> to vector<32xbf16>
        %get3A_1139 = arith.index_cast %rem3A_294 : i32 to index
        %get3A_1140 = arith.index_cast %add3A_1105 : i32 to index
        %get3A_1141 = arith.constant 32 : index
        %get3A_1142 = tpu.vector_load %arg8[%get3A_1139, %get3A_1140, %get3A_1141] {strides = array<i32>} : memref<3x128x64xi32, #tpu.memory_space<vmem>>, vector<16xi32>,
        %bitcast3A_1143 = vector.bitcast %get3A_1142 : vector<16xi32> to vector<32xbf16>
        %mul3A_1144 = arith.mulf %bitcast3A_1138, %bitcast3A_1143 : vector<32xbf16>
        %unpack3A_1145 = tpu.unpack_subelements %mul3A_1144, 0 {pack_format = #tpu.pack_format<interleaved>} : vector<32xbf16> -> vector<16xf32>
        %unpack3A_1146 = tpu.unpack_subelements %mul3A_1144, 1 {pack_format = #tpu.pack_format<interleaved>} : vector<32xbf16> -> vector<16xf32>
        %add3A_1147 = arith.addf %add3A_1132, %unpack3A_1145 : vector<16xf32>
        %add3A_1148 = arith.addf %add3A_1133, %unpack3A_1146 : vector<16xf32>
        %get3A_1149 = arith.index_cast %rem3A_294 : i32 to index
        %get3A_1150 = arith.index_cast %add3A_1105 : i32 to index
        %get3A_1151 = arith.constant 48 : index
        %get3A_1152 = tpu.vector_load %arg7[%get3A_1149, %get3A_1150, %get3A_1151] {strides = array<i32>} : memref<3x128x64xi32, #tpu.memory_space<vmem>>, vector<16xi32>,
        %bitcast3A_1153 = vector.bitcast %get3A_1152 : vector<16xi32> to vector<32xbf16>
        %get3A_1154 = arith.index_cast %rem3A_294 : i32 to index
        %get3A_1155 = arith.index_cast %add3A_1105 : i32 to index
        %get3A_1156 = arith.constant 48 : index
        %get3A_1157 = tpu.vector_load %arg8[%get3A_1154, %get3A_1155, %get3A_1156] {strides = array<i32>} : memref<3x128x64xi32, #tpu.memory_space<vmem>>, vector<16xi32>,
        %bitcast3A_1158 = vector.bitcast %get3A_1157 : vector<16xi32> to vector<32xbf16>
        %mul3A_1159 = arith.mulf %bitcast3A_1153, %bitcast3A_1158 : vector<32xbf16>
        %unpack3A_1160 = tpu.unpack_subelements %mul3A_1159, 0 {pack_format = #tpu.pack_format<interleaved>} : vector<32xbf16> -> vector<16xf32>
        %unpack3A_1161 = tpu.unpack_subelements %mul3A_1159, 1 {pack_format = #tpu.pack_format<interleaved>} : vector<32xbf16> -> vector<16xf32>
        %add3A_1162 = arith.addf %add3A_1147, %unpack3A_1160 : vector<16xf32>
        %add3A_1163 = arith.addf %add3A_1148, %unpack3A_1161 : vector<16xf32>
        %add3A_1164 = arith.addf %add3A_1162, %add3A_1163 : vector<16xf32>
        %broadcast_in_dim3A_1165 = vector.shape_cast %and3A_32 : vector<16xi32> to vector<16x1xi32>
        %gather3A_1166 = vector.shape_cast %broadcast_in_dim3A_1165 : vector<16x1xi32> to vector<16xi32>
        %gather3A_1167 = tpu.dynamic_gather %add3A_1164[%gather3A_1166] in [0] : vector<16xf32>, vector<16xi32> -> vector<16xf32>
        %select_n3A_1168 = arith.select %eq3A_9, %add3A_1103, %gather3A_1167 : vector<16xi1>, vector<16xf32>
        %broadcast_in_dim3A_1169 = vector.shape_cast %and3A_56 : vector<16xi32> to vector<16x1xi32>
        %gather3A_1170 = vector.shape_cast %broadcast_in_dim3A_1169 : vector<16x1xi32> to vector<16xi32>
        %gather3A_1171 = tpu.dynamic_gather %add3A_1103[%gather3A_1170] in [0] : vector<16xf32>, vector<16xi32> -> vector<16xf32>
        %select_n3A_1172 = arith.select %eq3A_9, %gather3A_1171, %add3A_1164 : vector<16xi1>, vector<16xf32>
        %add3A_1173 = arith.addf %select_n3A_1168, %select_n3A_1172 : vector<16xf32>
        %broadcast_in_dim3A_1174 = vector.shape_cast %and3A_38 : vector<16xi32> to vector<16x1xi32>
        %gather3A_1175 = vector.shape_cast %broadcast_in_dim3A_1174 : vector<16x1xi32> to vector<16xi32>
        %gather3A_1176 = tpu.dynamic_gather %add3A_1173[%gather3A_1175] in [0] : vector<16xf32>, vector<16xi32> -> vector<16xf32>
        %select_n3A_1177 = arith.select %eq3A_15, %add3A_1042, %gather3A_1176 : vector<16xi1>, vector<16xf32>
        %broadcast_in_dim3A_1178 = vector.shape_cast %and3A_62 : vector<16xi32> to vector<16x1xi32>
        %gather3A_1179 = vector.shape_cast %broadcast_in_dim3A_1178 : vector<16x1xi32> to vector<16xi32>
        %gather3A_1180 = tpu.dynamic_gather %add3A_1042[%gather3A_1179] in [0] : vector<16xf32>, vector<16xi32> -> vector<16xf32>
        %select_n3A_1181 = arith.select %eq3A_15, %gather3A_1180, %add3A_1173 : vector<16xi1>, vector<16xf32>
        %add3A_1182 = arith.addf %select_n3A_1177, %select_n3A_1181 : vector<16xf32>
        %mul3A_1183 = arith.constant 16 : i32
        %mul3A_1184 = arith.muli %scan3A_367, %mul3A_1183 : i32
        %add3A_1185 = arith.constant 12 : i32
        %add3A_1186 = arith.addi %mul3A_1184, %add3A_1185 : i32
        %get3A_1187 = arith.index_cast %rem3A_294 : i32 to index
        %get3A_1188 = arith.index_cast %add3A_1186 : i32 to index
        %get3A_1189 = arith.constant 0 : index
        %get3A_1190 = tpu.vector_load %arg7[%get3A_1187, %get3A_1188, %get3A_1189] {strides = array<i32>} : memref<3x128x64xi32, #tpu.memory_space<vmem>>, vector<16xi32>,
        %bitcast3A_1191 = vector.bitcast %get3A_1190 : vector<16xi32> to vector<32xbf16>
        %get3A_1192 = arith.index_cast %rem3A_294 : i32 to index
        %get3A_1193 = arith.index_cast %add3A_1186 : i32 to index
        %get3A_1194 = arith.constant 0 : index
        %get3A_1195 = tpu.vector_load %arg8[%get3A_1192, %get3A_1193, %get3A_1194] {strides = array<i32>} : memref<3x128x64xi32, #tpu.memory_space<vmem>>, vector<16xi32>,
        %bitcast3A_1196 = vector.bitcast %get3A_1195 : vector<16xi32> to vector<32xbf16>
        %mul3A_1197 = arith.mulf %bitcast3A_1191, %bitcast3A_1196 : vector<32xbf16>
        %unpack3A_1198 = tpu.unpack_subelements %mul3A_1197, 0 {pack_format = #tpu.pack_format<interleaved>} : vector<32xbf16> -> vector<16xf32>
        %unpack3A_1199 = tpu.unpack_subelements %mul3A_1197, 1 {pack_format = #tpu.pack_format<interleaved>} : vector<32xbf16> -> vector<16xf32>
        %get3A_1200 = arith.index_cast %rem3A_294 : i32 to index
        %get3A_1201 = arith.index_cast %add3A_1186 : i32 to index
        %get3A_1202 = arith.constant 16 : index
        %get3A_1203 = tpu.vector_load %arg7[%get3A_1200, %get3A_1201, %get3A_1202] {strides = array<i32>} : memref<3x128x64xi32, #tpu.memory_space<vmem>>, vector<16xi32>,
        %bitcast3A_1204 = vector.bitcast %get3A_1203 : vector<16xi32> to vector<32xbf16>
        %get3A_1205 = arith.index_cast %rem3A_294 : i32 to index
        %get3A_1206 = arith.index_cast %add3A_1186 : i32 to index
        %get3A_1207 = arith.constant 16 : index
        %get3A_1208 = tpu.vector_load %arg8[%get3A_1205, %get3A_1206, %get3A_1207] {strides = array<i32>} : memref<3x128x64xi32, #tpu.memory_space<vmem>>, vector<16xi32>,
        %bitcast3A_1209 = vector.bitcast %get3A_1208 : vector<16xi32> to vector<32xbf16>
        %mul3A_1210 = arith.mulf %bitcast3A_1204, %bitcast3A_1209 : vector<32xbf16>
        %unpack3A_1211 = tpu.unpack_subelements %mul3A_1210, 0 {pack_format = #tpu.pack_format<interleaved>} : vector<32xbf16> -> vector<16xf32>
        %unpack3A_1212 = tpu.unpack_subelements %mul3A_1210, 1 {pack_format = #tpu.pack_format<interleaved>} : vector<32xbf16> -> vector<16xf32>
        %add3A_1213 = arith.addf %unpack3A_1198, %unpack3A_1211 : vector<16xf32>
        %add3A_1214 = arith.addf %unpack3A_1199, %unpack3A_1212 : vector<16xf32>
        %get3A_1215 = arith.index_cast %rem3A_294 : i32 to index
        %get3A_1216 = arith.index_cast %add3A_1186 : i32 to index
        %get3A_1217 = arith.constant 32 : index
        %get3A_1218 = tpu.vector_load %arg7[%get3A_1215, %get3A_1216, %get3A_1217] {strides = array<i32>} : memref<3x128x64xi32, #tpu.memory_space<vmem>>, vector<16xi32>,
        %bitcast3A_1219 = vector.bitcast %get3A_1218 : vector<16xi32> to vector<32xbf16>
        %get3A_1220 = arith.index_cast %rem3A_294 : i32 to index
        %get3A_1221 = arith.index_cast %add3A_1186 : i32 to index
        %get3A_1222 = arith.constant 32 : index
        %get3A_1223 = tpu.vector_load %arg8[%get3A_1220, %get3A_1221, %get3A_1222] {strides = array<i32>} : memref<3x128x64xi32, #tpu.memory_space<vmem>>, vector<16xi32>,
        %bitcast3A_1224 = vector.bitcast %get3A_1223 : vector<16xi32> to vector<32xbf16>
        %mul3A_1225 = arith.mulf %bitcast3A_1219, %bitcast3A_1224 : vector<32xbf16>
        %unpack3A_1226 = tpu.unpack_subelements %mul3A_1225, 0 {pack_format = #tpu.pack_format<interleaved>} : vector<32xbf16> -> vector<16xf32>
        %unpack3A_1227 = tpu.unpack_subelements %mul3A_1225, 1 {pack_format = #tpu.pack_format<interleaved>} : vector<32xbf16> -> vector<16xf32>
        %add3A_1228 = arith.addf %add3A_1213, %unpack3A_1226 : vector<16xf32>
        %add3A_1229 = arith.addf %add3A_1214, %unpack3A_1227 : vector<16xf32>
        %get3A_1230 = arith.index_cast %rem3A_294 : i32 to index
        %get3A_1231 = arith.index_cast %add3A_1186 : i32 to index
        %get3A_1232 = arith.constant 48 : index
        %get3A_1233 = tpu.vector_load %arg7[%get3A_1230, %get3A_1231, %get3A_1232] {strides = array<i32>} : memref<3x128x64xi32, #tpu.memory_space<vmem>>, vector<16xi32>,
        %bitcast3A_1234 = vector.bitcast %get3A_1233 : vector<16xi32> to vector<32xbf16>
        %get3A_1235 = arith.index_cast %rem3A_294 : i32 to index
        %get3A_1236 = arith.index_cast %add3A_1186 : i32 to index
        %get3A_1237 = arith.constant 48 : index
        %get3A_1238 = tpu.vector_load %arg8[%get3A_1235, %get3A_1236, %get3A_1237] {strides = array<i32>} : memref<3x128x64xi32, #tpu.memory_space<vmem>>, vector<16xi32>,
        %bitcast3A_1239 = vector.bitcast %get3A_1238 : vector<16xi32> to vector<32xbf16>
        %mul3A_1240 = arith.mulf %bitcast3A_1234, %bitcast3A_1239 : vector<32xbf16>
        %unpack3A_1241 = tpu.unpack_subelements %mul3A_1240, 0 {pack_format = #tpu.pack_format<interleaved>} : vector<32xbf16> -> vector<16xf32>
        %unpack3A_1242 = tpu.unpack_subelements %mul3A_1240, 1 {pack_format = #tpu.pack_format<interleaved>} : vector<32xbf16> -> vector<16xf32>
        %add3A_1243 = arith.addf %add3A_1228, %unpack3A_1241 : vector<16xf32>
        %add3A_1244 = arith.addf %add3A_1229, %unpack3A_1242 : vector<16xf32>
        %add3A_1245 = arith.addf %add3A_1243, %add3A_1244 : vector<16xf32>
        %add3A_1246 = arith.constant 1 : i32
        %add3A_1247 = arith.addi %add3A_1186, %add3A_1246 : i32
        %get3A_1248 = arith.index_cast %rem3A_294 : i32 to index
        %get3A_1249 = arith.index_cast %add3A_1247 : i32 to index
        %get3A_1250 = arith.constant 0 : index
        %get3A_1251 = tpu.vector_load %arg7[%get3A_1248, %get3A_1249, %get3A_1250] {strides = array<i32>} : memref<3x128x64xi32, #tpu.memory_space<vmem>>, vector<16xi32>,
        %bitcast3A_1252 = vector.bitcast %get3A_1251 : vector<16xi32> to vector<32xbf16>
        %get3A_1253 = arith.index_cast %rem3A_294 : i32 to index
        %get3A_1254 = arith.index_cast %add3A_1247 : i32 to index
        %get3A_1255 = arith.constant 0 : index
        %get3A_1256 = tpu.vector_load %arg8[%get3A_1253, %get3A_1254, %get3A_1255] {strides = array<i32>} : memref<3x128x64xi32, #tpu.memory_space<vmem>>, vector<16xi32>,
        %bitcast3A_1257 = vector.bitcast %get3A_1256 : vector<16xi32> to vector<32xbf16>
        %mul3A_1258 = arith.mulf %bitcast3A_1252, %bitcast3A_1257 : vector<32xbf16>
        %unpack3A_1259 = tpu.unpack_subelements %mul3A_1258, 0 {pack_format = #tpu.pack_format<interleaved>} : vector<32xbf16> -> vector<16xf32>
        %unpack3A_1260 = tpu.unpack_subelements %mul3A_1258, 1 {pack_format = #tpu.pack_format<interleaved>} : vector<32xbf16> -> vector<16xf32>
        %get3A_1261 = arith.index_cast %rem3A_294 : i32 to index
        %get3A_1262 = arith.index_cast %add3A_1247 : i32 to index
        %get3A_1263 = arith.constant 16 : index
        %get3A_1264 = tpu.vector_load %arg7[%get3A_1261, %get3A_1262, %get3A_1263] {strides = array<i32>} : memref<3x128x64xi32, #tpu.memory_space<vmem>>, vector<16xi32>,
        %bitcast3A_1265 = vector.bitcast %get3A_1264 : vector<16xi32> to vector<32xbf16>
        %get3A_1266 = arith.index_cast %rem3A_294 : i32 to index
        %get3A_1267 = arith.index_cast %add3A_1247 : i32 to index
        %get3A_1268 = arith.constant 16 : index
        %get3A_1269 = tpu.vector_load %arg8[%get3A_1266, %get3A_1267, %get3A_1268] {strides = array<i32>} : memref<3x128x64xi32, #tpu.memory_space<vmem>>, vector<16xi32>,
        %bitcast3A_1270 = vector.bitcast %get3A_1269 : vector<16xi32> to vector<32xbf16>
        %mul3A_1271 = arith.mulf %bitcast3A_1265, %bitcast3A_1270 : vector<32xbf16>
        %unpack3A_1272 = tpu.unpack_subelements %mul3A_1271, 0 {pack_format = #tpu.pack_format<interleaved>} : vector<32xbf16> -> vector<16xf32>
        %unpack3A_1273 = tpu.unpack_subelements %mul3A_1271, 1 {pack_format = #tpu.pack_format<interleaved>} : vector<32xbf16> -> vector<16xf32>
        %add3A_1274 = arith.addf %unpack3A_1259, %unpack3A_1272 : vector<16xf32>
        %add3A_1275 = arith.addf %unpack3A_1260, %unpack3A_1273 : vector<16xf32>
        %get3A_1276 = arith.index_cast %rem3A_294 : i32 to index
        %get3A_1277 = arith.index_cast %add3A_1247 : i32 to index
        %get3A_1278 = arith.constant 32 : index
        %get3A_1279 = tpu.vector_load %arg7[%get3A_1276, %get3A_1277, %get3A_1278] {strides = array<i32>} : memref<3x128x64xi32, #tpu.memory_space<vmem>>, vector<16xi32>,
        %bitcast3A_1280 = vector.bitcast %get3A_1279 : vector<16xi32> to vector<32xbf16>
        %get3A_1281 = arith.index_cast %rem3A_294 : i32 to index
        %get3A_1282 = arith.index_cast %add3A_1247 : i32 to index
        %get3A_1283 = arith.constant 32 : index
        %get3A_1284 = tpu.vector_load %arg8[%get3A_1281, %get3A_1282, %get3A_1283] {strides = array<i32>} : memref<3x128x64xi32, #tpu.memory_space<vmem>>, vector<16xi32>,
        %bitcast3A_1285 = vector.bitcast %get3A_1284 : vector<16xi32> to vector<32xbf16>
        %mul3A_1286 = arith.mulf %bitcast3A_1280, %bitcast3A_1285 : vector<32xbf16>
        %unpack3A_1287 = tpu.unpack_subelements %mul3A_1286, 0 {pack_format = #tpu.pack_format<interleaved>} : vector<32xbf16> -> vector<16xf32>
        %unpack3A_1288 = tpu.unpack_subelements %mul3A_1286, 1 {pack_format = #tpu.pack_format<interleaved>} : vector<32xbf16> -> vector<16xf32>
        %add3A_1289 = arith.addf %add3A_1274, %unpack3A_1287 : vector<16xf32>
        %add3A_1290 = arith.addf %add3A_1275, %unpack3A_1288 : vector<16xf32>
        %get3A_1291 = arith.index_cast %rem3A_294 : i32 to index
        %get3A_1292 = arith.index_cast %add3A_1247 : i32 to index
        %get3A_1293 = arith.constant 48 : index
        %get3A_1294 = tpu.vector_load %arg7[%get3A_1291, %get3A_1292, %get3A_1293] {strides = array<i32>} : memref<3x128x64xi32, #tpu.memory_space<vmem>>, vector<16xi32>,
        %bitcast3A_1295 = vector.bitcast %get3A_1294 : vector<16xi32> to vector<32xbf16>
        %get3A_1296 = arith.index_cast %rem3A_294 : i32 to index
        %get3A_1297 = arith.index_cast %add3A_1247 : i32 to index
        %get3A_1298 = arith.constant 48 : index
        %get3A_1299 = tpu.vector_load %arg8[%get3A_1296, %get3A_1297, %get3A_1298] {strides = array<i32>} : memref<3x128x64xi32, #tpu.memory_space<vmem>>, vector<16xi32>,
        %bitcast3A_1300 = vector.bitcast %get3A_1299 : vector<16xi32> to vector<32xbf16>
        %mul3A_1301 = arith.mulf %bitcast3A_1295, %bitcast3A_1300 : vector<32xbf16>
        %unpack3A_1302 = tpu.unpack_subelements %mul3A_1301, 0 {pack_format = #tpu.pack_format<interleaved>} : vector<32xbf16> -> vector<16xf32>
        %unpack3A_1303 = tpu.unpack_subelements %mul3A_1301, 1 {pack_format = #tpu.pack_format<interleaved>} : vector<32xbf16> -> vector<16xf32>
        %add3A_1304 = arith.addf %add3A_1289, %unpack3A_1302 : vector<16xf32>
        %add3A_1305 = arith.addf %add3A_1290, %unpack3A_1303 : vector<16xf32>
        %add3A_1306 = arith.addf %add3A_1304, %add3A_1305 : vector<16xf32>
        %broadcast_in_dim3A_1307 = vector.shape_cast %and3A_32 : vector<16xi32> to vector<16x1xi32>
        %gather3A_1308 = vector.shape_cast %broadcast_in_dim3A_1307 : vector<16x1xi32> to vector<16xi32>
        %gather3A_1309 = tpu.dynamic_gather %add3A_1306[%gather3A_1308] in [0] : vector<16xf32>, vector<16xi32> -> vector<16xf32>
        %select_n3A_1310 = arith.select %eq3A_9, %add3A_1245, %gather3A_1309 : vector<16xi1>, vector<16xf32>
        %broadcast_in_dim3A_1311 = vector.shape_cast %and3A_56 : vector<16xi32> to vector<16x1xi32>
        %gather3A_1312 = vector.shape_cast %broadcast_in_dim3A_1311 : vector<16x1xi32> to vector<16xi32>
        %gather3A_1313 = tpu.dynamic_gather %add3A_1245[%gather3A_1312] in [0] : vector<16xf32>, vector<16xi32> -> vector<16xf32>
        %select_n3A_1314 = arith.select %eq3A_9, %gather3A_1313, %add3A_1306 : vector<16xi1>, vector<16xf32>
        %add3A_1315 = arith.addf %select_n3A_1310, %select_n3A_1314 : vector<16xf32>
        %add3A_1316 = arith.constant 2 : i32
        %add3A_1317 = arith.addi %add3A_1186, %add3A_1316 : i32
        %get3A_1318 = arith.index_cast %rem3A_294 : i32 to index
        %get3A_1319 = arith.index_cast %add3A_1317 : i32 to index
        %get3A_1320 = arith.constant 0 : index
        %get3A_1321 = tpu.vector_load %arg7[%get3A_1318, %get3A_1319, %get3A_1320] {strides = array<i32>} : memref<3x128x64xi32, #tpu.memory_space<vmem>>, vector<16xi32>,
        %bitcast3A_1322 = vector.bitcast %get3A_1321 : vector<16xi32> to vector<32xbf16>
        %get3A_1323 = arith.index_cast %rem3A_294 : i32 to index
        %get3A_1324 = arith.index_cast %add3A_1317 : i32 to index
        %get3A_1325 = arith.constant 0 : index
        %get3A_1326 = tpu.vector_load %arg8[%get3A_1323, %get3A_1324, %get3A_1325] {strides = array<i32>} : memref<3x128x64xi32, #tpu.memory_space<vmem>>, vector<16xi32>,
        %bitcast3A_1327 = vector.bitcast %get3A_1326 : vector<16xi32> to vector<32xbf16>
        %mul3A_1328 = arith.mulf %bitcast3A_1322, %bitcast3A_1327 : vector<32xbf16>
        %unpack3A_1329 = tpu.unpack_subelements %mul3A_1328, 0 {pack_format = #tpu.pack_format<interleaved>} : vector<32xbf16> -> vector<16xf32>
        %unpack3A_1330 = tpu.unpack_subelements %mul3A_1328, 1 {pack_format = #tpu.pack_format<interleaved>} : vector<32xbf16> -> vector<16xf32>
        %get3A_1331 = arith.index_cast %rem3A_294 : i32 to index
        %get3A_1332 = arith.index_cast %add3A_1317 : i32 to index
        %get3A_1333 = arith.constant 16 : index
        %get3A_1334 = tpu.vector_load %arg7[%get3A_1331, %get3A_1332, %get3A_1333] {strides = array<i32>} : memref<3x128x64xi32, #tpu.memory_space<vmem>>, vector<16xi32>,
        %bitcast3A_1335 = vector.bitcast %get3A_1334 : vector<16xi32> to vector<32xbf16>
        %get3A_1336 = arith.index_cast %rem3A_294 : i32 to index
        %get3A_1337 = arith.index_cast %add3A_1317 : i32 to index
        %get3A_1338 = arith.constant 16 : index
        %get3A_1339 = tpu.vector_load %arg8[%get3A_1336, %get3A_1337, %get3A_1338] {strides = array<i32>} : memref<3x128x64xi32, #tpu.memory_space<vmem>>, vector<16xi32>,
        %bitcast3A_1340 = vector.bitcast %get3A_1339 : vector<16xi32> to vector<32xbf16>
        %mul3A_1341 = arith.mulf %bitcast3A_1335, %bitcast3A_1340 : vector<32xbf16>
        %unpack3A_1342 = tpu.unpack_subelements %mul3A_1341, 0 {pack_format = #tpu.pack_format<interleaved>} : vector<32xbf16> -> vector<16xf32>
        %unpack3A_1343 = tpu.unpack_subelements %mul3A_1341, 1 {pack_format = #tpu.pack_format<interleaved>} : vector<32xbf16> -> vector<16xf32>
        %add3A_1344 = arith.addf %unpack3A_1329, %unpack3A_1342 : vector<16xf32>
        %add3A_1345 = arith.addf %unpack3A_1330, %unpack3A_1343 : vector<16xf32>
        %get3A_1346 = arith.index_cast %rem3A_294 : i32 to index
        %get3A_1347 = arith.index_cast %add3A_1317 : i32 to index
        %get3A_1348 = arith.constant 32 : index
        %get3A_1349 = tpu.vector_load %arg7[%get3A_1346, %get3A_1347, %get3A_1348] {strides = array<i32>} : memref<3x128x64xi32, #tpu.memory_space<vmem>>, vector<16xi32>,
        %bitcast3A_1350 = vector.bitcast %get3A_1349 : vector<16xi32> to vector<32xbf16>
        %get3A_1351 = arith.index_cast %rem3A_294 : i32 to index
        %get3A_1352 = arith.index_cast %add3A_1317 : i32 to index
        %get3A_1353 = arith.constant 32 : index
        %get3A_1354 = tpu.vector_load %arg8[%get3A_1351, %get3A_1352, %get3A_1353] {strides = array<i32>} : memref<3x128x64xi32, #tpu.memory_space<vmem>>, vector<16xi32>,
        %bitcast3A_1355 = vector.bitcast %get3A_1354 : vector<16xi32> to vector<32xbf16>
        %mul3A_1356 = arith.mulf %bitcast3A_1350, %bitcast3A_1355 : vector<32xbf16>
        %unpack3A_1357 = tpu.unpack_subelements %mul3A_1356, 0 {pack_format = #tpu.pack_format<interleaved>} : vector<32xbf16> -> vector<16xf32>
        %unpack3A_1358 = tpu.unpack_subelements %mul3A_1356, 1 {pack_format = #tpu.pack_format<interleaved>} : vector<32xbf16> -> vector<16xf32>
        %add3A_1359 = arith.addf %add3A_1344, %unpack3A_1357 : vector<16xf32>
        %add3A_1360 = arith.addf %add3A_1345, %unpack3A_1358 : vector<16xf32>
        %get3A_1361 = arith.index_cast %rem3A_294 : i32 to index
        %get3A_1362 = arith.index_cast %add3A_1317 : i32 to index
        %get3A_1363 = arith.constant 48 : index
        %get3A_1364 = tpu.vector_load %arg7[%get3A_1361, %get3A_1362, %get3A_1363] {strides = array<i32>} : memref<3x128x64xi32, #tpu.memory_space<vmem>>, vector<16xi32>,
        %bitcast3A_1365 = vector.bitcast %get3A_1364 : vector<16xi32> to vector<32xbf16>
        %get3A_1366 = arith.index_cast %rem3A_294 : i32 to index
        %get3A_1367 = arith.index_cast %add3A_1317 : i32 to index
        %get3A_1368 = arith.constant 48 : index
        %get3A_1369 = tpu.vector_load %arg8[%get3A_1366, %get3A_1367, %get3A_1368] {strides = array<i32>} : memref<3x128x64xi32, #tpu.memory_space<vmem>>, vector<16xi32>,
        %bitcast3A_1370 = vector.bitcast %get3A_1369 : vector<16xi32> to vector<32xbf16>
        %mul3A_1371 = arith.mulf %bitcast3A_1365, %bitcast3A_1370 : vector<32xbf16>
        %unpack3A_1372 = tpu.unpack_subelements %mul3A_1371, 0 {pack_format = #tpu.pack_format<interleaved>} : vector<32xbf16> -> vector<16xf32>
        %unpack3A_1373 = tpu.unpack_subelements %mul3A_1371, 1 {pack_format = #tpu.pack_format<interleaved>} : vector<32xbf16> -> vector<16xf32>
        %add3A_1374 = arith.addf %add3A_1359, %unpack3A_1372 : vector<16xf32>
        %add3A_1375 = arith.addf %add3A_1360, %unpack3A_1373 : vector<16xf32>
        %add3A_1376 = arith.addf %add3A_1374, %add3A_1375 : vector<16xf32>
        %add3A_1377 = arith.constant 3 : i32
        %add3A_1378 = arith.addi %add3A_1186, %add3A_1377 : i32
        %get3A_1379 = arith.index_cast %rem3A_294 : i32 to index
        %get3A_1380 = arith.index_cast %add3A_1378 : i32 to index
        %get3A_1381 = arith.constant 0 : index
        %get3A_1382 = tpu.vector_load %arg7[%get3A_1379, %get3A_1380, %get3A_1381] {strides = array<i32>} : memref<3x128x64xi32, #tpu.memory_space<vmem>>, vector<16xi32>,
        %bitcast3A_1383 = vector.bitcast %get3A_1382 : vector<16xi32> to vector<32xbf16>
        %get3A_1384 = arith.index_cast %rem3A_294 : i32 to index
        %get3A_1385 = arith.index_cast %add3A_1378 : i32 to index
        %get3A_1386 = arith.constant 0 : index
        %get3A_1387 = tpu.vector_load %arg8[%get3A_1384, %get3A_1385, %get3A_1386] {strides = array<i32>} : memref<3x128x64xi32, #tpu.memory_space<vmem>>, vector<16xi32>,
        %bitcast3A_1388 = vector.bitcast %get3A_1387 : vector<16xi32> to vector<32xbf16>
        %mul3A_1389 = arith.mulf %bitcast3A_1383, %bitcast3A_1388 : vector<32xbf16>
        %unpack3A_1390 = tpu.unpack_subelements %mul3A_1389, 0 {pack_format = #tpu.pack_format<interleaved>} : vector<32xbf16> -> vector<16xf32>
        %unpack3A_1391 = tpu.unpack_subelements %mul3A_1389, 1 {pack_format = #tpu.pack_format<interleaved>} : vector<32xbf16> -> vector<16xf32>
        %get3A_1392 = arith.index_cast %rem3A_294 : i32 to index
        %get3A_1393 = arith.index_cast %add3A_1378 : i32 to index
        %get3A_1394 = arith.constant 16 : index
        %get3A_1395 = tpu.vector_load %arg7[%get3A_1392, %get3A_1393, %get3A_1394] {strides = array<i32>} : memref<3x128x64xi32, #tpu.memory_space<vmem>>, vector<16xi32>,
        %bitcast3A_1396 = vector.bitcast %get3A_1395 : vector<16xi32> to vector<32xbf16>
        %get3A_1397 = arith.index_cast %rem3A_294 : i32 to index
        %get3A_1398 = arith.index_cast %add3A_1378 : i32 to index
        %get3A_1399 = arith.constant 16 : index
        %get3A_1400 = tpu.vector_load %arg8[%get3A_1397, %get3A_1398, %get3A_1399] {strides = array<i32>} : memref<3x128x64xi32, #tpu.memory_space<vmem>>, vector<16xi32>,
        %bitcast3A_1401 = vector.bitcast %get3A_1400 : vector<16xi32> to vector<32xbf16>
        %mul3A_1402 = arith.mulf %bitcast3A_1396, %bitcast3A_1401 : vector<32xbf16>
        %unpack3A_1403 = tpu.unpack_subelements %mul3A_1402, 0 {pack_format = #tpu.pack_format<interleaved>} : vector<32xbf16> -> vector<16xf32>
        %unpack3A_1404 = tpu.unpack_subelements %mul3A_1402, 1 {pack_format = #tpu.pack_format<interleaved>} : vector<32xbf16> -> vector<16xf32>
        %add3A_1405 = arith.addf %unpack3A_1390, %unpack3A_1403 : vector<16xf32>
        %add3A_1406 = arith.addf %unpack3A_1391, %unpack3A_1404 : vector<16xf32>
        %get3A_1407 = arith.index_cast %rem3A_294 : i32 to index
        %get3A_1408 = arith.index_cast %add3A_1378 : i32 to index
        %get3A_1409 = arith.constant 32 : index
        %get3A_1410 = tpu.vector_load %arg7[%get3A_1407, %get3A_1408, %get3A_1409] {strides = array<i32>} : memref<3x128x64xi32, #tpu.memory_space<vmem>>, vector<16xi32>,
        %bitcast3A_1411 = vector.bitcast %get3A_1410 : vector<16xi32> to vector<32xbf16>
        %get3A_1412 = arith.index_cast %rem3A_294 : i32 to index
        %get3A_1413 = arith.index_cast %add3A_1378 : i32 to index
        %get3A_1414 = arith.constant 32 : index
        %get3A_1415 = tpu.vector_load %arg8[%get3A_1412, %get3A_1413, %get3A_1414] {strides = array<i32>} : memref<3x128x64xi32, #tpu.memory_space<vmem>>, vector<16xi32>,
        %bitcast3A_1416 = vector.bitcast %get3A_1415 : vector<16xi32> to vector<32xbf16>
        %mul3A_1417 = arith.mulf %bitcast3A_1411, %bitcast3A_1416 : vector<32xbf16>
        %unpack3A_1418 = tpu.unpack_subelements %mul3A_1417, 0 {pack_format = #tpu.pack_format<interleaved>} : vector<32xbf16> -> vector<16xf32>
        %unpack3A_1419 = tpu.unpack_subelements %mul3A_1417, 1 {pack_format = #tpu.pack_format<interleaved>} : vector<32xbf16> -> vector<16xf32>
        %add3A_1420 = arith.addf %add3A_1405, %unpack3A_1418 : vector<16xf32>
        %add3A_1421 = arith.addf %add3A_1406, %unpack3A_1419 : vector<16xf32>
        %get3A_1422 = arith.index_cast %rem3A_294 : i32 to index
        %get3A_1423 = arith.index_cast %add3A_1378 : i32 to index
        %get3A_1424 = arith.constant 48 : index
        %get3A_1425 = tpu.vector_load %arg7[%get3A_1422, %get3A_1423, %get3A_1424] {strides = array<i32>} : memref<3x128x64xi32, #tpu.memory_space<vmem>>, vector<16xi32>,
        %bitcast3A_1426 = vector.bitcast %get3A_1425 : vector<16xi32> to vector<32xbf16>
        %get3A_1427 = arith.index_cast %rem3A_294 : i32 to index
        %get3A_1428 = arith.index_cast %add3A_1378 : i32 to index
        %get3A_1429 = arith.constant 48 : index
        %get3A_1430 = tpu.vector_load %arg8[%get3A_1427, %get3A_1428, %get3A_1429] {strides = array<i32>} : memref<3x128x64xi32, #tpu.memory_space<vmem>>, vector<16xi32>,
        %bitcast3A_1431 = vector.bitcast %get3A_1430 : vector<16xi32> to vector<32xbf16>
        %mul3A_1432 = arith.mulf %bitcast3A_1426, %bitcast3A_1431 : vector<32xbf16>
        %unpack3A_1433 = tpu.unpack_subelements %mul3A_1432, 0 {pack_format = #tpu.pack_format<interleaved>} : vector<32xbf16> -> vector<16xf32>
        %unpack3A_1434 = tpu.unpack_subelements %mul3A_1432, 1 {pack_format = #tpu.pack_format<interleaved>} : vector<32xbf16> -> vector<16xf32>
        %add3A_1435 = arith.addf %add3A_1420, %unpack3A_1433 : vector<16xf32>
        %add3A_1436 = arith.addf %add3A_1421, %unpack3A_1434 : vector<16xf32>
        %add3A_1437 = arith.addf %add3A_1435, %add3A_1436 : vector<16xf32>
        %broadcast_in_dim3A_1438 = vector.shape_cast %and3A_32 : vector<16xi32> to vector<16x1xi32>
        %gather3A_1439 = vector.shape_cast %broadcast_in_dim3A_1438 : vector<16x1xi32> to vector<16xi32>
        %gather3A_1440 = tpu.dynamic_gather %add3A_1437[%gather3A_1439] in [0] : vector<16xf32>, vector<16xi32> -> vector<16xf32>
        %select_n3A_1441 = arith.select %eq3A_9, %add3A_1376, %gather3A_1440 : vector<16xi1>, vector<16xf32>
        %broadcast_in_dim3A_1442 = vector.shape_cast %and3A_56 : vector<16xi32> to vector<16x1xi32>
        %gather3A_1443 = vector.shape_cast %broadcast_in_dim3A_1442 : vector<16x1xi32> to vector<16xi32>
        %gather3A_1444 = tpu.dynamic_gather %add3A_1376[%gather3A_1443] in [0] : vector<16xf32>, vector<16xi32> -> vector<16xf32>
        %select_n3A_1445 = arith.select %eq3A_9, %gather3A_1444, %add3A_1437 : vector<16xi1>, vector<16xf32>
        %add3A_1446 = arith.addf %select_n3A_1441, %select_n3A_1445 : vector<16xf32>
        %broadcast_in_dim3A_1447 = vector.shape_cast %and3A_38 : vector<16xi32> to vector<16x1xi32>
        %gather3A_1448 = vector.shape_cast %broadcast_in_dim3A_1447 : vector<16x1xi32> to vector<16xi32>
        %gather3A_1449 = tpu.dynamic_gather %add3A_1446[%gather3A_1448] in [0] : vector<16xf32>, vector<16xi32> -> vector<16xf32>
        %select_n3A_1450 = arith.select %eq3A_15, %add3A_1315, %gather3A_1449 : vector<16xi1>, vector<16xf32>
        %broadcast_in_dim3A_1451 = vector.shape_cast %and3A_62 : vector<16xi32> to vector<16x1xi32>
        %gather3A_1452 = vector.shape_cast %broadcast_in_dim3A_1451 : vector<16x1xi32> to vector<16xi32>
        %gather3A_1453 = tpu.dynamic_gather %add3A_1315[%gather3A_1452] in [0] : vector<16xf32>, vector<16xi32> -> vector<16xf32>
        %select_n3A_1454 = arith.select %eq3A_15, %gather3A_1453, %add3A_1446 : vector<16xi1>, vector<16xf32>
        %add3A_1455 = arith.addf %select_n3A_1450, %select_n3A_1454 : vector<16xf32>
        %broadcast_in_dim3A_1456 = vector.shape_cast %and3A_44 : vector<16xi32> to vector<16x1xi32>
        %gather3A_1457 = vector.shape_cast %broadcast_in_dim3A_1456 : vector<16x1xi32> to vector<16xi32>
        %gather3A_1458 = tpu.dynamic_gather %add3A_909[%gather3A_1457] in [0] : vector<16xf32>, vector<16xi32> -> vector<16xf32>
        %select_n3A_1459 = arith.select %eq3A_21, %add3A_636, %gather3A_1458 : vector<16xi1>, vector<16xf32>
        %broadcast_in_dim3A_1460 = vector.shape_cast %and3A_68 : vector<16xi32> to vector<16x1xi32>
        %gather3A_1461 = vector.shape_cast %broadcast_in_dim3A_1460 : vector<16x1xi32> to vector<16xi32>
        %gather3A_1462 = tpu.dynamic_gather %add3A_636[%gather3A_1461] in [0] : vector<16xf32>, vector<16xi32> -> vector<16xf32>
        %select_n3A_1463 = arith.select %eq3A_21, %gather3A_1462, %add3A_909 : vector<16xi1>, vector<16xf32>
        %add3A_1464 = arith.addf %select_n3A_1459, %select_n3A_1463 : vector<16xf32>
        %broadcast_in_dim3A_1465 = vector.shape_cast %and3A_44 : vector<16xi32> to vector<16x1xi32>
        %gather3A_1466 = vector.shape_cast %broadcast_in_dim3A_1465 : vector<16x1xi32> to vector<16xi32>
        %gather3A_1467 = tpu.dynamic_gather %add3A_1455[%gather3A_1466] in [0] : vector<16xf32>, vector<16xi32> -> vector<16xf32>
        %select_n3A_1468 = arith.select %eq3A_21, %add3A_1182, %gather3A_1467 : vector<16xi1>, vector<16xf32>
        %broadcast_in_dim3A_1469 = vector.shape_cast %and3A_68 : vector<16xi32> to vector<16x1xi32>
        %gather3A_1470 = vector.shape_cast %broadcast_in_dim3A_1469 : vector<16x1xi32> to vector<16xi32>
        %gather3A_1471 = tpu.dynamic_gather %add3A_1182[%gather3A_1470] in [0] : vector<16xf32>, vector<16xi32> -> vector<16xf32>
        %select_n3A_1472 = arith.select %eq3A_21, %gather3A_1471, %add3A_1455 : vector<16xi1>, vector<16xf32>
        %add3A_1473 = arith.addf %select_n3A_1468, %select_n3A_1472 : vector<16xf32>
        %broadcast_in_dim3A_1474 = vector.shape_cast %and3A_50 : vector<16xi32> to vector<16x1xi32>
        %gather3A_1475 = vector.shape_cast %broadcast_in_dim3A_1474 : vector<16x1xi32> to vector<16xi32>
        %gather3A_1476 = tpu.dynamic_gather %add3A_1473[%gather3A_1475] in [0] : vector<16xf32>, vector<16xi32> -> vector<16xf32>
        %select_n3A_1477 = arith.select %eq3A_27, %add3A_1464, %gather3A_1476 : vector<16xi1>, vector<16xf32>
        %broadcast_in_dim3A_1478 = vector.shape_cast %and3A_74 : vector<16xi32> to vector<16x1xi32>
        %gather3A_1479 = vector.shape_cast %broadcast_in_dim3A_1478 : vector<16x1xi32> to vector<16xi32>
        %gather3A_1480 = tpu.dynamic_gather %add3A_1464[%gather3A_1479] in [0] : vector<16xf32>, vector<16xi32> -> vector<16xf32>
        %select_n3A_1481 = arith.select %eq3A_27, %gather3A_1480, %add3A_1473 : vector<16xi1>, vector<16xf32>
        %add3A_1482 = arith.addf %select_n3A_1477, %select_n3A_1481 : vector<16xf32>
        %neg3A = arith.constant 0.000000e+00 : f32
        %neg3A_1483 = vector.broadcast %neg3A : f32 to vector<16xf32>
        %neg3A_1484 = arith.subf %neg3A_1483, %add3A_1482 : vector<16xf32>
        %exp3A = math.exp %neg3A_1484 : vector<16xf32>
        %add3A_1485 = arith.constant 1.000000e+00 : f32
        %add3A_1486 = vector.broadcast %add3A_1485 : f32 to vector<16xf32>
        %add3A_1487 = arith.addf %add3A_1486, %exp3A : vector<16xf32>
        %div3A = arith.constant 1.000000e+00 : f32
        %div3A_1488 = vector.broadcast %div3A : f32 to vector<16xf32>
        %div3A_1489 = arith.divf %div3A_1488, %add3A_1487 : vector<16xf32>
        %mul3A_1490 = arith.constant 16 : i32
        %mul3A_1491 = arith.muli %scan3A_367, %mul3A_1490 : i32
        %swap3A = arith.index_cast %rem3A_294 : i32 to index
        %swap3A_1492 = arith.index_cast %mul3A_1491 : i32 to index
        %swap3A_1493 = tpu.vector_load %arg9[%swap3A, %swap3A_1492] {strides = array<i32>} : memref<3x128xf32, #tpu.memory_space<vmem>>, vector<16xf32>,
        tpu.vector_store %arg9[%swap3A, %swap3A_1492], %div3A_1489 {strides = array<i32>} : memref<3x128xf32, #tpu.memory_space<vmem>>, vector<16xf32>,
        %scan3A_1494 = arith.constant 0 : i32
        scf.yield %scan3A_1494 : i32
      }
      %scan3A_350 = arith.constant 8 : i32
      %mul3A_351 = arith.constant 32 : i32
      %mul3A_352 = arith.muli %mul3A_351, %while3A_291 : i32
      %add3A_353 = arith.addi %add3A, %mul3A_352 : i32
      %mul3A_354 = arith.constant 128 : i32
      %mul3A_355 = arith.muli %add3A_353, %mul3A_354 : i32
      %dma_start3A_356 = arith.constant 0 : i32
      %dma_start3A_357 = tpu.memref_slice %arg9[%rem3A_294, %dma_start3A_356] : memref<3x128xf32, #tpu.memory_space<vmem>> -> memref<1x128xf32, #tpu.memory_space<vmem>>
      %dma_start3A_358 = tpu.memref_squeeze %dma_start3A_357 : memref<1x128xf32, #tpu.memory_space<vmem>> -> memref<128xf32, #tpu.memory_space<vmem>>
      %dma_start3A_359 = tpu.memref_slice %arg4[%mul3A_355] : memref<320000xf32, #tpu.memory_space<hbm>> -> memref<128xf32, #tpu.memory_space<hbm>>
      %dma_start3A_360 = tpu.memref_slice %arg12[%rem3A_294] : memref<3x!tpu.dma_semaphore, #tpu.memory_space<semaphore_mem>> -> memref<1x!tpu.dma_semaphore, #tpu.memory_space<semaphore_mem>>
      %dma_start3A_361 = tpu.memref_squeeze %dma_start3A_360 : memref<1x!tpu.dma_semaphore, #tpu.memory_space<semaphore_mem>> -> memref<!tpu.dma_semaphore, #tpu.memory_space<semaphore_mem>>
      %dma_start3A_362 = tpu.memref_slice %arg4[%mul3A_355] : memref<320000xf32, #tpu.memory_space<hbm>> -> memref<128xf32, #tpu.memory_space<hbm>>
      %dma_start3A_363 = arith.constant 0 : i32
      %dma_start3A_364 = tpu.memref_slice %arg9[%rem3A_294, %dma_start3A_363] : memref<3x128xf32, #tpu.memory_space<vmem>> -> memref<1x128xf32, #tpu.memory_space<vmem>>
      %dma_start3A_365 = tpu.memref_squeeze %dma_start3A_364 : memref<1x128xf32, #tpu.memory_space<vmem>> -> memref<128xf32, #tpu.memory_space<vmem>>
      tpu.enqueue_dma source(%dma_start3A_365 : memref<128xf32, #tpu.memory_space<vmem>>) target(%dma_start3A_362 : memref<128xf32, #tpu.memory_space<hbm>>) target_semaphore(%dma_start3A_361 : memref<!tpu.dma_semaphore, #tpu.memory_space<semaphore_mem>>)
      %while3A_366 = arith.constant 0 : i32
      scf.yield %while3A_366 : i32
    }
    %sub3A_244 = arith.constant 1 : i32
    %sub3A_245 = arith.subi %select_n3A, %sub3A_244 : i32
    %rem3A = arith.constant 3 : i32
    %rem3A_246 = arith.remsi %sub3A_245, %rem3A : i32
    %dma_wait3A_247 = arith.constant 0 : i32
    %dma_wait3A_248 = tpu.memref_slice %arg9[%rem3A_246, %dma_wait3A_247] : memref<3x128xf32, #tpu.memory_space<vmem>> -> memref<1x128xf32, #tpu.memory_space<vmem>>
    %dma_wait3A_249 = tpu.memref_squeeze %dma_wait3A_248 : memref<1x128xf32, #tpu.memory_space<vmem>> -> memref<128xf32, #tpu.memory_space<vmem>>
    %dma_wait3A_250 = arith.constant 0 : i32
    %dma_wait3A_251 = tpu.memref_slice %arg4[%dma_wait3A_250] : memref<320000xf32, #tpu.memory_space<hbm>> -> memref<128xf32, #tpu.memory_space<hbm>>
    %dma_wait3A_252 = tpu.memref_slice %arg12[%rem3A_246] : memref<3x!tpu.dma_semaphore, #tpu.memory_space<semaphore_mem>> -> memref<1x!tpu.dma_semaphore, #tpu.memory_space<semaphore_mem>>
    %dma_wait3A_253 = tpu.memref_squeeze %dma_wait3A_252 : memref<1x!tpu.dma_semaphore, #tpu.memory_space<semaphore_mem>> -> memref<!tpu.dma_semaphore, #tpu.memory_space<semaphore_mem>>
    %dma_wait3A_254 = arith.constant 0 : i32
    %dma_wait3A_255 = tpu.memref_slice %arg4[%dma_wait3A_254] : memref<320000xf32, #tpu.memory_space<hbm>> -> memref<128xf32, #tpu.memory_space<hbm>>
    %dma_wait3A_256 = arith.constant 0 : i32
    %dma_wait3A_257 = tpu.memref_slice %arg9[%rem3A_246, %dma_wait3A_256] : memref<3x128xf32, #tpu.memory_space<vmem>> -> memref<1x128xf32, #tpu.memory_space<vmem>>
    %dma_wait3A_258 = tpu.memref_squeeze %dma_wait3A_257 : memref<1x128xf32, #tpu.memory_space<vmem>> -> memref<128xf32, #tpu.memory_space<vmem>>
    tpu.wait_dma2 semaphore(%dma_wait3A_253 : memref<!tpu.dma_semaphore, #tpu.memory_space<semaphore_mem>>) src(%dma_wait3A_258 : memref<128xf32, #tpu.memory_space<vmem>>) dst(%dma_wait3A_255 : memref<128xf32, #tpu.memory_space<hbm>>)
    %sub3A_259 = arith.constant 2 : i32
    %sub3A_260 = arith.subi %select_n3A, %sub3A_259 : i32
    %rem3A_261 = arith.constant 3 : i32
    %rem3A_262 = arith.remsi %sub3A_260, %rem3A_261 : i32
    %dma_wait3A_263 = arith.constant 0 : i32
    %dma_wait3A_264 = tpu.memref_slice %arg9[%rem3A_262, %dma_wait3A_263] : memref<3x128xf32, #tpu.memory_space<vmem>> -> memref<1x128xf32, #tpu.memory_space<vmem>>
    %dma_wait3A_265 = tpu.memref_squeeze %dma_wait3A_264 : memref<1x128xf32, #tpu.memory_space<vmem>> -> memref<128xf32, #tpu.memory_space<vmem>>
    %dma_wait3A_266 = arith.constant 0 : i32
    %dma_wait3A_267 = tpu.memref_slice %arg4[%dma_wait3A_266] : memref<320000xf32, #tpu.memory_space<hbm>> -> memref<128xf32, #tpu.memory_space<hbm>>
    %dma_wait3A_268 = tpu.memref_slice %arg12[%rem3A_262] : memref<3x!tpu.dma_semaphore, #tpu.memory_space<semaphore_mem>> -> memref<1x!tpu.dma_semaphore, #tpu.memory_space<semaphore_mem>>
    %dma_wait3A_269 = tpu.memref_squeeze %dma_wait3A_268 : memref<1x!tpu.dma_semaphore, #tpu.memory_space<semaphore_mem>> -> memref<!tpu.dma_semaphore, #tpu.memory_space<semaphore_mem>>
    %dma_wait3A_270 = arith.constant 0 : i32
    %dma_wait3A_271 = tpu.memref_slice %arg4[%dma_wait3A_270] : memref<320000xf32, #tpu.memory_space<hbm>> -> memref<128xf32, #tpu.memory_space<hbm>>
    %dma_wait3A_272 = arith.constant 0 : i32
    %dma_wait3A_273 = tpu.memref_slice %arg9[%rem3A_262, %dma_wait3A_272] : memref<3x128xf32, #tpu.memory_space<vmem>> -> memref<1x128xf32, #tpu.memory_space<vmem>>
    %dma_wait3A_274 = tpu.memref_squeeze %dma_wait3A_273 : memref<1x128xf32, #tpu.memory_space<vmem>> -> memref<128xf32, #tpu.memory_space<vmem>>
    tpu.wait_dma2 semaphore(%dma_wait3A_269 : memref<!tpu.dma_semaphore, #tpu.memory_space<semaphore_mem>>) src(%dma_wait3A_274 : memref<128xf32, #tpu.memory_space<vmem>>) dst(%dma_wait3A_271 : memref<128xf32, #tpu.memory_space<hbm>>)
    %sub3A_275 = arith.constant 3 : i32
    %sub3A_276 = arith.subi %select_n3A, %sub3A_275 : i32
    %rem3A_277 = arith.constant 3 : i32
    %rem3A_278 = arith.remsi %sub3A_276, %rem3A_277 : i32
    %dma_wait3A_279 = arith.constant 0 : i32
    %dma_wait3A_280 = tpu.memref_slice %arg9[%rem3A_278, %dma_wait3A_279] : memref<3x128xf32, #tpu.memory_space<vmem>> -> memref<1x128xf32, #tpu.memory_space<vmem>>
    %dma_wait3A_281 = tpu.memref_squeeze %dma_wait3A_280 : memref<1x128xf32, #tpu.memory_space<vmem>> -> memref<128xf32, #tpu.memory_space<vmem>>
    %dma_wait3A_282 = arith.constant 0 : i32
    %dma_wait3A_283 = tpu.memref_slice %arg4[%dma_wait3A_282] : memref<320000xf32, #tpu.memory_space<hbm>> -> memref<128xf32, #tpu.memory_space<hbm>>
    %dma_wait3A_284 = tpu.memref_slice %arg12[%rem3A_278] : memref<3x!tpu.dma_semaphore, #tpu.memory_space<semaphore_mem>> -> memref<1x!tpu.dma_semaphore, #tpu.memory_space<semaphore_mem>>
    %dma_wait3A_285 = tpu.memref_squeeze %dma_wait3A_284 : memref<1x!tpu.dma_semaphore, #tpu.memory_space<semaphore_mem>> -> memref<!tpu.dma_semaphore, #tpu.memory_space<semaphore_mem>>
    %dma_wait3A_286 = arith.constant 0 : i32
    %dma_wait3A_287 = tpu.memref_slice %arg4[%dma_wait3A_286] : memref<320000xf32, #tpu.memory_space<hbm>> -> memref<128xf32, #tpu.memory_space<hbm>>
    %dma_wait3A_288 = arith.constant 0 : i32
    %dma_wait3A_289 = tpu.memref_slice %arg9[%rem3A_278, %dma_wait3A_288] : memref<3x128xf32, #tpu.memory_space<vmem>> -> memref<1x128xf32, #tpu.memory_space<vmem>>
    %dma_wait3A_290 = tpu.memref_squeeze %dma_wait3A_289 : memref<1x128xf32, #tpu.memory_space<vmem>> -> memref<128xf32, #tpu.memory_space<vmem>>
    tpu.wait_dma2 semaphore(%dma_wait3A_285 : memref<!tpu.dma_semaphore, #tpu.memory_space<semaphore_mem>>) src(%dma_wait3A_290 : memref<128xf32, #tpu.memory_space<vmem>>) dst(%dma_wait3A_287 : memref<128xf32, #tpu.memory_space<hbm>>)
    return
  }
}

</mosaic_0001>

<sc_bundles>
// kernel: _decode.3.cloned.1.call-start
scs
__scs_entry_jumppad:
0x0: {  	(pc) =	sbr.rel $0x88, $3  }
0x1: {  	(tag) =	ssettag $0x0;
	lr =	simm.s32 $0x1  }
0x2: {  	[smem:$0x3F9F] =	sst lr;
	_ =	strace $0xD0000000  }
0x3: {  	_ = 	snop  }
0x4: {  	_ = 	snop  }
0x5: {  	_ = 	snop  }
0x6: {  	_ = 	snop  }
0x7: {  	_ = 	snop  }
__scs_overlays_trampoline_lowered:
0x8: {  	[smem:$0x3FAE] =	sst s0  }
0x9: {  	[smem:$0x3FAF] =	sst s1  }
0xa: {  	[smem:$0x3FB0] =	sst s2  }
0xb: {  	[smem:$0x3FB1] =	sst s3  }
0xc: {  	[smem:$0x3FB2] =	sst s4  }
0xd: {  	[smem:$0x3FB3] =	sst s5  }
0xe: {  	[smem:$0x3FB4] =	sst s6  }
0xf: {  	[smem:$0x3FB5] =	sst s7  }
0x10: {  	[smem:$0x3FB6] =	sst s8  }
0x11: {  	[smem:$0x3FB7] =	sst s9;
	s0 =	simm.s32 @!p0 $0x0  }
0x12: {  	s1 =	sld [smem:$0x3F9D];
	s0 =	simm.s32 @p0 $0x1  }
0x13: {  	[smem:$0x3FB8] =	sst s0;
	s0 =	simm.s32 @!p1 $0x0  }
0x14: {  	s2 =	sld [smem:$0x3F9C];
	s0 =	simm.s32 @p1 $0x1  }
0x15: {  	[smem:$0x3FB9] =	sst s0;
	s0 =	simm.s32 @!p2 $0x0  }
0x16: {  	s3 =	sld [smem:$0x3FDB];
	s0 =	simm.s32 @p2 $0x1  }
0x17: {  	s4 =	simm.s32 $0x1BF5;
	[smem:$0x3FBB] =	sst s0  }
0x18: {  	s0 =	sld [smem:$0x3F9E];
	_ =	swait.ge [sflag:s4], $0x0  }
0x19: {  	s7 =	sld [smem:$0x3F9F]  }
0x1a: {  	s8 =	sadd.s32 $0xFFFFE003, lr  }
0x1b: {  	s9 =	sadd.s32 $0xFFFFFEF7, lr;
	s5 =	simm.s32 $0xFFFFFFFF;
	p2 =	slt.u32 s8, $0xFFFFF086  }
0x1c: {  	p1 =	slt.u32 s9, $0xF7A;
	s5 =	simm.s32 @!p2 $0x0  }
0x1d: {  	s5 =	simm.s32 @p1 $0x1;
	p0 =	seq.s32 s7, s2  }
0x1e: {  	s7 =	smul.u32 @!p0 $0xF7A, s2;
	p2 =	seq.s32 @!p0 s5, $0x0  }
0x1f: {  	s9 =	smul.u32 $0xF7A, s1;
	s8 =	simm.s32 @!p0 $0x1BF5;
	p2 =	por !p2, p0  }
0x20: {  	[sflag:s8] =	ssyncset.s32 @!p0 $0xFFFFF086;
	s6 =	sadd.s32 @!p0 s3, s7;
	s7 =	simm.s32 @!p0 $0x108  }
0x21: {  	s3 =	sadd.s32 s3, s9;
	s6 =	sadd.s32 @!p0 $0x88, s6;
	s7 =	simm.s32 @p2 $0x1082  }
0x22: {  	[simem:s7], [sflag:s8] =	dma.local @!p0 [hbm:s6], $0xF7A  }
0x23: {  	s9 =	sor.u32 $0xD0000000, s2;
	s6 =	simm.s32 $0x108;
	_ =	swait.ge @!p0 [sflag:s8], $0x0  }
0x24: {  	s3 =	sadd.s32 $0x88, s3;
	s6 =	simm.s32 @!p1 $0x1082;
	[sflag:s4] =	ssyncset.s32 $0xFFFFF086  }
0x25: {  	[simem:s6], [sflag:s4] =	dma.local [hbm:s3], $0xF7A  }
0x26: {  	[smem:$0x3F9F] =	sst s1;
	(tag) =	ssettag s2;
	_ =	strace s9  }
0x27: {  	s1 =	sld [smem:$0x3FAF]  }
0x28: {  	s2 =	sld [smem:$0x3FB0]  }
0x29: {  	s4 =	sld [smem:$0x3FB2]  }
0x2a: {  	p0 =	seq.s32 s5, $0x0;
	s5 =	sld [smem:$0x3FB3]  }
0x2b: {  	s6 =	sld [smem:$0x3FB4]  }
0x2c: {  	s7 =	sld [smem:$0x3FB5]  }
0x2d: {  	s3 =	simm.s32 $0x108;
	s8 =	sld [smem:$0x3FB6]  }
0x2e: {  	s3 =	simm.s32 @!p0 $0x1082;
	s9 =	sld [smem:$0x3FB7]  }
0x2f: {  	lr =	sadd.s32 s0, s3;
	s0 =	sld [smem:$0x3FAE]  }
0x30: {  	s3 =	sld [smem:$0x3FB1]  }
0x31: {  	[smem:$0x3FBA] =	sst s10  }
0x32: {  	s10 =	sld [smem:$0x3FB8];
	_ =	sdelay $0x3  }
0x33: {  	p0 =	seq.s32 s10, $0x1;
	s10 =	sld [smem:$0x3FBA];
	_ =	sdelay $0x3  }
0x34: {  	[smem:$0x3FBA] =	sst s10  }
0x35: {  	s10 =	sld [smem:$0x3FB9];
	_ =	sdelay $0x3  }
0x36: {  	p1 =	seq.s32 s10, $0x1;
	s10 =	sld [smem:$0x3FBA];
	_ =	sdelay $0x3  }
0x37: {  	[smem:$0x3FBA] =	sst s10  }
0x38: {  	s10 =	sld [smem:$0x3FBB]  }
0x39: {  	_ = 	snop;
	(pc) =	sbr.ind lr, $3  }
0x3a: {  	_ = 	snop  }
0x3b: {  	_ = 	snop  }
0x3c: {  	p2 =	seq.s32 s10, $0x1;
	s10 =	sld [smem:$0x3FBA]  }
0x3d: {  	_ =	shalt  }
0x3e: {  	_ =	shalt  }
0x3f: {  	_ =	shalt  }
0x40: {  	_ =	shalt  }
0x41: {  	_ =	shalt  }
0x42: {  	_ =	shalt  }
0x43: {  	_ =	shalt  }
0x44: {  	_ =	shalt  }
0x45: {  	_ =	shalt  }
0x46: {  	_ =	shalt  }
0x47: {  	_ =	shalt  }
0x48: {  	_ =	shalt  }
0x49: {  	_ =	shalt  }
0x4a: {  	_ =	shalt  }
0x4b: {  	_ =	shalt  }
0x4c: {  	_ =	shalt  }
0x4d: {  	_ =	shalt  }
0x4e: {  	_ =	shalt  }
0x4f: {  	_ =	shalt  }
0x50: {  	_ =	shalt  }
0x51: {  	_ =	shalt  }
0x52: {  	_ =	shalt  }
0x53: {  	_ =	shalt  }
0x54: {  	_ =	shalt  }
0x55: {  	_ =	shalt  }
0x56: {  	_ =	shalt  }
0x57: {  	_ =	shalt  }
0x58: {  	_ =	shalt  }
0x59: {  	_ =	shalt  }
0x5a: {  	_ =	shalt  }
0x5b: {  	_ =	shalt  }
0x5c: {  	_ =	shalt  }
0x5d: {  	_ =	shalt  }
0x5e: {  	_ =	shalt  }
0x5f: {  	_ =	shalt  }
0x60: {  	_ =	shalt  }
0x61: {  	_ =	shalt  }
0x62: {  	_ =	shalt  }
0x63: {  	_ =	shalt  }
0x64: {  	_ =	shalt  }
0x65: {  	_ =	shalt  }
0x66: {  	_ =	shalt  }
0x67: {  	_ =	shalt  }
0x68: {  	_ =	shalt  }
0x69: {  	_ =	shalt  }
0x6a: {  	_ =	shalt  }
0x6b: {  	_ =	shalt  }
0x6c: {  	_ =	shalt  }
0x6d: {  	_ =	shalt  }
0x6e: {  	_ =	shalt  }
0x6f: {  	_ =	shalt  }
0x70: {  	_ =	shalt  }
0x71: {  	_ =	shalt  }
0x72: {  	_ =	shalt  }
0x73: {  	_ =	shalt  }
0x74: {  	_ =	shalt  }
0x75: {  	_ =	shalt  }
0x76: {  	_ =	shalt  }
0x77: {  	_ =	shalt  }
0x78: {  	_ =	shalt  }
0x79: {  	_ =	shalt  }
0x7a: {  	_ =	shalt  }
0x7b: {  	_ =	shalt  }
0x7c: {  	_ =	shalt  }
0x7d: {  	_ =	shalt  }
0x7e: {  	_ =	shalt  }
0x7f: {  	_ =	shalt  }
0x80: {  	_ =	shalt  }
0x81: {  	_ =	shalt  }
0x82: {  	_ =	shalt  }
0x83: {  	_ =	shalt  }
0x84: {  	_ =	shalt  }
0x85: {  	_ =	shalt  }
0x86: {  	_ =	shalt  }
0x87: {  	_ =	shalt  }
.Lfunc_end0:
.L_simem_size_0:
called_computation_lowered:
.L_overlay_start_0:
0x88: {  	s2 =	sld [smem:$0x3FD9]  }
0x89: {  	s3 =	sld [smem:$0x3FFE];
	_ =	sdelay $0x1  }
0x8a: {  	s1 =	srdreg.scid  }
0x8b: {  	s0 =	sand.u32 $0x1, s1  }
0x8c: {  	s17 =	sshll.u32 s0, $0xA;
	s2 =	sadd.s32 s3, s2  }
0x8d: {  	s2 =	sadd.s32 s2, s17  }
0x8e: {  	[smem:$0x3FC6] =	sst s2  }
0x8f: {  	_ = 	snop  }
0x90: {  	s2 =	sld [smem:$0x3FD0];
	(tm) =	ssettm $0x1  }
0x91: {  	s18 =	sld [smem:$0x3FFB];
	_ =	sdelay $0x3  }
0x92: {  	_ =	strace s18  }
0x93: {  	s3 =	sld [smem:$0x3FFC];
	_ =	sdelay $0x3  }
0x94: {  	_ =	strace s3  }
0x95: {  	s3 =	sld [smem:$0x3FFD];
	_ =	sdelay $0x3  }
0x96: {  	_ =	strace s3  }
0x97: {  	_ =	strace $0x8FFFFFFF  }
0x98: {  	s19 =	sld [smem:$0x3FDB];
	_ =	sdelay $0x1  }
0x99: {  	s4 =	simm.s32 $_scs_section_size  }
0x9a: {  	s5 =	simm.s32 $_size__tile_overlayer_lowered;
	s6 =	simm.s32 $_tile_overlayer_lowered  }
0x9b: {  	s22 =	simm.s32 $0x1BFF;
	s21 =	sshll.u32 s6, $0x1;
	s3 =	sadd.s32 s4, s19  }
0x9c: {  	s7 =	simm.s32 $0x0;
	s20 =	sshll.u32 s5, $0x1;
	s5 =	sadd.s32 s21, s3  }
0x9d: {  	[timem:s7], [sflag:s22] =	dma.local [hbm:s5], s20  }
0x9e: {  	_ =	swait.ge [sflag:s22], s20  }
0x9f: {  	s4 =	ssub.s32 $0x0, s20;
	[sflag:s22] =	ssyncset.done $0x0  }
0xa0: {  	[sflag:s22] =	ssyncadd.s32 s4;
	_ =	sdelay $0x1  }
0xa1: {  	s23 =	simm.s32 $0x1B8B  }
0xa2: {  	_ =	swait.ge [sflag:s23], $0x1  }
0xa3: {  	[sflag:s23] =	ssyncset.done $0x0  }
0xa4: {  	s25 =	simm.s32 $0x1B8E;
	s24 =	sld [smem:$0x3FFE];
	[sflag:s23] =	ssyncadd.s32 $0xFFFFFFFF  }
0xa5: {  	s26 =	simm.s32 $execute0_lowered;
	[smem:$0x3FD2] =	sst s25  }
0xa6: {  	s5 =	sshll.u32 s26, $0x1;
	_ =	strace $0x80000046;
	[dreg:$0x1] =	wrdreg $0xFFFFFFFF  }
0xa7: {  	s28 =	simm.s32 $_size_execute0_lowered;
	s3 =	sadd.s32 s3, s5;
	[dreg:$0x0] =	wrdreg $0x0  }
0xa8: {  	s5 =	sshll.u32 s28, $0x1;
	[dreg:$0x2] =	wrdreg s3  }
0xa9: {  	[dreg:$0x3] =	wrdreg s5  }
0xaa: {  	[dreg:$0x4] =	wrdreg $0xC0  }
0xab: {  	_ =	task [dreg:s7], $0x5FFFF  }
0xac: {  	[dreg:$0x1] =	wrdreg $0xFFFFFFFF  }
0xad: {  	[dreg:$0x0] =	wrdreg $0x60  }
0xae: {  	[dreg:$0x2] =	wrdreg s24  }
0xaf: {  	[dreg:$0x3] =	wrdreg s2  }
0xb0: {  	[dreg:$0x4] =	wrdreg $0x0  }
0xb1: {  	[dreg:$0x5] =	wrdreg $0x9  }
0xb2: {  	_ =	task.clear_ibuf [dreg:s7], $0x6FFFF;
	_ =	strace $0x90000046  }
0xb3: {  	s29 =	simm.s32 $0x9;
	_ =	strace $0x80000048  }
0xb4: {  	_ =	swait.ge [sflag:s29], $0x1  }
0xb5: {  	[sflag:s29] =	ssyncadd.s32 $0xFFFFFFFF  }
0xb6: {  	_ =	strace $0x90000048  }
0xb7: {  	_ =	sfence  }
0xb8: {  	s30 =	sld [smem:$0x0];
	_ =	sdelay $0x2  }
0xb9: {  	s31 =	sshll.u32 s1, $0xD;
	s1 =	sshrl.u32 s1, $0x2  }
0xba: {  	s3 =	sand.u32 $0x4000, s31;
	s1 =	sadd.s32 s1, s30  }
0xbb: {  	s0 =	sor.u32 s3, s0;
	s1 =	sshll.u32 s1, $0x11  }
0xbc: {  	s0 =	sor.u32 s1, s0  }
0xbd: {  	s0 =	sadd.s32 $0x8F2B, s0  }
0xbe: {  	[sflag:s0] =	ssyncadd.remote.s32 $0x1  }
0xbf: {  	_ =	sfence.sel $0xFFFF  }
0xc0: {  	[dreg:$0x0] =	wrdreg $0xFFFFFFFF;
	(pc) =	sbr.abs _section_cstart, $3  }
0xc1: {  	[dreg:$0x1] =	wrdreg $0xFFFFFFFF  }
0xc2: {  	_ =	task.clear_ibuf [dreg:s7], $0x2FFFF;
	_ =	strace $0x9FFFFFFF  }
0xc3: {  	(tm) =	ssettm $0x7FFFFFFF  }
tec
execute0_lowered:
.L_overlay_start_1:
0x0: {  	(tag) =	ssettag $0x1  }
0x1: {  	v0 =	vimm.s32 $0xEDCBA987  }
0x2: {  	vm0 =	vcmask $0xB08;
	vm1 =	vcmask $0x300;
	v1 =	vimm.s32 $0x6543210F  }
0x3: {  	v2 =	vimm.s32 $0xFEDCBA9;
	v3 =	vimm.s32 $0x87654321;
	v4 =	vimm.s32 $0xDCBA9876  }
0x4: {  	v5 =	vimm.s32 $0x543210FE;
	vm2 =	vcmask $0x1710;
	vm3 =	vcmask $0x700  }
0x5: {  	v6 =	vimm.s32 $0xBA987654;
	v7 =	vimm.s32 $0x3210FEDC;
	v0 =	vunpack.c.l.s4.s8 v0  }
0x6: {  	s6 =	rddreg [dreg:$0x0];
	vm0 =	vmor vm1, vm0;
	vm1 =	vcmask $0x1310;
	v1 =	vunpack.c.l.s4.s8 v1  }
0x7: {  	s0 =	rddreg [dreg:$0x1];
	v2 =	vunpack.c.l.s4.s8 v2;
	v3 =	vunpack.c.l.s4.s8 v3;
	v4 =	vunpack.c.l.s4.s8 v4  }
0x8: {  	s2 =	rddreg [dreg:$0x2];
	s3 =	simm.s32 $0x0;
	v5 =	vunpack.c.l.s4.s8 v5;
	vm2 =	vmor vm3, vm2;
	vm3 =	vcmask $0x2720  }
0x9: {  	s1 =	stileid.u32;
	s7 =	srdreg.scid;
	s4 =	simm.s32 $0x4F;
	v6 =	vunpack.c.l.s4.s8 v6;
	vm0 =	vmor vm0, vm1;
	vm1 =	vcmask $0x1B18  }
0xa: {  	s16 =	simm.s32 $0x80;
	s17 =	simm.s32 $0x4E200;
	s19 =	simm.s32 $0x9D40;
	v7 =	vunpack.c.l.s4.s8 v7;
	v0 =	vunpack.c.0.s8.s32 v0;
	vm0 =	vmor vm0, vm1  }
0xb: {  	s21 =	simm.s32 $0x1;
	s23 =	simm.s32 $0x2;
	s28 =	simm.s32 $0x0;
	vm1 =	vcmask $0x2320;
	v1 =	vunpack.c.0.s8.s32 v1;
	v2 =	vunpack.c.0.s8.s32 v2  }
0xc: {  	[smem:$0x7FF] =	sst s3;
	p0 =	slt.u32 s1, $0x2;
	s5 =	sadd.s32 $0x600, s6;
	v3 =	vunpack.c.0.s8.s32 v3;
	vm0 =	vmor vm0, vm1;
	vm1 =	vcmask $0x2B28  }
0xd: {  	s7 =	sand.u32 $0x1, s7;
	s9 =	sshll.u32 s1, $0x1;
	s6 =	sadd.s32 $0x14000, s6;
	vm2 =	vmor vm2, vm3;
	vm3 =	vcmask $0x3730;
	vm0 =	vmor vm0, vm1  }
0xe: {  	_ =	strace $0x80000047;
	[dreg:$0x4] =	wrdreg s5;
	s4 =	simm.s32 @!p0 $0x4E;
	v0 =	vcombine.low v1, v0;
	v1 =	vcombine.low v3, v2;
	v2 =	vunpack.c.0.s8.s32 v4  }
0xf: {  	s8 =	ssub.s32 $0x2, s7;
	s9 =	sor.u32 s7, s9;
	s10 =	smul.u32 $0x56, s4;
	v3 =	vunpack.c.0.s8.s32 v5;
	v4 =	vimm.s32 $0x10FEDCBA;
	v5 =	vimm.s32 $0x98765432  }
0x10: {  	p0 =	sne.s32 s1, $0x0;
	s11 =	sshrl.u32 s8, $0x1;
	s7 =	sshll.u32 s9, $0x4;
	vm1 =	vcmask $0x3330;
	v4 =	vunpack.c.l.s4.s8 v4;
	v5 =	vunpack.c.l.s4.s8 v5  }
0x11: {  	v6 =	vunpack.c.0.s8.s32 v6;
	v7 =	vunpack.c.0.s8.s32 v7;
	s14 =	ssub.s32 s8, s11;
	s7 =	sadd.s32 s6, s7;
	s25 =	sadd.s32 $0xFFFFFFAA, s10;
	vm0 =	vmor vm0, vm1  }
0x12: {  	s26 =	sadd.s32 $0xFFFFFF54, s10;
	s10 =	sadd.s32 $0xFFFFFEFE, s10;
	vm1 =	vcmask $0x3B38;
	s8 =	sshrl.u32 s25, $0x8;
	v4 =	vunpack.c.0.s8.s32 v4;
	v5 =	vunpack.c.0.s8.s32 v5  }
0x13: {  	s29 =	sadd.s32 $0x200, s7;
	s11 =	sshrl.u32 s26, $0x8;
	s12 =	smul.u32 $0x3, s8;
	vm0 =	vmor vm0, vm1;
	v2 =	vcombine.low v3, v2;
	vm1 =	vmor vm2, vm3  }
0x14: {  	s30 =	sadd.s32 $0x400, s7;
	s10 =	sshrl.u32 s10, $0x8;
	s11 =	smul.u32 $0x3, s11;
	v3 =	vcombine.low v5, v4;
	v4 =	vcombine.low v7, v6;
	v5 =	vimm.s32 $0xFEDCBA98  }
0x15: {  	s14 =	smax.u32 s14, $0x1;
	[dreg:$0x5] =	wrdreg s29;
	s13 =	smul.u32 $0x3, s10;
	v6 =	vcombine.low v6, v7;
	v7 =	vimm.s32 $0x76543210;
	v5 =	vunpack.c.l.s4.s8 v5  }
0x16: {  	[dreg:$0x6] =	wrdreg s30;
	s8 =	sshll.u32 s9, $0x7;
	vm2 =	vcmask $0x2F20;
	vm3 =	vcmask $0xF00;
	s12 =	sxor.u32 $0xFFFFFFFF, s12;
	v7 =	vunpack.c.l.s4.s8 v7  }
0x17: {  	v0 =	vand.u32 $0xF, v0;
	v1 =	vand.u32 $0xF, v1;
	s11 =	ssub.s32 s4, s11;
	s13 =	ssub.s32 s4, s13;
	s12 =	sadd.s32 s4, s12;
	v5 =	vunpack.c.0.s8.s32 v5  }
0x18: {  	vm2 =	vmor vm3, vm2;
	vm3 =	vmmov $0xff;
	s15 =	sadd.s32 $0xFFFFFFFE, s11;
	s13 =	sadd.s32 $0xFFFFFFFD, s13;
	s12 =	sand.u32 $0xFF, s12;
	v7 =	vunpack.c.0.s8.s32 v7  }
0x19: {  	v2 =	vand.u32 $0xF, v2;
	s31 =	sand.u32 $0xFF, s15;
	s13 =	sand.u32 $0xFF, s13;
	s15 =	sshrl.u32 @!p0 s2, $0x3;
	v3 =	vand.u32 $0xF, v3;
	v8 =	vand.u32 $0xF, v5  }
0x1a: {  	s11 =	sadd.s32 $0x7, s12;
	s12 =	sadd.s32 $0x7, s31;
	s13 =	sadd.s32 $0x7, s13;
	v4 =	vand.u32 $0xF, v4;
	v5 =	vand.u32 $0xF, v6;
	v6 =	vcombine.low v8, v7  }
.LBB2_1:
0x1b: {  	s1 =	simm.s32 @!p0 $0x1C0A;
	s5 =	rddreg [dreg:$0x4]  }
0x1c: {  	[spmem:s15], [sflag:s1] =	dma.local @!p0 [hbm:s5], $0x13880  }
0x1d: {  	s1 =	simm.s32 @!p0 $0xA  }
0x1e: {  	_ =	swait.ge @!p0 [sflag:s1], $0x13880  }
0x1f: {  	[sflag:s1] =	ssyncset.done @!p0 $0x0  }
0x20: {  	[sflag:s1] =	ssyncadd.s32 @!p0 $0xFFFEC780  }
0x21: {  	s10 =	simm.s32 $0x9C40;
	[bflag:$0x0] =	sbarrier.arrive $0xFFFF  }
0x22: {  	[tilespmem:s10], [sflag:$0x1] =	stream.strided.gather [hbm4b:s7+s16], $0x100, s17, s16, $0x38;
	[tilespmem:$0x160C0] =	vst v63  }
0x23: {  	s18 =	rddreg [dreg:$0x5]  }
0x24: {  	[tilespmem:s19], [sflag:$0x2] =	stream.strided.gather [hbm4b:s18+s16], $0x100, s17, s16, $0x38;
	[tilespmem:$0x160C0] =	vst v63  }
0x25: {  	s9 =	simm.s32 $0x9E40;
	s20 =	rddreg [dreg:$0x6]  }
0x26: {  	[tilespmem:s9], [sflag:$0x3] =	stream.strided.gather [hbm4b:s20+s16], $0x100, s17, s16, $0x38;
	[tilespmem:$0x160C0] =	vst v63  }
0x27: {  	_ =	swait.ge [sflag:s21], $0x100  }
0x28: {  	[sflag:s21] =	ssyncset.done $0x0  }
0x29: {  	s29 =	simm.s32 $0x9F40;
	[sflag:s21] =	ssyncadd.s32 $0xFFFFFF00  }
0x2a: {  	[tilespmem:s29], [sflag:$0x4] =	stream.indirect.gather [spmem:s2], $0x40, s10, s16, $0xb8;
	[tilespmem:$0x160C0] =	vst v63  }
0x2b: {  	s30 =	simm.s32 $0xFF40;
	s22 =	simm.s32 $0x9CC0  }
0x2c: {  	[tilespmem:s30], [sflag:$0x4] =	stream.indirect.gather [spmem:s2], $0x40, s22, s16, $0xb8;
	[tilespmem:$0x160C0] =	vst v63  }
0x2d: {  	_ =	swait.ge [sflag:s23], $0x100  }
0x2e: {  	[sflag:s23] =	ssyncset.done $0x0  }
0x2f: {  	s24 =	simm.s32 $0xBF40;
	s25 =	simm.s32 $0x9DC0;
	[sflag:s23] =	ssyncadd.s32 $0xFFFFFF00  }
0x30: {  	[tilespmem:s24], [sflag:$0x5] =	stream.indirect.gather [spmem:s2], $0x40, s19, s16, $0xb8;
	[tilespmem:$0x160C0] =	vst v63  }
0x31: {  	s26 =	simm.s32 $0x11F40;
	s31 =	simm.s32 $0x15F40;
	s1 =	simm.s32 $0x0  }
0x32: {  	[tilespmem:s26], [sflag:$0x5] =	stream.indirect.gather [spmem:s2], $0x40, s25, s16, $0xb8;
	[tilespmem:$0x160C0] =	vst v63  }
.LBB2_2:
0x33: {  	s20 =	smulhi.u32 $0xAAAAAAAB, s1;
	_ =	sdelay $0x1  }
0x34: {  	s22 =	sshrl.u32 s20, $0x1  }
0x35: {  	s20 =	smul.u32 $0x3, s22;
	_ =	sdelay $0x1  }
0x36: {  	s20 =	ssub.s32 s1, s20  }
0x37: {  	s25 =	sadd.s32 $0x3, s1;
	s26 =	sadd.s32 $0x2, s1;
	s24 =	sor.u32 $0x4, s20  }
0x38: {  	p2 =	sge.u32 s25, s4;
	p1 =	sge.u32 s26, s4;
	_ =	swait.ge [sflag:s24], $0x2000  }
0x39: {  	s25 =	sshll.u32 @!p2 s25, $0xC;
	s9 =	smulhi.u32 @!p1 $0xAAAAAAAB, s26;
	[sflag:s24] =	ssyncset.done $0x0  }
0x3a: {  	s10 =	simm.s32 @!p2 $0x80;
	s18 =	simm.s32 @!p2 $0x4E200;
	[sflag:s24] =	ssyncadd.s32 $0xFFFFE000  }
0x3b: {  	s25 =	sor.u32 @!p2 s8, s25;
	s9 =	sshrl.u32 @!p1 s9, $0x1;
	_ =	swait.ge [sflag:s24], $0x2000  }
0x3c: {  	s9 =	smul.u32 @!p1 $0x3, s9;
	s5 =	sshll.u32 @!p2 s20, $0x8;
	[sflag:s24] =	ssyncset.done $0x0  }
0x3d: {  	s5 =	sand.u32 @!p2 $0x3FFFFF00, s5;
	[sflag:s24] =	ssyncadd.s32 $0xFFFFE000;
	s24 =	sshrl.u32 @!p2 s25, $0x3  }
0x3e: {  	s5 =	sadd.s32 @!p2 $0x9C40, s5;
	s25 =	sadd.s32 @!p2 $0x1, s20;
	s24 =	sadd.s32 @!p2 s6, s24  }
0x3f: {  	[tilespmem:s5], [sflag:s25] =	stream.strided.gather @!p2 [hbm4b:s24+s10], $0x100, s18, s10, $0x38;
	[tilespmem:$0x160C0] =	vst v63  }
0x40: {  	s5 =	ssub.s32 @!p1 s26, s9  }
0x41: {  	s10 =	smul.u32 $0xFFFFFA00, s22;
	s9 =	sadd.s32 @!p1 $0x1, s5  }
0x42: {  	s26 =	simm.s32 @!p1 $0x80;
	s18 =	sshll.u32 @!p1 s5, $0xD;
	_ =	swait.ge @!p1 [sflag:s9], $0x100  }
0x43: {  	s24 =	sshll.u32 @!p1 s5, $0x8;
	s5 =	sor.u32 @!p1 $0x4, s5;
	[sflag:s9] =	ssyncset.done @!p1 $0x0  }
0x44: {  	s25 =	sor.u32 @!p1 $0x9C40, s24;
	[sflag:s9] =	ssyncadd.s32 @!p1 $0xFFFFFF00;
	s9 =	sor.u32 @!p1 $0x9F40, s18  }
0x45: {  	[tilespmem:s9], [sflag:s5] =	stream.indirect.gather @!p1 [spmem:s2], $0x40, s25, s26, $0xb8;
	[tilespmem:$0x160C0] =	vst v63  }
0x46: {  	s18 =	sadd.s32 @!p1 $0xFF40, s18;
	s25 =	smul.u32 $0xFFFE8000, s22;
	s22 =	sor.u32 @!p1 $0x9CC0, s24  }
0x47: {  	[tilespmem:s18], [sflag:s5] =	stream.indirect.gather @!p1 [spmem:s2], $0x40, s22, s26, $0xb8;
	[tilespmem:$0x160C0] =	vst v63  }
0x48: {  	s25 =	sshra.s32 s25, $0x2  }
0x49: {  	s24 =	sshra.s32 s10, $0x2;
	p1 =	slt.u32 s1, $0x3;
	s10 =	sadd.s32 s25, s29  }
0x4a: {  	s9 =	sadd.s32 @!p1 $0x7, s20;
	s5 =	sadd.s32 s25, s30;
	v7 =	vmov s10  }
0x4b: {  	s26 =	sshll.u32 s20, $0x7;
	_ =	swait.ge @!p1 [sflag:s9], $0x80;
	v8 =	vmov s5  }
0x4c: {  	s22 =	sadd.s32 s24, s31;
	s18 =	sand.u32 $0x3FFFFF80, s26;
	[sflag:s9] =	ssyncset.done @!p1 $0x0  }
0x4d: {  	s25 =	simm.s32 $0x0;
	s24 =	sadd.s32 $0x15F40, s18;
	[sflag:s9] =	ssyncadd.s32 @!p1 $0xFFFFFF80  }
.LBB2_3:
0x4e: {  	s26 =	sshra.s32 s25, $0x2  }
0x4f: {  	v9 =	vld.idx.msk [tilespmem:v7+s26+$0x0 ss:$0x1], $0xffff  }
0x50: {  	v10 =	vld.idx.msk [tilespmem:v8+s26+$0x0 ss:$0x1], $0xffff  }
0x51: {  	v11 =	vld.idx.msk [tilespmem:v7+s26+$0x10 ss:$0x1], $0xffff  }
0x52: {  	v12 =	vld.idx.msk [tilespmem:v8+s26+$0x10 ss:$0x1], $0xffff  }
0x53: {  	v13 =	vld.idx.msk [tilespmem:v7+s26+$0x20 ss:$0x1], $0xffff  }
0x54: {  	v14 =	vld.idx.msk [tilespmem:v8+s26+$0x20 ss:$0x1], $0xffff  }
0x55: {  	v15 =	vld.idx.msk [tilespmem:v7+s26+$0x30 ss:$0x1], $0xffff  }
0x56: {  	v16 =	vld.idx.msk [tilespmem:v8+s26+$0x30 ss:$0x1], $0xffff  }
0x57: {  	v17 =	vld.idx.msk [tilespmem:v7+s26+$0x40 ss:$0x1], $0xffff  }
0x58: {  	v18 =	vld.idx.msk [tilespmem:v8+s26+$0x40 ss:$0x1], $0xffff  }
0x59: {  	v19 =	vld.idx.msk [tilespmem:v7+s26+$0x50 ss:$0x1], $0xffff  }
0x5a: {  	v20 =	vld.idx.msk [tilespmem:v8+s26+$0x50 ss:$0x1], $0xffff  }
0x5b: {  	v21 =	vld.idx.msk [tilespmem:v7+s26+$0x60 ss:$0x1], $0xffff  }
0x5c: {  	v22 =	vld.idx.msk [tilespmem:v8+s26+$0x60 ss:$0x1], $0xffff  }
0x5d: {  	v23 =	vld.idx.msk [tilespmem:v7+s26+$0x70 ss:$0x1], $0xffff  }
0x5e: {  	v24 =	vld.idx.msk [tilespmem:v8+s26+$0x70 ss:$0x1], $0xffff  }
0x5f: {  	v25 =	vld.idx.msk [tilespmem:v7+s26+$0x80 ss:$0x1], $0xffff  }
0x60: {  	v26 =	vld.idx.msk [tilespmem:v8+s26+$0x80 ss:$0x1], $0xffff  }
0x61: {  	v27 =	vld.idx.msk [tilespmem:v7+s26+$0x90 ss:$0x1], $0xffff  }
0x62: {  	v28 =	vld.idx.msk [tilespmem:v8+s26+$0x90 ss:$0x1], $0xffff  }
0x63: {  	v29 =	vld.idx.msk [tilespmem:v7+s26+$0xA0 ss:$0x1], $0xffff  }
0x64: {  	v30 =	vld.idx.msk [tilespmem:v8+s26+$0xA0 ss:$0x1], $0xffff  }
0x65: {  	v31 =	vld.idx.msk [tilespmem:v7+s26+$0xB0 ss:$0x1], $0xffff  }
0x66: {  	v32 =	vld.idx.msk [tilespmem:v8+s26+$0xB0 ss:$0x1], $0xffff  }
0x67: {  	v49 =	vld.idx.msk [tilespmem:v7+s26+$0xD0 ss:$0x1], $0xffff  }
0x68: {  	v50 =	vld.idx.msk [tilespmem:v8+s26+$0xD0 ss:$0x1], $0xffff  }
0x69: {  	v51 =	vld.idx.msk [tilespmem:v7+s26+$0xE0 ss:$0x1], $0xffff  }
0x6a: {  	v52 =	vld.idx.msk [tilespmem:v8+s26+$0xE0 ss:$0x1], $0xffff  }
0x6b: {  	v54 =	vld.idx.msk [tilespmem:v7+s26+$0xF0 ss:$0x1], $0xffff  }
0x6c: {  	v56 =	vld.idx.msk [tilespmem:v8+s26+$0xF0 ss:$0x1], $0xffff;
	v9 =	vmul.bf16 v10, v9;
	v10 =	vmul.bf16 v12, v11  }
0x6d: {  	v43 =	vld.idx.msk [tilespmem:v7+s26+$0x150 ss:$0x1], $0xffff;
	v13 =	vmul.bf16 v14, v13;
	v15 =	vmul.bf16 v16, v15  }
0x6e: {  	v44 =	vld.idx.msk [tilespmem:v8+s26+$0x150 ss:$0x1], $0xffff;
	v17 =	vmul.bf16 v18, v17;
	v19 =	vmul.bf16 v20, v19  }
0x6f: {  	v21 =	vmul.bf16 v22, v21;
	v23 =	vmul.bf16 v24, v23  }
0x70: {  	v59 =	vmul.bf16 v26, v25;
	v60 =	vmul.bf16 v28, v27  }
0x71: {  	v48 =	vld.idx.msk [tilespmem:v8+s26+$0xC0 ss:$0x1], $0xffff;
	v62 =	vmul.bf16 v30, v29;
	v42 =	vmul.bf16 v32, v31  }
0x72: {  	v61 =	vld.idx.msk [tilespmem:v8+s26+$0x130 ss:$0x1], $0xffff;
	v14 =	vmul.bf16 v50, v49;
	v16 =	vmul.bf16 v52, v51  }
0x73: {  	v63 =	vld.idx.msk [tilespmem:v7+s26+$0x140 ss:$0x1], $0xffff;
	v20 =	vmul.bf16 v56, v54;
	v12 =	vmul.bf16 v44, v43;
	v33 =	vunpack.i.l.bf16.f32 v9  }
0x74: {  	v40 =	vld.idx.msk [tilespmem:v8+s26+$0x140 ss:$0x1], $0xffff;
	v34 =	vunpack.i.l.bf16.f32 v10;
	v9 =	vunpack.i.u.bf16.f32 v9;
	v10 =	vunpack.i.u.bf16.f32 v10  }
0x75: {  	v46 =	vld.idx.msk [tilespmem:v7+s26+$0x160 ss:$0x1], $0xffff;
	v53 =	vunpack.i.l.bf16.f32 v15;
	v55 =	vunpack.i.u.bf16.f32 v17;
	v17 =	vunpack.i.l.bf16.f32 v17  }
0x76: {  	v38 =	vld.idx.msk [tilespmem:v8+s26+$0x320 ss:$0x1], $0xffff;
	v35 =	vunpack.i.u.bf16.f32 v19;
	v19 =	vunpack.i.l.bf16.f32 v19;
	v57 =	vunpack.i.u.bf16.f32 v21  }
0x77: {  	v11 =	vld.idx.msk [tilespmem:v7+s26+$0xC0 ss:$0x1], $0xffff;
	v21 =	vunpack.i.l.bf16.f32 v21;
	v15 =	vunpack.i.u.bf16.f32 v15;
	v58 =	vunpack.i.u.bf16.f32 v23  }
0x78: {  	v22 =	vld.idx.msk [tilespmem:v7+s26+$0x100 ss:$0x1], $0xffff;
	v23 =	vunpack.i.l.bf16.f32 v23;
	v27 =	vunpack.i.l.bf16.f32 v60;
	v25 =	vunpack.i.u.bf16.f32 v60  }
0x79: {  	v24 =	vld.idx.msk [tilespmem:v7+s26+$0x110 ss:$0x1], $0xffff;
	v41 =	vunpack.i.l.bf16.f32 v62;
	v28 =	vunpack.i.u.bf16.f32 v62;
	v45 =	vunpack.i.l.bf16.f32 v42  }
0x7a: {  	v26 =	vld.idx.msk [tilespmem:v7+s26+$0x130 ss:$0x1], $0xffff;
	v52 =	vunpack.i.u.bf16.f32 v16;
	v16 =	vunpack.i.l.bf16.f32 v16;
	v30 =	vunpack.i.u.bf16.f32 v42  }
0x7b: {  	v49 =	vld.idx.msk [tilespmem:v7+s26+$0x170 ss:$0x1], $0xffff;
	v54 =	vunpack.i.u.bf16.f32 v20;
	v20 =	vunpack.i.l.bf16.f32 v20;
	v33 =	vadd.f32 v34, v33  }
0x7c: {  	v51 =	vld.idx.msk [tilespmem:v8+s26+$0x170 ss:$0x1], $0xffff;
	v62 =	vmul.bf16 v40, v63;
	v9 =	vadd.f32 v10, v9;
	v10 =	vunpack.i.l.bf16.f32 v13  }
0x7d: {  	v56 =	vld.idx.msk [tilespmem:v8+s26+$0x190 ss:$0x1], $0xffff;
	v13 =	vunpack.i.u.bf16.f32 v13;
	v17 =	vadd.f32 v19, v17;
	v10 =	vadd.f32 v10, v33  }
0x7e: {  	v44 =	vld.idx.msk [tilespmem:v7+s26+$0x1E0 ss:$0x1], $0xffff;
	v43 =	vunpack.i.u.bf16.f32 v12;
	v9 =	vadd.f32 v13, v9;
	v13 =	vadd.f32 v35, v55  }
0x7f: {  	v31 =	vld.idx.msk [tilespmem:v7+s26+$0x2A0 ss:$0x1], $0xffff;
	v34 =	vunpack.i.u.bf16.f32 v14;
	v14 =	vunpack.i.l.bf16.f32 v14;
	v17 =	vadd.f32 v21, v17  }
0x80: {  	v19 =	vld.idx.msk [tilespmem:v8+s26+$0x100 ss:$0x1], $0xffff;
	v11 =	vmul.bf16 v48, v11;
	v10 =	vadd.f32 v53, v10;
	v13 =	vadd.f32 v57, v13  }
0x81: {  	v63 =	vld.idx.msk [tilespmem:v8+s26+$0x1C0 ss:$0x1], $0xffff;
	v9 =	vadd.f32 v15, v9;
	v17 =	vadd.f32 v23, v17;
	v23 =	vunpack.i.u.bf16.f32 v59  }
0x82: {  	v21 =	vld.idx.msk [tilespmem:v8+s26+$0x110 ss:$0x1], $0xffff;
	v47 =	vunpack.i.u.bf16.f32 v11;
	v11 =	vunpack.i.l.bf16.f32 v11;
	v23 =	vadd.f32 v25, v23  }
0x83: {  	v12 =	vunpack.i.l.bf16.f32 v12;
	v48 =	vld.idx.msk [tilespmem:v8+s26+$0x160 ss:$0x1], $0xffff;
	v11 =	vadd.f32 v14, v11;
	v50 =	vadd.f32 v34, v47  }
0x84: {  	v35 =	vld.idx.msk [tilespmem:v7+s26+$0x120 ss:$0x1], $0xffff;
	v13 =	vadd.f32 v58, v13;
	v9 =	vadd.f32 v10, v9;
	v10 =	vunpack.i.l.bf16.f32 v59  }
0x85: {  	v33 =	vld.idx.msk [tilespmem:v7+s26+$0x180 ss:$0x1], $0xffff;
	v19 =	vmul.bf16 v19, v22;
	v10 =	vadd.f32 v27, v10;
	v23 =	vadd.f32 v28, v23  }
0x86: {  	v18 =	vmul.bf16 v51, v49;
	v15 =	vld.idx.msk [tilespmem:v8+s26+$0x120 ss:$0x1], $0xffff;
	v11 =	vadd.f32 v16, v11;
	v14 =	vadd.f32 v52, v50  }
0x87: {  	v53 =	vld.idx.msk [tilespmem:v8+s26+$0x180 ss:$0x1], $0xffff;
	v21 =	vmul.bf16 v21, v24;
	v59 =	vunpack.i.l.bf16.f32 v19;
	v19 =	vunpack.i.u.bf16.f32 v19  }
0x88: {  	v55 =	vld.idx.msk [tilespmem:v7+s26+$0x190 ss:$0x1], $0xffff;
	v28 =	vmul.bf16 v48, v46;
	v50 =	vunpack.i.u.bf16.f32 v18;
	v13 =	vadd.f32 v17, v13  }
0x89: {  	v40 =	vld.idx.msk [tilespmem:v7+s26+$0x1D0 ss:$0x1], $0xffff;
	v18 =	vunpack.i.l.bf16.f32 v18;
	v10 =	vadd.f32 v41, v10;
	v23 =	vadd.f32 v30, v23  }
0x8a: {  	v42 =	vld.idx.msk [tilespmem:v8+s26+$0x1D0 ss:$0x1], $0xffff;
	v17 =	vmul.bf16 v61, v26;
	v11 =	vadd.f32 v20, v11;
	v14 =	vadd.f32 v54, v14  }
0x8b: {  	v49 =	vld.idx.msk [tilespmem:v8+s26+$0x1F0 ss:$0x1], $0xffff;
	v24 =	vunpack.i.l.bf16.f32 v21;
	v15 =	vmul.bf16 v15, v35;
	v21 =	vunpack.i.u.bf16.f32 v21  }
0x8c: {  	v58 =	vld.idx.msk [tilespmem:v7+s26+$0x1A0 ss:$0x1], $0xffff;
	v41 =	vunpack.i.u.bf16.f32 v62;
	v47 =	vunpack.i.u.bf16.f32 v28;
	v16 =	vmul.bf16 v53, v33  }
0x8d: {  	v46 =	vld.idx.msk [tilespmem:v8+s26+$0x1E0 ss:$0x1], $0xffff;
	v28 =	vunpack.i.l.bf16.f32 v28;
	v53 =	vmul.bf16 v56, v55;
	v36 =	vperm.xlane v13, v0  }
0x8e: {  	v48 =	vld.idx.msk [tilespmem:v7+s26+$0x1F0 ss:$0x1], $0xffff;
	v19 =	vadd.f32 v21, v19;
	v39 =	vunpack.i.l.bf16.f32 v17;
	v21 =	vunpack.i.l.bf16.f32 v62  }
0x8f: {  	v52 =	vld.idx.msk [tilespmem:v8+s26+$0x200 ss:$0x1], $0xffff;
	v17 =	vunpack.i.u.bf16.f32 v17;
	v62 =	vmul.bf16 v42, v40;
	v10 =	vadd.f32 v45, v10  }
0x90: {  	v61 =	vld.idx.msk [tilespmem:v7+s26+$0x1C0 ss:$0x1], $0xffff;
	v60 =	vunpack.i.l.bf16.f32 v15;
	v15 =	vunpack.i.u.bf16.f32 v15;
	v12 =	vadd.f32 v12, v21  }
0x91: {  	v35 =	vld.idx.msk [tilespmem:v7+s26+$0x1B0 ss:$0x1], $0xffff;
	v45 =	vadd.f32 v43, v41;
	v56 =	vunpack.i.l.bf16.f32 v16;
	v16 =	vunpack.i.u.bf16.f32 v16  }
0x92: {  	v54 =	vld.idx.msk [tilespmem:v7+s26+$0x210 ss:$0x1], $0xffff;
	v57 =	vsel vm0, v9, v36;
	v9 =	vperm.xlane v9, v1;
	v15 =	vadd.f32 v15, v19  }
0x93: {  	v55 =	vld.idx.msk [tilespmem:v8+s26+$0x210 ss:$0x1], $0xffff;
	v42 =	vunpack.i.u.bf16.f32 v62;
	v19 =	vmul.bf16 v46, v44;
	v23 =	vadd.f32 v10, v23  }
0x94: {  	v44 =	vld.idx.msk [tilespmem:v7+s26+$0x250 ss:$0x1], $0xffff;
	v21 =	vmul.bf16 v49, v48;
	v10 =	vadd.f32 v11, v14;
	v14 =	vadd.f32 v24, v59  }
0x95: {  	v46 =	vld.idx.msk [tilespmem:v8+s26+$0x250 ss:$0x1], $0xffff;
	v12 =	vadd.f32 v28, v12;
	v26 =	vmul.bf16 v63, v61;
	v9 =	vsel vm0, v9, v13  }
0x96: {  	v11 =	vld.idx.msk [tilespmem:v8+s26+$0x1A0 ss:$0x1], $0xffff;
	v13 =	vadd.f32 v47, v45;
	v15 =	vadd.f32 v17, v15;
	v45 =	vunpack.i.u.bf16.f32 v19  }
0x97: {  	v24 =	vld.idx.msk [tilespmem:v8+s26+$0x1B0 ss:$0x1], $0xffff;
	v19 =	vunpack.i.l.bf16.f32 v19;
	v49 =	vunpack.i.u.bf16.f32 v21;
	v21 =	vunpack.i.l.bf16.f32 v21  }
0x98: {  	v28 =	vld.idx.msk [tilespmem:v7+s26+$0x200 ss:$0x1], $0xffff;
	v14 =	vadd.f32 v60, v14;
	v51 =	vperm.xlane v10, v0;
	v12 =	vadd.f32 v18, v12  }
0x99: {  	v61 =	vld.idx.msk [tilespmem:v7+s26+$0x230 ss:$0x1], $0xffff;
	v9 =	vadd.f32 v9, v57;
	v57 =	vunpack.i.l.bf16.f32 v53;
	v18 =	vunpack.i.u.bf16.f32 v53  }
0x9a: {  	v63 =	vld.idx.msk [tilespmem:v8+s26+$0x230 ss:$0x1], $0xffff;
	v40 =	vunpack.i.u.bf16.f32 v26;
	v26 =	vunpack.i.l.bf16.f32 v26;
	v13 =	vadd.f32 v50, v13  }
0x9b: {  	v32 =	vld.idx.msk [tilespmem:v7+s26+$0x2B0 ss:$0x1], $0xffff;
	v16 =	vadd.f32 v18, v16;
	v18 =	vunpack.i.l.bf16.f32 v62;
	v14 =	vadd.f32 v39, v14  }
0x9c: {  	v29 =	vld.idx.msk [tilespmem:v8+s26+$0x300 ss:$0x1], $0xffff;
	v30 =	vsel vm0, v23, v51;
	v23 =	vperm.xlane v23, v1;
	v25 =	vmul.bf16 v46, v44  }
0x9d: {  	v41 =	vld.idx.msk [tilespmem:v7+s26+$0x240 ss:$0x1], $0xffff;
	v18 =	vadd.f32 v18, v26;
	v11 =	vmul.bf16 v11, v58;
	v24 =	vmul.bf16 v24, v35  }
0x9e: {  	v43 =	vld.idx.msk [tilespmem:v8+s26+$0x240 ss:$0x1], $0xffff;
	v12 =	vadd.f32 v12, v13;
	v17 =	vmul.bf16 v52, v28;
	v13 =	vmul.bf16 v55, v54  }
0x9f: {  	v59 =	vld.idx.msk [tilespmem:v8+s26+$0x220 ss:$0x1], $0xffff;
	v27 =	vmul.bf16 v63, v61;
	v14 =	vadd.f32 v14, v15;
	v15 =	vadd.f32 v57, v56  }
0xa0: {  	v47 =	vld.idx.msk [tilespmem:v7+s26+$0x260 ss:$0x1], $0xffff;
	v18 =	vadd.f32 v19, v18;
	v10 =	vsel vm0, v23, v10;
	v60 =	vunpack.i.l.bf16.f32 v11  }
0xa1: {  	v50 =	vld.idx.msk [tilespmem:v8+s26+$0x260 ss:$0x1], $0xffff;
	v11 =	vunpack.i.u.bf16.f32 v11;
	v48 =	vunpack.i.u.bf16.f32 v24;
	v24 =	vunpack.i.l.bf16.f32 v24  }
0xa2: {  	v62 =	vld.idx.msk [tilespmem:v8+s26+$0x2A0 ss:$0x1], $0xffff;
	v53 =	vperm.xlane v12, v0;
	v28 =	vunpack.i.l.bf16.f32 v17;
	v55 =	vunpack.i.l.bf16.f32 v13  }
0xa3: {  	v51 =	vld.idx.msk [tilespmem:v7+s26+$0x270 ss:$0x1], $0xffff;
	v17 =	vunpack.i.u.bf16.f32 v17;
	v13 =	vunpack.i.u.bf16.f32 v13;
	v15 =	vadd.f32 v60, v15  }
0xa4: {  	v58 =	vld.idx.msk [tilespmem:v7+s26+$0x220 ss:$0x1], $0xffff;
	v61 =	vunpack.i.l.bf16.f32 v27;
	v11 =	vadd.f32 v11, v16;
	v16 =	vadd.f32 v42, v40  }
0xa5: {  	v52 =	vld.idx.msk [tilespmem:v8+s26+$0x270 ss:$0x1], $0xffff;
	v27 =	vunpack.i.u.bf16.f32 v27;
	v18 =	vadd.f32 v21, v18;
	v28 =	vadd.f32 v55, v28  }
0xa6: {  	v54 =	vld.idx.msk [tilespmem:v7+s26+$0x280 ss:$0x1], $0xffff;
	v13 =	vadd.f32 v13, v17;
	v60 =	vmul.bf16 v43, v41;
	v40 =	vunpack.i.u.bf16.f32 v25  }
0xa7: {  	v56 =	vld.idx.msk [tilespmem:v8+s26+$0x280 ss:$0x1], $0xffff;
	v25 =	vunpack.i.l.bf16.f32 v25;
	v19 =	vmul.bf16 v50, v47;
	v37 =	vperm.xlane v14, v1  }
0xa8: {  	v44 =	vld.idx.msk [tilespmem:v8+s26+$0x2C0 ss:$0x1], $0xffff;
	v26 =	vmul.bf16 v62, v31;
	v14 =	vsel vm0, v14, v53;
	v16 =	vadd.f32 v45, v16  }
0xa9: {  	v57 =	vld.idx.msk [tilespmem:v7+s26+$0x290 ss:$0x1], $0xffff;
	v15 =	vadd.f32 v24, v15;
	v11 =	vadd.f32 v48, v11;
	v22 =	vmul.bf16 v59, v58  }
0xaa: {  	v41 =	vld.idx.msk [tilespmem:v8+s26+$0x2B0 ss:$0x1], $0xffff;
	v63 =	vunpack.i.u.bf16.f32 v60;
	v43 =	vunpack.i.u.bf16.f32 v19;
	v19 =	vunpack.i.l.bf16.f32 v19  }
0xab: {  	v42 =	vld.idx.msk [tilespmem:v7+s26+$0x2C0 ss:$0x1], $0xffff;
	v20 =	vmul.bf16 v52, v51;
	v12 =	vsel vm0, v37, v12;
	v39 =	vunpack.i.u.bf16.f32 v26  }
0xac: {  	v62 =	vld.idx.msk [tilespmem:v7+s26+$0x320 ss:$0x1], $0xffff;
	v54 =	vmul.bf16 v56, v54;
	v16 =	vadd.f32 v49, v16;
	v58 =	vunpack.i.l.bf16.f32 v22  }
0xad: {  	v47 =	vld.idx.msk [tilespmem:v8+s26+$0x2D0 ss:$0x1], $0xffff;
	v22 =	vunpack.i.u.bf16.f32 v22;
	v46 =	vunpack.i.u.bf16.f32 v20;
	v11 =	vadd.f32 v15, v11  }
0xae: {  	v59 =	vld.idx.msk [tilespmem:v8+s26+$0x290 ss:$0x1], $0xffff;
	v20 =	vunpack.i.l.bf16.f32 v20;
	v17 =	vadd.f32 v58, v28;
	v13 =	vadd.f32 v22, v13  }
0xaf: {  	v45 =	vld.idx.msk [tilespmem:v7+s26+$0x2D0 ss:$0x1], $0xffff;
	v28 =	vunpack.i.l.bf16.f32 v60;
	v22 =	vadd.f32 v40, v63;
	v63 =	vunpack.i.l.bf16.f32 v26  }
0xb0: {  	v33 =	vld.idx.msk [tilespmem:v7+s26+$0x390 ss:$0x1], $0xffff;
	v37 =	vmul.bf16 v41, v32;
	v21 =	vmul.bf16 v44, v42;
	v16 =	vadd.f32 v18, v16  }
0xb1: {  	v51 =	vld.idx.msk [tilespmem:v8+s26+$0x2F0 ss:$0x1], $0xffff;
	v24 =	vmul.bf16 v38, v62;
	v25 =	vadd.f32 v25, v28;
	v17 =	vadd.f32 v61, v17  }
0xb2: {  	v15 =	vld.idx.msk [tilespmem:v8+s26+$0x2E0 ss:$0x1], $0xffff;
	v50 =	vperm.xlane v11, v1;
	v22 =	vadd.f32 v43, v22;
	v13 =	vadd.f32 v27, v13  }
0xb3: {  	v58 =	vld.idx.msk [tilespmem:v7+s26+$0x310 ss:$0x1], $0xffff;
	v55 =	vmul.bf16 v59, v57;
	v59 =	vunpack.i.l.bf16.f32 v54;
	v41 =	vunpack.i.l.bf16.f32 v37  }
0xb4: {  	v40 =	vld.idx.msk [tilespmem:v7+s26+$0x330 ss:$0x1], $0xffff;
	v43 =	vunpack.i.u.bf16.f32 v37;
	v44 =	vmul.bf16 v47, v45;
	v19 =	vadd.f32 v19, v25  }
0xb5: {  	v42 =	vld.idx.msk [tilespmem:v8+s26+$0x330 ss:$0x1], $0xffff;
	v34 =	vunpack.i.u.bf16.f32 v24;
	v48 =	vadd.f32 v46, v22;
	v17 =	vadd.f32 v17, v13  }
0xb6: {  	v27 =	vld.idx.msk [tilespmem:v7+s26+$0x300 ss:$0x1], $0xffff;
	v49 =	vperm.xlane v16, v0;
	v13 =	vadd.f32 v10, v30;
	v10 =	vadd.f32 v12, v14  }
0xb7: {  	v45 =	vld.idx.msk [tilespmem:v7+s26+$0x340 ss:$0x1], $0xffff;
	v12 =	vsel vm0, v50, v16;
	v60 =	vunpack.i.l.bf16.f32 v55;
	v16 =	vunpack.i.u.bf16.f32 v54  }
0xb8: {  	v47 =	vld.idx.msk [tilespmem:v8+s26+$0x340 ss:$0x1], $0xffff;
	v18 =	vunpack.i.u.bf16.f32 v55;
	v46 =	vunpack.i.u.bf16.f32 v21;
	v19 =	vadd.f32 v20, v19  }
0xb9: {  	v61 =	vld.idx.msk [tilespmem:v8+s26+$0x310 ss:$0x1], $0xffff;
	v11 =	vsel vm0, v11, v49;
	v23 =	vadd.f32 v60, v59;
	v16 =	vadd.f32 v18, v16  }
0xba: {  	v22 =	vld.idx.msk [tilespmem:v7+s26+$0x2E0 ss:$0x1], $0xffff;
	v21 =	vunpack.i.l.bf16.f32 v21;
	v11 =	vadd.f32 v12, v11;
	v19 =	vadd.f32 v19, v48  }
0xbb: {  	v62 =	vld.idx.msk [tilespmem:v8+s26+$0x380 ss:$0x1], $0xffff;
	v53 =	vperm.xlane v17, v1;
	v18 =	vadd.f32 v63, v23;
	v16 =	vadd.f32 v39, v16  }
0xbc: {  	v20 =	vld.idx.msk [tilespmem:v7+s26+$0x2F0 ss:$0x1], $0xffff;
	v48 =	vunpack.i.u.bf16.f32 v44;
	v27 =	vmul.bf16 v29, v27;
	v63 =	vunpack.i.l.bf16.f32 v24  }
0xbd: {  	v60 =	vld.idx.msk [tilespmem:v7+s26+$0x380 ss:$0x1], $0xffff;
	v23 =	vmul.bf16 v42, v40;
	v25 =	vmul.bf16 v47, v45;
	v50 =	vadd.f32 v48, v46  }
0xbe: {  	v35 =	vld.idx.msk [tilespmem:v8+s26+$0x390 ss:$0x1], $0xffff;
	v52 =	vperm.xlane v19, v0;
	v57 =	vsel vm0, v53, v19;
	v16 =	vadd.f32 v43, v16  }
0xbf: {  	v37 =	vld.idx.msk [tilespmem:v7+s26+$0x3A0 ss:$0x1], $0xffff;
	v15 =	vmul.bf16 v15, v22;
	v19 =	vmul.bf16 v61, v58;
	v59 =	vunpack.i.l.bf16.f32 v27  }
0xc0: {  	v55 =	vld.idx.msk [tilespmem:v8+s26+$0x360 ss:$0x1], $0xffff;
	v61 =	vunpack.i.u.bf16.f32 v27;
	v36 =	vunpack.i.l.bf16.f32 v23;
	v38 =	vunpack.i.u.bf16.f32 v23  }
0xc1: {  	v39 =	vld.idx.msk [tilespmem:v8+s26+$0x3A0 ss:$0x1], $0xffff;
	v40 =	vunpack.i.l.bf16.f32 v25;
	v25 =	vunpack.i.u.bf16.f32 v25;
	v14 =	vmul.bf16 v51, v20  }
0xc2: {  	v53 =	vld.idx.msk [tilespmem:v7+s26+$0x360 ss:$0x1], $0xffff;
	v27 =	vmul.bf16 v62, v60;
	v56 =	vsel vm0, v17, v52;
	v17 =	vadd.f32 v41, v18  }
0xc3: {  	v49 =	vld.idx.msk [tilespmem:v7+s26+$0x350 ss:$0x1], $0xffff;
	v18 =	vunpack.i.l.bf16.f32 v44;
	v52 =	vunpack.i.u.bf16.f32 v15;
	v15 =	vunpack.i.l.bf16.f32 v15  }
0xc4: {  	v51 =	vld.idx.msk [tilespmem:v8+s26+$0x350 ss:$0x1], $0xffff;
	v30 =	vunpack.i.l.bf16.f32 v19;
	v19 =	vunpack.i.u.bf16.f32 v19;
	v12 =	vadd.f32 v57, v56  }
0xc5: {  	v42 =	vld.idx.msk [tilespmem:v7+s26+$0x3C0 ss:$0x1], $0xffff;
	v18 =	vadd.f32 v18, v21;
	v54 =	vunpack.i.u.bf16.f32 v14;
	v14 =	vunpack.i.l.bf16.f32 v14  }
0xc6: {  	v45 =	vld.idx.msk [tilespmem:v7+s26+$0x3D0 ss:$0x1], $0xffff;
	v22 =	vmul.bf16 v39, v37;
	v16 =	vadd.f32 v17, v16;
	v17 =	vadd.f32 v52, v50  }
0xc7: {  	v58 =	vld.idx.msk [tilespmem:v8+s26+$0x370 ss:$0x1], $0xffff;
	v15 =	vadd.f32 v15, v18;
	v18 =	vadd.f32 v30, v59;
	v21 =	vmul.bf16 v55, v53  }
0xc8: {  	v56 =	vld.idx.msk [tilespmem:v7+s26+$0x370 ss:$0x1], $0xffff;
	v53 =	vunpack.i.u.bf16.f32 v27;
	v59 =	vunpack.i.u.bf16.f32 v22;
	v22 =	vunpack.i.l.bf16.f32 v22  }
0xc9: {  	v43 =	vld.idx.msk [tilespmem:v8+s26+$0x3C0 ss:$0x1], $0xffff;
	v57 =	vadd.f32 v54, v17;
	v20 =	vmul.bf16 v51, v49;
	v51 =	vmul.bf16 v35, v33  }
0xca: {  	v48 =	vld.idx.msk [tilespmem:v8+s26+$0x3D0 ss:$0x1], $0xffff;
	v54 =	vunpack.i.l.bf16.f32 v27;
	v33 =	vperm.xlane v13, v2;
	v14 =	vadd.f32 v14, v15  }
0xcb: {  	v50 =	vld.idx.msk [tilespmem:v7+s26+$0x3B0 ss:$0x1], $0xffff;
	v15 =	vadd.f32 v19, v61;
	v18 =	vadd.f32 v63, v18;
	v44 =	vunpack.i.l.bf16.f32 v21  }
0xcc: {  	v52 =	vld.idx.msk [tilespmem:v8+s26+$0x3B0 ss:$0x1], $0xffff;
	v46 =	vunpack.i.u.bf16.f32 v21;
	v41 =	vunpack.i.l.bf16.f32 v20;
	v20 =	vunpack.i.u.bf16.f32 v20  }
0xcd: {  	v17 =	vmul.bf16 v58, v56;
	v56 =	vunpack.i.u.bf16.f32 v51;
	v21 =	vunpack.i.l.bf16.f32 v51  }
0xce: {  	v58 =	vmul.bf16 v43, v42;
	v14 =	vadd.f32 v14, v57;
	v15 =	vadd.f32 v34, v15  }
0xcf: {  	v60 =	vld.idx.msk [tilespmem:v7+s26+$0x3F0 ss:$0x1], $0xffff;
	v43 =	vperm.xlane v16, v1;
	v18 =	vadd.f32 v36, v18;
	v30 =	vadd.f32 v41, v40  }
0xd0: {  	v55 =	vld.idx.msk [tilespmem:v7+s26+$0x3E0 ss:$0x1], $0xffff;
	v20 =	vadd.f32 v20, v25;
	v21 =	vadd.f32 v21, v54;
	v25 =	vmul.bf16 v48, v45  }
0xd1: {  	v57 =	vld.idx.msk [tilespmem:v8+s26+$0x3E0 ss:$0x1], $0xffff;
	v24 =	vmul.bf16 v52, v50;
	v49 =	vunpack.i.l.bf16.f32 v17;
	v17 =	vunpack.i.u.bf16.f32 v17  }
0xd2: {  	v63 =	vld.idx.msk [tilespmem:v8+s26+$0x3F0 ss:$0x1], $0xffff;
	v61 =	vunpack.i.l.bf16.f32 v58;
	v15 =	vadd.f32 v38, v15;
	v47 =	vadd.f32 v44, v30  }
0xd3: {  	v26 =	vunpack.i.u.bf16.f32 v58;
	v19 =	vadd.f32 v46, v20;
	v21 =	vadd.f32 v22, v21  }
0xd4: {  	v62 =	vunpack.i.l.bf16.f32 v25;
	v25 =	vunpack.i.u.bf16.f32 v25;
	v34 =	vunpack.i.l.bf16.f32 v24  }
0xd5: {  	v38 =	vsel vm1, v9, v33;
	v22 =	vadd.f32 v62, v61;
	v25 =	vadd.f32 v25, v26  }
0xd6: {  	v17 =	vadd.f32 v17, v19;
	v19 =	vadd.f32 v56, v53;
	v23 =	vmul.bf16 v57, v55  }
0xd7: {  	v37 =	vmul.bf16 v63, v60;
	v20 =	vadd.f32 v49, v47;
	v21 =	vadd.f32 v34, v21  }
0xd8: {  	v19 =	vadd.f32 v59, v19;
	v35 =	vunpack.i.u.bf16.f32 v23;
	v23 =	vunpack.i.l.bf16.f32 v23  }
0xd9: {  	v24 =	vunpack.i.u.bf16.f32 v24;
	v22 =	vadd.f32 v23, v22;
	v36 =	vadd.f32 v35, v25  }
0xda: {  	v39 =	vunpack.i.u.bf16.f32 v37;
	v19 =	vadd.f32 v24, v19;
	v25 =	vunpack.i.l.bf16.f32 v37  }
0xdb: {  	v9 =	vperm.xlane v9, v3;
	v40 =	vadd.f32 v25, v22;
	v41 =	vadd.f32 v39, v36  }
0xdc: {  	v42 =	vperm.xlane v14, v0;
	v15 =	vadd.f32 v18, v15;
	v17 =	vadd.f32 v20, v17  }
0xdd: {  	v9 =	vsel vm1, v9, v13;
	v19 =	vadd.f32 v21, v19;
	v13 =	vadd.f32 v40, v41  }
0xde: {  	v14 =	vsel vm0, v43, v14;
	v45 =	vperm.xlane v15, v1;
	v44 =	vperm.xlane v17, v0  }
0xdf: {  	v16 =	vsel vm0, v16, v42;
	v47 =	vperm.xlane v19, v1;
	v46 =	vperm.xlane v13, v0  }
0xe0: {  	v51 =	vperm.xlane v10, v3;
	v14 =	vadd.f32 v14, v16;
	v48 =	vsel vm0, v45, v17  }
0xe1: {  	v15 =	vsel vm0, v15, v44;
	v13 =	vsel vm0, v47, v13;
	v49 =	vsel vm0, v19, v46  }
0xe2: {  	v50 =	vperm.xlane v11, v2;
	v15 =	vadd.f32 v48, v15;
	v13 =	vadd.f32 v13, v49  }
0xe3: {  	v11 =	vsel vm1, v51, v11;
	v53 =	vperm.xlane v12, v3;
	v52 =	vperm.xlane v14, v2  }
0xe4: {  	v10 =	vsel vm1, v10, v50;
	v55 =	vperm.xlane v15, v3;
	v54 =	vperm.xlane v13, v2  }
0xe5: {  	v10 =	vadd.f32 v11, v10;
	v9 =	vadd.f32 v9, v38;
	v56 =	vsel vm1, v53, v14  }
0xe6: {  	v11 =	vsel vm1, v12, v52;
	v13 =	vsel vm1, v55, v13;
	v57 =	vsel vm1, v15, v54  }
0xe7: {  	v11 =	vadd.f32 v56, v11;
	v58 =	vadd.f32 v13, v57  }
0xe8: {  	v59 =	vperm.xlane v10, v4;
	v60 =	vperm.xlane v9, v5  }
0xe9: {  	v62 =	vperm.xlane v11, v5;
	v61 =	vperm.xlane v58, v4  }
0xea: {  	v9 =	vsel vm2, v9, v59  }
0xeb: {  	v10 =	vsel vm2, v60, v10;
	v12 =	vsel vm2, v62, v58;
	v11 =	vsel vm2, v11, v61  }
0xec: {  	v9 =	vadd.f32 v10, v9;
	v10 =	vadd.f32 v12, v11;
	_ =	sdelay $0x1  }
0xed: {  	v63 =	vperm.xlane v9, v6;
	v11 =	vperm.xlane v10, v6;
	_ =	sdelay $0x1  }
0xee: {  	v10 =	vsel vm3, v63, v10;
	v9 =	vsel vm3, v9, v11  }
0xef: {  	v9 =	vadd.f32 v10, v9;
	_ =	sdelay $0x1  }
0xf0: {  	v9 =	vsub.f32 $0.0e+00, v9;
	_ =	sdelay $0x1  }
0xf1: {  	v9 =	vmul.f32 $1.442695020e+00, v9;
	_ =	sdelay $0x1  }
0xf2: {  	(erf) = vpow2.f32 v9;
	_ =	sdelay $0x8  }
0xf3: {  	v9 =	vpop (erf)  }
0xf4: {  	v9 =	vadd.f32 $1.000000000e+00, v9;
	_ =	sdelay $0x1  }
0xf5: {  	(erf) = vrcp.f32 v9;
	_ =	sdelay $0x4  }
0xf6: {  	p1 =	sne.s32 s25, $0x7000  }
.Ltmp0:
0xf7: {  	_ = 	snop;
	(pc) =	sbr.rel @p1 .LBB2_3-.Ltmp0, $3  }
0xf8: {  	_ =	sdelay $0x1  }
0xf9: {  	v9 =	vpop (erf)  }
0xfa: {  	s25 =	sadd.s32 $0x1000, s25;
	[tilespmem:s22+$0x0] =	vst v9;
	s22 =	sadd.s32 $0x10, s22  }
0xfb: {  	s5 =	sshll.u32 s1, $0xC;
	s1 =	sadd.s32 $0x1, s1  }
0xfc: {  	p1 =	sne.s32 s1, s4  }
.Ltmp1:
0xfd: {  	_ = 	snop;
	(pc) =	sbr.rel @p1 .LBB2_2-.Ltmp1, $4  }
0xfe: {  	s5 =	sor.u32 s8, s5  }
0xff: {  	s9 =	sadd.s32 $0x7, s20;
	s31 =	sadd.s32 $0x80, s31;
	s5 =	sshrl.u32 s5, $0x3  }
0x100: {  	s29 =	sadd.s32 $0x2000, s29;
	s30 =	sadd.s32 $0x2000, s30;
	s5 =	sadd.s32 s0, s5  }
0x101: {  	[hbm4b:s5+s3] =	stream.linear.scatter [tilespmem:s24], [sflag:s9], $0x80, $0x38;
	[tilespmem:$0x160C0] =	vst v63  }
0x102: {  	_ =	swait.ge [sflag:s11], $0x80  }
0x103: {  	[sflag:s11] =	ssyncset.done $0x0  }
0x104: {  	s28 =	sadd.s32 $0x1, s28;
	[sflag:s11] =	ssyncadd.s32 $0xFFFFFF80  }
0x105: {  	p1 =	sne.s32 s28, s14;
	_ =	swait.ge [sflag:s12], $0x80  }
.Ltmp2:
0x106: {  	[sflag:s12] =	ssyncset.done $0x0;
	(pc) =	sbr.rel @p1 .LBB2_1-.Ltmp2, $4  }
0x107: {  	[sflag:s12] =	ssyncadd.s32 $0xFFFFFF80  }
0x108: {  	_ =	swait.ge [sflag:s13], $0x80  }
0x109: {  	[sflag:s13] =	ssyncset.done $0x0  }
0x10a: {  	[sflag:s13] =	ssyncadd.s32 $0xFFFFFF80  }
0x10b: {  	_ =	sfence.sel $0x180000  }
0x10c: {  	[bflag:$0x0] =	sbarrier.arrive $0xFFFF  }
0x10d: {  	_ =	strace $0x90000047  }
0x10e: {  	[bflag:$0x2] =	sbarrier.arrive $0xFFFF  }
0x10f: {  	s0 =	rddreg [dreg:$0x3]  }
0x110: {  	s0 =	sadd.s32 @!p0 $0x100000, s0  }
0x111: {  	[sflag:s0] =	ssyncadd.tile.s32 @!p0 $0x1;
	_ =	shalt  }
.Lfunc_end2:
_tile_overlayer_lowered:
.L_overlay_start_2:
0x112: {  	(tag) =	ssettag $0x2  }
0x113: {  	s0 =	rddreg [dreg:$0x0];
	s2 =	stileid.u32  }
0x114: {  	s1 =	rddreg [dreg:$0x1];
	p0 =	sne.s32 s2, $0x0  }
0x115: {  	s3 =	rddreg [dreg:$0x2];
	[bflag:$0x3] =	sbarrier.arrive $0xFFFF;
	s2 =	simm.s32 @!p0 $0x1C0A  }
0x116: {  	[timem:s3], [sflag:s2] =	dma.local @!p0 [hbm:s0], s1  }
0x117: {  	s0 =	simm.s32 @!p0 $0xA  }
0x118: {  	_ =	swait.ge @!p0 [sflag:s0], s1  }
0x119: {  	s1 =	ssub.s32 @!p0 $0x0, s1;
	[sflag:s0] =	ssyncset.done @!p0 $0x0  }
0x11a: {  	[sflag:s0] =	ssyncadd.s32 @!p0 s1  }
0x11b: {  	[bflag:$0x3] =	sbarrier.arrive $0xFFFF  }
0x11c: {  	_ =	shalt  }

</sc_bundles>
